<compile_context>
chip_gen: v7x
topology: tpu7x:2x2x1
jax: 0.10.2.dev20260603
libtpu: 0.0.44.dev20260713+nightly
codegen_flags: <defaults>
</compile_context>

<pallas_src>
import functools

import jax
import jax.numpy as jnp
import numpy as np
from jax import lax
from jax.experimental import pallas as pl
from jax.experimental.pallas import tpu as pltpu
from jax.experimental.pallas import tpu_sc as plsc

N = 10000
E = 320000
IN_DIM = 128
HEADS = 8
HID = 16
HD = HEADS * HID
AW = HD + 16
NEG_SLOPE = 0.01

NC = 2
NS = 16
NW = NC * NS
LANES = 16

_TC_BLK = 2000


def _pre_kernel(x_ref, wp_ref, wpp_ref, ac_ref, ws_ref,
                scat_ref, hp_ref, skip_ref):
    x = x_ref[...]
    h = jnp.dot(x, wp_ref[...], preferred_element_type=jnp.float32)
    scat_ref[...] = jnp.dot(h, ac_ref[...], preferred_element_type=jnp.float32)
    hp = jnp.dot(x, wpp_ref[...], preferred_element_type=jnp.float32)
    hp_ref[...] = hp.astype(jnp.bfloat16)
    skip_ref[...] = jnp.dot(x, ws_ref[...], preferred_element_type=jnp.float32)


def _merge_kernel(a0_ref, a1_ref, skip_ref, e8_ref, out_ref):
    a = a0_ref[0] + a1_ref[0]
    u = a[:, :HD]
    p = a[:, HD:HD + HEADS]
    r = 1.0 / (p + 1e-16)
    r128 = jnp.dot(r, e8_ref[...], preferred_element_type=jnp.float32)
    out_ref[...] = u * r128 + skip_ref[...]


def _make_sc_kernel(n_nodes, n_edges, blk):
    epw = n_edges // NW
    n_chunks = epw // blk
    rows_per_tile = n_nodes // NS
    n_win = pl.cdiv(n_nodes, blk)
    mesh = plsc.VectorSubcoreMesh(core_axis_name="c", subcore_axis_name="s")

    dnums = lax.GatherDimensionNumbers(
        offset_dims=(), collapsed_slice_dims=(0,), start_index_map=(0,))

    def lane_gather(v, idx):
        return lax.gather(v, idx.reshape(LANES, 1), dnums, (1,),
                          mode=lax.GatherScatterMode.PROMISE_IN_BOUNDS)

    @functools.partial(
        pl.kernel,
        out_type=jax.ShapeDtypeStruct((NC, n_nodes, AW), jnp.float32),
        mesh=mesh,
        compiler_params=pltpu.CompilerParams(
            use_tc_tiling_on_sc=False, needs_layout_passes=False),
        scratch_types=[
            pltpu.VMEM_SHARED((n_nodes, AW), jnp.float32),
            pltpu.VMEM((blk,), jnp.int32),
            pltpu.VMEM((blk,), jnp.int32),
            pltpu.VMEM((blk, LANES), jnp.float32),
            pltpu.VMEM((blk, LANES), jnp.float32),
            pltpu.VMEM((blk, HD), jnp.bfloat16),
            pltpu.VMEM((blk, AW), jnp.float32),
            pltpu.VMEM((blk,), jnp.int32),
            pltpu.VMEM((blk,), jnp.int32),
            pltpu.VMEM((blk,), jnp.int32),
            pltpu.VMEM((blk, LANES), jnp.float32),
            pltpu.VMEM((blk, LANES), jnp.float32),
            pltpu.VMEM((blk, HD), jnp.bfloat16),
            pltpu.VMEM((blk, AW), jnp.float32),
            pltpu.VMEM((blk,), jnp.int32),
            pltpu.SemaphoreType.DMA,
            pltpu.SemaphoreType.DMA,
            pltpu.SemaphoreType.DMA,
            pltpu.SemaphoreType.DMA,
            pltpu.SemaphoreType.DMA,
            pltpu.SemaphoreType.DMA,
            pltpu.SemaphoreType.DMA,
        ],
    )
    def sc_edge_pass(scat_hbm, hp_hbm, ei_hbm, out_hbm,
                     acc, srcb0, dstb0, sbuf0, dbuf0, hbuf0, stage0, sdst0,
                     srcb1, dstb1, sbuf1, dbuf1, hbuf1, stage1, sdst1,
                     sem_i0, sem_i1, sem_g0, sem_g1, sem_s0, sem_s1, sem_z):
        cid = lax.axis_index("c")
        sid = lax.axis_index("s")
        wid = cid * NS + sid

        lane_iota = lax.iota(jnp.int32, LANES)
        shift_idx = (lane_iota & 7) + 8
        head_idx = [jnp.full((LANES,), hh, jnp.int32) for hh in range(HEADS)]
        zero16 = jnp.zeros((LANES,), jnp.float32)

        sets = ((srcb0, dstb0, sbuf0, dbuf0, hbuf0, stage0, sdst0,
                 sem_i0, sem_g0, sem_s0),
                (srcb1, dstb1, sbuf1, dbuf1, hbuf1, stage1, sdst1,
                 sem_i1, sem_g1, sem_s1))

        @pl.loop(0, blk)
        def _(j):
            for col in range(AW // LANES):
                stage0[j, pl.ds(col * LANES, LANES)] = zero16

        nz = pl.cdiv(n_win, NS)
        for k in range(nz):
            w = sid + NS * k

            @pl.when(w < n_win)
            def _():
                pltpu.async_copy(stage0, acc.at[pl.ds(w * blk, blk)], sem_z)

        for k in range(nz):
            w = sid + NS * k

            @pl.when(w < n_win)
            def _():
                pltpu.make_async_copy(
                    stage0, acc.at[pl.ds(w * blk, blk)], sem_z).wait()

        plsc.subcore_barrier()

        def issue_idx(c, bs):
            base = wid * epw + c * blk
            pltpu.async_copy(ei_hbm.at[0].at[pl.ds(base, blk)], bs[0], bs[7])
            pltpu.async_copy(ei_hbm.at[1].at[pl.ds(base, blk)], bs[1], bs[7])

        def wait_idx(c, bs):
            base = wid * epw + c * blk
            pltpu.make_async_copy(
                ei_hbm.at[0].at[pl.ds(base, blk)], bs[0], bs[7]).wait()
            pltpu.make_async_copy(
                ei_hbm.at[1].at[pl.ds(base, blk)], bs[1], bs[7]).wait()

        def issue_gather(bs):
            pltpu.async_copy(scat_hbm.at[bs[0]], bs[2], bs[8])
            pltpu.async_copy(scat_hbm.at[bs[1]], bs[3], bs[8])
            pltpu.async_copy(hp_hbm.at[bs[0]], bs[4], bs[8])

        def wait_gather(bs):
            pltpu.make_async_copy(scat_hbm.at[bs[0]], bs[2], bs[8]).wait()
            pltpu.make_async_copy(scat_hbm.at[bs[1]], bs[3], bs[8]).wait()
            pltpu.make_async_copy(hp_hbm.at[bs[0]], bs[4], bs[8]).wait()

        def compute(bs):
            sb, db, hb, st = bs[2], bs[3], bs[4], bs[5]

            @plsc.parallel_loop(0, blk, unroll=4)
            def _(j):
                rs = sb[j, :]
                rd = db[j, :]
                sd = lane_gather(rd, shift_idx)
                e = rs + sd
                e = jnp.where(e >= 0.0, e, e * NEG_SLOPE)
                p = jnp.exp(e)
                st[j, pl.ds(HD, LANES)] = p
                for a in range(HEADS // 2):
                    v = hb[j, pl.ds(32 * a, 32)]
                    va, vb = plsc.unpack(
                        v, format=plsc.PackFormat.INTERLEAVED,
                        preferred_element_type=jnp.float32)
                    pva = lane_gather(p, head_idx[2 * a])
                    pvb = lane_gather(p, head_idx[2 * a + 1])
                    st[j, pl.ds(32 * a, LANES)] = va * pva
                    st[j, pl.ds(32 * a + LANES, LANES)] = vb * pvb

        def issue_scatter(bs):
            pltpu.async_copy(bs[5], acc.at[bs[6]], bs[9], add=True)

        def wait_scatter(bs):
            pltpu.make_async_copy(bs[5], acc.at[bs[6]], bs[9]).wait()

        def body(cc, k):
            bs = sets[k]
            other = sets[1 - k]

            @pl.when(cc + 1 < n_chunks)
            def _():
                wait_idx(cc + 1, other)
                issue_gather(other)

            wait_gather(bs)

            @pl.when(cc >= 2)
            def _():
                wait_scatter(bs)

            for off in range(0, blk, LANES):
                bs[6][pl.ds(off, LANES)] = bs[1][pl.ds(off, LANES)]
            compute(bs)
            issue_scatter(bs)

            @pl.when(cc + 2 < n_chunks)
            def _():
                issue_idx(cc + 2, bs)

        assert n_chunks % 2 == 1
        issue_idx(0, sets[0])
        wait_idx(0, sets[0])
        issue_gather(sets[0])
        issue_idx(1, sets[1])

        @pl.loop(0, n_chunks - 1, step=2)
        def _(c):
            body(c, 0)
            body(c + 1, 1)

        body(jnp.int32(n_chunks - 1), 0)

        for k in range(2):
            wait_scatter(sets[k])

        plsc.subcore_barrier()

        r0 = sid * rows_per_tile
        pltpu.sync_copy(acc.at[pl.ds(r0, rows_per_tile)],
                        out_hbm.at[cid].at[pl.ds(r0, rows_per_tile)])

    return sc_edge_pass


_SC_BLK = 80


def _perm_matrix():
    perm = np.zeros((HD, HD), np.float32)
    for a in range(HEADS // 2):
        for i in range(HID):
            perm[32 * a + i, 32 * a + 2 * i] = 1.0
            perm[32 * a + 16 + i, 32 * a + 2 * i + 1] = 1.0
    return perm


def kernel(x, edge_index, W_proj, att_e, W_skip):
    num_nodes = x.shape[0]

    wp_t = W_proj.T
    ws_t = W_skip.T
    wpp = wp_t @ jnp.asarray(_perm_matrix())
    a_src = att_e[0, :, :HID]
    a_dst = att_e[0, :, HID:]
    eye8 = jnp.eye(HEADS, dtype=jnp.float32)
    a_cat = jnp.concatenate(
        [
            (eye8[:, None, :] * a_src[:, :, None]).reshape(HD, HEADS),
            (eye8[:, None, :] * a_dst[:, :, None]).reshape(HD, HEADS),
        ],
        axis=1,
    )

    scat, hp, skip = pl.pallas_call(
        _pre_kernel,
        grid=(num_nodes // _TC_BLK,),
        in_specs=[
            pl.BlockSpec((_TC_BLK, IN_DIM), lambda i: (i, 0)),
            pl.BlockSpec((IN_DIM, HD), lambda i: (0, 0)),
            pl.BlockSpec((IN_DIM, HD), lambda i: (0, 0)),
            pl.BlockSpec((HD, 2 * HEADS), lambda i: (0, 0)),
            pl.BlockSpec((IN_DIM, HD), lambda i: (0, 0)),
        ],
        out_specs=[
            pl.BlockSpec((_TC_BLK, 2 * HEADS), lambda i: (i, 0)),
            pl.BlockSpec((_TC_BLK, HD), lambda i: (i, 0)),
            pl.BlockSpec((_TC_BLK, HD), lambda i: (i, 0)),
        ],
        out_shape=[
            jax.ShapeDtypeStruct((num_nodes, 2 * HEADS), jnp.float32),
            jax.ShapeDtypeStruct((num_nodes, HD), jnp.bfloat16),
            jax.ShapeDtypeStruct((num_nodes, HD), jnp.float32),
        ],
    )(x, wp_t, wpp, a_cat, ws_t)

    sc = _make_sc_kernel(num_nodes, E, _SC_BLK)
    acc = sc(scat, hp, edge_index)

    e8 = jnp.asarray(np.repeat(np.eye(HEADS, dtype=np.float32), HID, axis=1))

    out = pl.pallas_call(
        _merge_kernel,
        grid=(num_nodes // _TC_BLK,),
        in_specs=[
            pl.BlockSpec((1, _TC_BLK, AW), lambda i: (0, i, 0)),
            pl.BlockSpec((1, _TC_BLK, AW), lambda i: (1, i, 0)),
            pl.BlockSpec((_TC_BLK, HD), lambda i: (i, 0)),
            pl.BlockSpec((HEADS, HD), lambda i: (0, 0)),
        ],
        out_specs=pl.BlockSpec((_TC_BLK, HD), lambda i: (i, 0)),
        out_shape=jax.ShapeDtypeStruct((num_nodes, HD), jnp.float32),
    )(acc, acc, skip, e8)

    return out

# --- scband reference (transcript-rebuilt; emitter-appended) ---
"""Pipeline reference for scband-multi-head-attention-47931835023953 (READ-ONLY COPY).

The authoritative reference and input builder live on the scoring server;
editing this copy changes nothing except your own understanding.
"""

import jax, jax.numpy as jnp
import numpy as np

N = 10000
E = 320000
IN_DIM = 128
HEADS = 8
HID = 16
NEG_SLOPE = 0.01


def setup_inputs(seed: int = 0) -> dict:
    key = jax.random.key(seed)
    k1, k2, k3, k4, k5 = jax.random.split(key, 5)
    x = jax.random.normal(k1, (N, IN_DIM), dtype=jnp.float32)
    edge_index = jax.random.randint(k2, (2, E), 0, N, dtype=jnp.int32)
    # Xavier-uniform init, torch Linear weight layout [out_features, in_features]
    s_proj = float(np.sqrt(6.0 / (IN_DIM + HEADS * HID)))
    W_proj = jax.random.uniform(k3, (HEADS * HID, IN_DIM), minval=-s_proj, maxval=s_proj, dtype=jnp.float32)
    s_att = float(np.sqrt(6.0 / (1 + 2 * HID)))
    att_e = jax.random.uniform(k4, (1, HEADS, 2 * HID), minval=-s_att, maxval=s_att, dtype=jnp.float32)
    W_skip = jax.random.uniform(k5, (HEADS * HID, IN_DIM), minval=-s_proj, maxval=s_proj, dtype=jnp.float32)
    return {"x": x, "edge_index": edge_index, "W_proj": W_proj, "att_e": att_e, "W_skip": W_skip}


def reference(x, edge_index, W_proj, att_e, W_skip):
    num_nodes = x.shape[0]
    h = x @ W_proj.T                     # [N, H*D]
    h = h.reshape(num_nodes, HEADS, HID)  # [N, H, D]
    src = edge_index[0]
    dst = edge_index[1]
    h_src = jnp.take(h, src, axis=0)     # [E, H, D] gather
    h_dst = jnp.take(h, dst, axis=0)     # [E, H, D] gather
    concat_h = jnp.concatenate([h_src, h_dst], axis=-1)  # [E, H, 2D]
    e = jnp.sum(concat_h * att_e, axis=-1)               # [E, H]
    e = jax.nn.leaky_relu(e, negative_slope=NEG_SLOPE)
    # scatter-softmax over destination nodes
    e_max = jax.ops.segment_max(e, dst, num_segments=num_nodes)   # [N, H]
    e_exp = jnp.exp(e - jnp.take(e_max, dst, axis=0))
    denom = jax.ops.segment_sum(e_exp, dst, num_segments=num_nodes)  # [N, H]
    alpha = e_exp / (jnp.take(denom, dst, axis=0) + 1e-16)           # [E, H]
    # scatter-add aggregation
    h_prime = jax.ops.segment_sum(alpha[..., None] * h_src, dst, num_segments=num_nodes)  # [N, H, D]
    skip = (x @ W_skip.T).reshape(num_nodes, HEADS, HID)
    h_prime = h_prime + skip
    return h_prime.reshape(num_nodes, HEADS * HID)

if __name__ == "__main__":
    import jax
    _d = setup_inputs()
    print(jax.jit(kernel)(*tuple(_d.values())))

</pallas_src>

<mosaic_0001>
#map = affine_map<(d0, d1) -> (0, 0)>
#map1 = affine_map<(d0, d1) -> (0, 0, 0)>
module attributes {stable_mosaic.version = 14 : i64} {
  func.func @sc_edge_pass(%arg0: i32, %arg1: i32, %arg2: memref<10000x16xf32, #tpu.memory_space<hbm>>, %arg3: memref<10000x128xbf16, #tpu.memory_space<hbm>>, %arg4: memref<2x320000xi32, #tpu.memory_space<hbm>>, %arg5: memref<2x10000x144xf32, #tpu.memory_space<hbm>>, %arg6: memref<10000x144xf32, #tpu.memory_space<vmem_shared>>, %arg7: memref<80xi32, #tpu.memory_space<vmem>>, %arg8: memref<80xi32, #tpu.memory_space<vmem>>, %arg9: memref<80x16xf32, #tpu.memory_space<vmem>>, %arg10: memref<80x16xf32, #tpu.memory_space<vmem>>, %arg11: memref<80x128xbf16, #tpu.memory_space<vmem>>, %arg12: memref<80x144xf32, #tpu.memory_space<vmem>>, %arg13: memref<80xi32, #tpu.memory_space<vmem>>, %arg14: memref<80xi32, #tpu.memory_space<vmem>>, %arg15: memref<80xi32, #tpu.memory_space<vmem>>, %arg16: memref<80x16xf32, #tpu.memory_space<vmem>>, %arg17: memref<80x16xf32, #tpu.memory_space<vmem>>, %arg18: memref<80x128xbf16, #tpu.memory_space<vmem>>, %arg19: memref<80x144xf32, #tpu.memory_space<vmem>>, %arg20: memref<80xi32, #tpu.memory_space<vmem>>, %arg21: memref<!tpu.dma_semaphore, #tpu.memory_space<semaphore_mem>>, %arg22: memref<!tpu.dma_semaphore, #tpu.memory_space<semaphore_mem>>, %arg23: memref<!tpu.dma_semaphore, #tpu.memory_space<semaphore_mem>>, %arg24: memref<!tpu.dma_semaphore, #tpu.memory_space<semaphore_mem>>, %arg25: memref<!tpu.dma_semaphore, #tpu.memory_space<semaphore_mem>>, %arg26: memref<!tpu.dma_semaphore, #tpu.memory_space<semaphore_mem>>, %arg27: memref<!tpu.dma_semaphore, #tpu.memory_space<semaphore_mem>>) attributes {dimension_semantics = [#tpu.dimension_semantics<core_parallel>, #tpu.dimension_semantics<subcore_parallel>], iteration_bounds = array<i64: 2, 16>, scalar_prefetch = 0 : i64, scratch_operands = 22 : i64, tpu.core_type = #tpu.core_type<sc_vector_subcore>, window_params = [{transform_indices = #map}, {transform_indices = #map}, {transform_indices = #map}, {transform_indices = #map1}]} {
    %mul3A = arith.constant 16 : i32
    %mul3A_0 = arith.muli %arg0, %mul3A : i32
    %add3A = arith.addi %mul3A_0, %arg1 : i32
    %iota3A = tpu.iota {dimensions = array<i32: 0>} : vector<16xi32>
    %and3A = arith.constant 7 : i32
    %and3A_1 = vector.broadcast %and3A : i32 to vector<16xi32>
    %and3A_2 = arith.andi %iota3A, %and3A_1 : vector<16xi32>
    %add3A_3 = arith.constant 8 : i32
    %add3A_4 = vector.broadcast %add3A_3 : i32 to vector<16xi32>
    %add3A_5 = arith.addi %and3A_2, %add3A_4 : vector<16xi32>
    %broadcast_in_dim3A = arith.constant 0 : i32
    %broadcast_in_dim3A_6 = vector.broadcast %broadcast_in_dim3A : i32 to vector<16xi32>
    %broadcast_in_dim3A_7 = arith.constant 1 : i32
    %broadcast_in_dim3A_8 = vector.broadcast %broadcast_in_dim3A_7 : i32 to vector<16xi32>
    %broadcast_in_dim3A_9 = arith.constant 2 : i32
    %broadcast_in_dim3A_10 = vector.broadcast %broadcast_in_dim3A_9 : i32 to vector<16xi32>
    %broadcast_in_dim3A_11 = arith.constant 3 : i32
    %broadcast_in_dim3A_12 = vector.broadcast %broadcast_in_dim3A_11 : i32 to vector<16xi32>
    %broadcast_in_dim3A_13 = arith.constant 4 : i32
    %broadcast_in_dim3A_14 = vector.broadcast %broadcast_in_dim3A_13 : i32 to vector<16xi32>
    %broadcast_in_dim3A_15 = arith.constant 5 : i32
    %broadcast_in_dim3A_16 = vector.broadcast %broadcast_in_dim3A_15 : i32 to vector<16xi32>
    %broadcast_in_dim3A_17 = arith.constant 6 : i32
    %broadcast_in_dim3A_18 = vector.broadcast %broadcast_in_dim3A_17 : i32 to vector<16xi32>
    %broadcast_in_dim3A_19 = arith.constant 7 : i32
    %broadcast_in_dim3A_20 = vector.broadcast %broadcast_in_dim3A_19 : i32 to vector<16xi32>
    %broadcast_in_dim3A_21 = arith.constant 0.000000e+00 : f32
    %broadcast_in_dim3A_22 = vector.broadcast %broadcast_in_dim3A_21 : f32 to vector<16xf32>
    %scan3A = arith.constant 0 : i32
    %scan3A_23 = arith.constant 80 : i32
    %scan3A_24 = arith.addi %scan3A, %scan3A_23 : i32
    %scan3A_25 = arith.constant 1 : i32
    scf.for %scan3A_278 = %scan3A to %scan3A_24 step %scan3A_25  : i32 {
      %mul3A_279 = arith.constant 1 : i32
      %mul3A_280 = arith.muli %scan3A_278, %mul3A_279 : i32
      %add3A_281 = arith.constant 0 : i32
      %add3A_282 = arith.addi %add3A_281, %mul3A_280 : i32
      %swap3A_283 = arith.index_cast %add3A_282 : i32 to index
      %swap3A_284 = arith.constant 0 : index
      %swap3A_285 = tpu.vector_load %arg12[%swap3A_283, %swap3A_284] {strides = array<i32>} : memref<80x144xf32, #tpu.memory_space<vmem>>, vector<16xf32>,
      tpu.vector_store %arg12[%swap3A_283, %swap3A_284], %broadcast_in_dim3A_22 {strides = array<i32>} : memref<80x144xf32, #tpu.memory_space<vmem>>, vector<16xf32>,
      %swap3A_286 = arith.index_cast %add3A_282 : i32 to index
      %swap3A_287 = arith.constant 16 : index
      %swap3A_288 = tpu.vector_load %arg12[%swap3A_286, %swap3A_287] {strides = array<i32>} : memref<80x144xf32, #tpu.memory_space<vmem>>, vector<16xf32>,
      tpu.vector_store %arg12[%swap3A_286, %swap3A_287], %broadcast_in_dim3A_22 {strides = array<i32>} : memref<80x144xf32, #tpu.memory_space<vmem>>, vector<16xf32>,
      %swap3A_289 = arith.index_cast %add3A_282 : i32 to index
      %swap3A_290 = arith.constant 32 : index
      %swap3A_291 = tpu.vector_load %arg12[%swap3A_289, %swap3A_290] {strides = array<i32>} : memref<80x144xf32, #tpu.memory_space<vmem>>, vector<16xf32>,
      tpu.vector_store %arg12[%swap3A_289, %swap3A_290], %broadcast_in_dim3A_22 {strides = array<i32>} : memref<80x144xf32, #tpu.memory_space<vmem>>, vector<16xf32>,
      %swap3A_292 = arith.index_cast %add3A_282 : i32 to index
      %swap3A_293 = arith.constant 48 : index
      %swap3A_294 = tpu.vector_load %arg12[%swap3A_292, %swap3A_293] {strides = array<i32>} : memref<80x144xf32, #tpu.memory_space<vmem>>, vector<16xf32>,
      tpu.vector_store %arg12[%swap3A_292, %swap3A_293], %broadcast_in_dim3A_22 {strides = array<i32>} : memref<80x144xf32, #tpu.memory_space<vmem>>, vector<16xf32>,
      %swap3A_295 = arith.index_cast %add3A_282 : i32 to index
      %swap3A_296 = arith.constant 64 : index
      %swap3A_297 = tpu.vector_load %arg12[%swap3A_295, %swap3A_296] {strides = array<i32>} : memref<80x144xf32, #tpu.memory_space<vmem>>, vector<16xf32>,
      tpu.vector_store %arg12[%swap3A_295, %swap3A_296], %broadcast_in_dim3A_22 {strides = array<i32>} : memref<80x144xf32, #tpu.memory_space<vmem>>, vector<16xf32>,
      %swap3A_298 = arith.index_cast %add3A_282 : i32 to index
      %swap3A_299 = arith.constant 80 : index
      %swap3A_300 = tpu.vector_load %arg12[%swap3A_298, %swap3A_299] {strides = array<i32>} : memref<80x144xf32, #tpu.memory_space<vmem>>, vector<16xf32>,
      tpu.vector_store %arg12[%swap3A_298, %swap3A_299], %broadcast_in_dim3A_22 {strides = array<i32>} : memref<80x144xf32, #tpu.memory_space<vmem>>, vector<16xf32>,
      %swap3A_301 = arith.index_cast %add3A_282 : i32 to index
      %swap3A_302 = arith.constant 96 : index
      %swap3A_303 = tpu.vector_load %arg12[%swap3A_301, %swap3A_302] {strides = array<i32>} : memref<80x144xf32, #tpu.memory_space<vmem>>, vector<16xf32>,
      tpu.vector_store %arg12[%swap3A_301, %swap3A_302], %broadcast_in_dim3A_22 {strides = array<i32>} : memref<80x144xf32, #tpu.memory_space<vmem>>, vector<16xf32>,
      %swap3A_304 = arith.index_cast %add3A_282 : i32 to index
      %swap3A_305 = arith.constant 112 : index
      %swap3A_306 = tpu.vector_load %arg12[%swap3A_304, %swap3A_305] {strides = array<i32>} : memref<80x144xf32, #tpu.memory_space<vmem>>, vector<16xf32>,
      tpu.vector_store %arg12[%swap3A_304, %swap3A_305], %broadcast_in_dim3A_22 {strides = array<i32>} : memref<80x144xf32, #tpu.memory_space<vmem>>, vector<16xf32>,
      %swap3A_307 = arith.index_cast %add3A_282 : i32 to index
      %swap3A_308 = arith.constant 128 : index
      %swap3A_309 = tpu.vector_load %arg12[%swap3A_307, %swap3A_308] {strides = array<i32>} : memref<80x144xf32, #tpu.memory_space<vmem>>, vector<16xf32>,
      tpu.vector_store %arg12[%swap3A_307, %swap3A_308], %broadcast_in_dim3A_22 {strides = array<i32>} : memref<80x144xf32, #tpu.memory_space<vmem>>, vector<16xf32>,
    }
    %scan3A_26 = arith.constant 80 : i32
    %add3A_27 = arith.constant 0 : i32
    %add3A_28 = arith.addi %arg1, %add3A_27 : i32
    %lt3A = arith.constant 125 : i32
    %lt3A_29 = arith.cmpi slt, %add3A_28, %lt3A : i32
    %convert_element_type3A = arith.extui %lt3A_29 : i1 to i32
    %cond3A = arith.constant 0 : i32
    %cond3A_30 = arith.cmpi ne, %convert_element_type3A, %cond3A : i32
    scf.if %cond3A_30 {
      %mul3A_278 = arith.constant 80 : i32
      %mul3A_279 = arith.muli %add3A_28, %mul3A_278 : i32
      %dma_start3A_280 = arith.constant 0 : i32
      %dma_start3A_281 = tpu.memref_slice %arg6[%mul3A_279, %dma_start3A_280] : memref<10000x144xf32, #tpu.memory_space<vmem_shared>> -> memref<80x144xf32, #tpu.memory_space<vmem_shared>>
      %dma_start3A_282 = arith.constant 0 : i32
      %dma_start3A_283 = tpu.memref_slice %arg6[%mul3A_279, %dma_start3A_282] : memref<10000x144xf32, #tpu.memory_space<vmem_shared>> -> memref<80x144xf32, #tpu.memory_space<vmem_shared>>
      tpu.enqueue_dma source(%arg12 : memref<80x144xf32, #tpu.memory_space<vmem>>) target(%dma_start3A_283 : memref<80x144xf32, #tpu.memory_space<vmem_shared>>) target_semaphore(%arg27 : memref<!tpu.dma_semaphore, #tpu.memory_space<semaphore_mem>>)
    } else {
    }
    %add3A_31 = arith.constant 16 : i32
    %add3A_32 = arith.addi %arg1, %add3A_31 : i32
    %lt3A_33 = arith.constant 125 : i32
    %lt3A_34 = arith.cmpi slt, %add3A_32, %lt3A_33 : i32
    %convert_element_type3A_35 = arith.extui %lt3A_34 : i1 to i32
    %cond3A_36 = arith.constant 0 : i32
    %cond3A_37 = arith.cmpi ne, %convert_element_type3A_35, %cond3A_36 : i32
    scf.if %cond3A_37 {
      %mul3A_278 = arith.constant 80 : i32
      %mul3A_279 = arith.muli %add3A_32, %mul3A_278 : i32
      %dma_start3A_280 = arith.constant 0 : i32
      %dma_start3A_281 = tpu.memref_slice %arg6[%mul3A_279, %dma_start3A_280] : memref<10000x144xf32, #tpu.memory_space<vmem_shared>> -> memref<80x144xf32, #tpu.memory_space<vmem_shared>>
      %dma_start3A_282 = arith.constant 0 : i32
      %dma_start3A_283 = tpu.memref_slice %arg6[%mul3A_279, %dma_start3A_282] : memref<10000x144xf32, #tpu.memory_space<vmem_shared>> -> memref<80x144xf32, #tpu.memory_space<vmem_shared>>
      tpu.enqueue_dma source(%arg12 : memref<80x144xf32, #tpu.memory_space<vmem>>) target(%dma_start3A_283 : memref<80x144xf32, #tpu.memory_space<vmem_shared>>) target_semaphore(%arg27 : memref<!tpu.dma_semaphore, #tpu.memory_space<semaphore_mem>>)
    } else {
    }
    %add3A_38 = arith.constant 32 : i32
    %add3A_39 = arith.addi %arg1, %add3A_38 : i32
    %lt3A_40 = arith.constant 125 : i32
    %lt3A_41 = arith.cmpi slt, %add3A_39, %lt3A_40 : i32
    %convert_element_type3A_42 = arith.extui %lt3A_41 : i1 to i32
    %cond3A_43 = arith.constant 0 : i32
    %cond3A_44 = arith.cmpi ne, %convert_element_type3A_42, %cond3A_43 : i32
    scf.if %cond3A_44 {
      %mul3A_278 = arith.constant 80 : i32
      %mul3A_279 = arith.muli %add3A_39, %mul3A_278 : i32
      %dma_start3A_280 = arith.constant 0 : i32
      %dma_start3A_281 = tpu.memref_slice %arg6[%mul3A_279, %dma_start3A_280] : memref<10000x144xf32, #tpu.memory_space<vmem_shared>> -> memref<80x144xf32, #tpu.memory_space<vmem_shared>>
      %dma_start3A_282 = arith.constant 0 : i32
      %dma_start3A_283 = tpu.memref_slice %arg6[%mul3A_279, %dma_start3A_282] : memref<10000x144xf32, #tpu.memory_space<vmem_shared>> -> memref<80x144xf32, #tpu.memory_space<vmem_shared>>
      tpu.enqueue_dma source(%arg12 : memref<80x144xf32, #tpu.memory_space<vmem>>) target(%dma_start3A_283 : memref<80x144xf32, #tpu.memory_space<vmem_shared>>) target_semaphore(%arg27 : memref<!tpu.dma_semaphore, #tpu.memory_space<semaphore_mem>>)
    } else {
    }
    %add3A_45 = arith.constant 48 : i32
    %add3A_46 = arith.addi %arg1, %add3A_45 : i32
    %lt3A_47 = arith.constant 125 : i32
    %lt3A_48 = arith.cmpi slt, %add3A_46, %lt3A_47 : i32
    %convert_element_type3A_49 = arith.extui %lt3A_48 : i1 to i32
    %cond3A_50 = arith.constant 0 : i32
    %cond3A_51 = arith.cmpi ne, %convert_element_type3A_49, %cond3A_50 : i32
    scf.if %cond3A_51 {
      %mul3A_278 = arith.constant 80 : i32
      %mul3A_279 = arith.muli %add3A_46, %mul3A_278 : i32
      %dma_start3A_280 = arith.constant 0 : i32
      %dma_start3A_281 = tpu.memref_slice %arg6[%mul3A_279, %dma_start3A_280] : memref<10000x144xf32, #tpu.memory_space<vmem_shared>> -> memref<80x144xf32, #tpu.memory_space<vmem_shared>>
      %dma_start3A_282 = arith.constant 0 : i32
      %dma_start3A_283 = tpu.memref_slice %arg6[%mul3A_279, %dma_start3A_282] : memref<10000x144xf32, #tpu.memory_space<vmem_shared>> -> memref<80x144xf32, #tpu.memory_space<vmem_shared>>
      tpu.enqueue_dma source(%arg12 : memref<80x144xf32, #tpu.memory_space<vmem>>) target(%dma_start3A_283 : memref<80x144xf32, #tpu.memory_space<vmem_shared>>) target_semaphore(%arg27 : memref<!tpu.dma_semaphore, #tpu.memory_space<semaphore_mem>>)
    } else {
    }
    %add3A_52 = arith.constant 64 : i32
    %add3A_53 = arith.addi %arg1, %add3A_52 : i32
    %lt3A_54 = arith.constant 125 : i32
    %lt3A_55 = arith.cmpi slt, %add3A_53, %lt3A_54 : i32
    %convert_element_type3A_56 = arith.extui %lt3A_55 : i1 to i32
    %cond3A_57 = arith.constant 0 : i32
    %cond3A_58 = arith.cmpi ne, %convert_element_type3A_56, %cond3A_57 : i32
    scf.if %cond3A_58 {
      %mul3A_278 = arith.constant 80 : i32
      %mul3A_279 = arith.muli %add3A_53, %mul3A_278 : i32
      %dma_start3A_280 = arith.constant 0 : i32
      %dma_start3A_281 = tpu.memref_slice %arg6[%mul3A_279, %dma_start3A_280] : memref<10000x144xf32, #tpu.memory_space<vmem_shared>> -> memref<80x144xf32, #tpu.memory_space<vmem_shared>>
      %dma_start3A_282 = arith.constant 0 : i32
      %dma_start3A_283 = tpu.memref_slice %arg6[%mul3A_279, %dma_start3A_282] : memref<10000x144xf32, #tpu.memory_space<vmem_shared>> -> memref<80x144xf32, #tpu.memory_space<vmem_shared>>
      tpu.enqueue_dma source(%arg12 : memref<80x144xf32, #tpu.memory_space<vmem>>) target(%dma_start3A_283 : memref<80x144xf32, #tpu.memory_space<vmem_shared>>) target_semaphore(%arg27 : memref<!tpu.dma_semaphore, #tpu.memory_space<semaphore_mem>>)
    } else {
    }
    %add3A_59 = arith.constant 80 : i32
    %add3A_60 = arith.addi %arg1, %add3A_59 : i32
    %lt3A_61 = arith.constant 125 : i32
    %lt3A_62 = arith.cmpi slt, %add3A_60, %lt3A_61 : i32
    %convert_element_type3A_63 = arith.extui %lt3A_62 : i1 to i32
    %cond3A_64 = arith.constant 0 : i32
    %cond3A_65 = arith.cmpi ne, %convert_element_type3A_63, %cond3A_64 : i32
    scf.if %cond3A_65 {
      %mul3A_278 = arith.constant 80 : i32
      %mul3A_279 = arith.muli %add3A_60, %mul3A_278 : i32
      %dma_start3A_280 = arith.constant 0 : i32
      %dma_start3A_281 = tpu.memref_slice %arg6[%mul3A_279, %dma_start3A_280] : memref<10000x144xf32, #tpu.memory_space<vmem_shared>> -> memref<80x144xf32, #tpu.memory_space<vmem_shared>>
      %dma_start3A_282 = arith.constant 0 : i32
      %dma_start3A_283 = tpu.memref_slice %arg6[%mul3A_279, %dma_start3A_282] : memref<10000x144xf32, #tpu.memory_space<vmem_shared>> -> memref<80x144xf32, #tpu.memory_space<vmem_shared>>
      tpu.enqueue_dma source(%arg12 : memref<80x144xf32, #tpu.memory_space<vmem>>) target(%dma_start3A_283 : memref<80x144xf32, #tpu.memory_space<vmem_shared>>) target_semaphore(%arg27 : memref<!tpu.dma_semaphore, #tpu.memory_space<semaphore_mem>>)
    } else {
    }
    %add3A_66 = arith.constant 96 : i32
    %add3A_67 = arith.addi %arg1, %add3A_66 : i32
    %lt3A_68 = arith.constant 125 : i32
    %lt3A_69 = arith.cmpi slt, %add3A_67, %lt3A_68 : i32
    %convert_element_type3A_70 = arith.extui %lt3A_69 : i1 to i32
    %cond3A_71 = arith.constant 0 : i32
    %cond3A_72 = arith.cmpi ne, %convert_element_type3A_70, %cond3A_71 : i32
    scf.if %cond3A_72 {
      %mul3A_278 = arith.constant 80 : i32
      %mul3A_279 = arith.muli %add3A_67, %mul3A_278 : i32
      %dma_start3A_280 = arith.constant 0 : i32
      %dma_start3A_281 = tpu.memref_slice %arg6[%mul3A_279, %dma_start3A_280] : memref<10000x144xf32, #tpu.memory_space<vmem_shared>> -> memref<80x144xf32, #tpu.memory_space<vmem_shared>>
      %dma_start3A_282 = arith.constant 0 : i32
      %dma_start3A_283 = tpu.memref_slice %arg6[%mul3A_279, %dma_start3A_282] : memref<10000x144xf32, #tpu.memory_space<vmem_shared>> -> memref<80x144xf32, #tpu.memory_space<vmem_shared>>
      tpu.enqueue_dma source(%arg12 : memref<80x144xf32, #tpu.memory_space<vmem>>) target(%dma_start3A_283 : memref<80x144xf32, #tpu.memory_space<vmem_shared>>) target_semaphore(%arg27 : memref<!tpu.dma_semaphore, #tpu.memory_space<semaphore_mem>>)
    } else {
    }
    %add3A_73 = arith.constant 112 : i32
    %add3A_74 = arith.addi %arg1, %add3A_73 : i32
    %lt3A_75 = arith.constant 125 : i32
    %lt3A_76 = arith.cmpi slt, %add3A_74, %lt3A_75 : i32
    %convert_element_type3A_77 = arith.extui %lt3A_76 : i1 to i32
    %cond3A_78 = arith.constant 0 : i32
    %cond3A_79 = arith.cmpi ne, %convert_element_type3A_77, %cond3A_78 : i32
    scf.if %cond3A_79 {
      %mul3A_278 = arith.constant 80 : i32
      %mul3A_279 = arith.muli %add3A_74, %mul3A_278 : i32
      %dma_start3A_280 = arith.constant 0 : i32
      %dma_start3A_281 = tpu.memref_slice %arg6[%mul3A_279, %dma_start3A_280] : memref<10000x144xf32, #tpu.memory_space<vmem_shared>> -> memref<80x144xf32, #tpu.memory_space<vmem_shared>>
      %dma_start3A_282 = arith.constant 0 : i32
      %dma_start3A_283 = tpu.memref_slice %arg6[%mul3A_279, %dma_start3A_282] : memref<10000x144xf32, #tpu.memory_space<vmem_shared>> -> memref<80x144xf32, #tpu.memory_space<vmem_shared>>
      tpu.enqueue_dma source(%arg12 : memref<80x144xf32, #tpu.memory_space<vmem>>) target(%dma_start3A_283 : memref<80x144xf32, #tpu.memory_space<vmem_shared>>) target_semaphore(%arg27 : memref<!tpu.dma_semaphore, #tpu.memory_space<semaphore_mem>>)
    } else {
    }
    %add3A_80 = arith.constant 0 : i32
    %add3A_81 = arith.addi %arg1, %add3A_80 : i32
    %lt3A_82 = arith.constant 125 : i32
    %lt3A_83 = arith.cmpi slt, %add3A_81, %lt3A_82 : i32
    %convert_element_type3A_84 = arith.extui %lt3A_83 : i1 to i32
    %cond3A_85 = arith.constant 0 : i32
    %cond3A_86 = arith.cmpi ne, %convert_element_type3A_84, %cond3A_85 : i32
    scf.if %cond3A_86 {
      %mul3A_278 = arith.constant 80 : i32
      %mul3A_279 = arith.muli %add3A_81, %mul3A_278 : i32
      %dma_wait3A_280 = arith.constant 0 : i32
      %dma_wait3A_281 = tpu.memref_slice %arg6[%mul3A_279, %dma_wait3A_280] : memref<10000x144xf32, #tpu.memory_space<vmem_shared>> -> memref<80x144xf32, #tpu.memory_space<vmem_shared>>
      %dma_wait3A_282 = arith.constant 0 : i32
      %dma_wait3A_283 = tpu.memref_slice %arg6[%mul3A_279, %dma_wait3A_282] : memref<10000x144xf32, #tpu.memory_space<vmem_shared>> -> memref<80x144xf32, #tpu.memory_space<vmem_shared>>
      tpu.wait_dma2 semaphore(%arg27 : memref<!tpu.dma_semaphore, #tpu.memory_space<semaphore_mem>>) src(%arg12 : memref<80x144xf32, #tpu.memory_space<vmem>>) dst(%dma_wait3A_283 : memref<80x144xf32, #tpu.memory_space<vmem_shared>>)
    } else {
    }
    %add3A_87 = arith.constant 16 : i32
    %add3A_88 = arith.addi %arg1, %add3A_87 : i32
    %lt3A_89 = arith.constant 125 : i32
    %lt3A_90 = arith.cmpi slt, %add3A_88, %lt3A_89 : i32
    %convert_element_type3A_91 = arith.extui %lt3A_90 : i1 to i32
    %cond3A_92 = arith.constant 0 : i32
    %cond3A_93 = arith.cmpi ne, %convert_element_type3A_91, %cond3A_92 : i32
    scf.if %cond3A_93 {
      %mul3A_278 = arith.constant 80 : i32
      %mul3A_279 = arith.muli %add3A_88, %mul3A_278 : i32
      %dma_wait3A_280 = arith.constant 0 : i32
      %dma_wait3A_281 = tpu.memref_slice %arg6[%mul3A_279, %dma_wait3A_280] : memref<10000x144xf32, #tpu.memory_space<vmem_shared>> -> memref<80x144xf32, #tpu.memory_space<vmem_shared>>
      %dma_wait3A_282 = arith.constant 0 : i32
      %dma_wait3A_283 = tpu.memref_slice %arg6[%mul3A_279, %dma_wait3A_282] : memref<10000x144xf32, #tpu.memory_space<vmem_shared>> -> memref<80x144xf32, #tpu.memory_space<vmem_shared>>
      tpu.wait_dma2 semaphore(%arg27 : memref<!tpu.dma_semaphore, #tpu.memory_space<semaphore_mem>>) src(%arg12 : memref<80x144xf32, #tpu.memory_space<vmem>>) dst(%dma_wait3A_283 : memref<80x144xf32, #tpu.memory_space<vmem_shared>>)
    } else {
    }
    %add3A_94 = arith.constant 32 : i32
    %add3A_95 = arith.addi %arg1, %add3A_94 : i32
    %lt3A_96 = arith.constant 125 : i32
    %lt3A_97 = arith.cmpi slt, %add3A_95, %lt3A_96 : i32
    %convert_element_type3A_98 = arith.extui %lt3A_97 : i1 to i32
    %cond3A_99 = arith.constant 0 : i32
    %cond3A_100 = arith.cmpi ne, %convert_element_type3A_98, %cond3A_99 : i32
    scf.if %cond3A_100 {
      %mul3A_278 = arith.constant 80 : i32
      %mul3A_279 = arith.muli %add3A_95, %mul3A_278 : i32
      %dma_wait3A_280 = arith.constant 0 : i32
      %dma_wait3A_281 = tpu.memref_slice %arg6[%mul3A_279, %dma_wait3A_280] : memref<10000x144xf32, #tpu.memory_space<vmem_shared>> -> memref<80x144xf32, #tpu.memory_space<vmem_shared>>
      %dma_wait3A_282 = arith.constant 0 : i32
      %dma_wait3A_283 = tpu.memref_slice %arg6[%mul3A_279, %dma_wait3A_282] : memref<10000x144xf32, #tpu.memory_space<vmem_shared>> -> memref<80x144xf32, #tpu.memory_space<vmem_shared>>
      tpu.wait_dma2 semaphore(%arg27 : memref<!tpu.dma_semaphore, #tpu.memory_space<semaphore_mem>>) src(%arg12 : memref<80x144xf32, #tpu.memory_space<vmem>>) dst(%dma_wait3A_283 : memref<80x144xf32, #tpu.memory_space<vmem_shared>>)
    } else {
    }
    %add3A_101 = arith.constant 48 : i32
    %add3A_102 = arith.addi %arg1, %add3A_101 : i32
    %lt3A_103 = arith.constant 125 : i32
    %lt3A_104 = arith.cmpi slt, %add3A_102, %lt3A_103 : i32
    %convert_element_type3A_105 = arith.extui %lt3A_104 : i1 to i32
    %cond3A_106 = arith.constant 0 : i32
    %cond3A_107 = arith.cmpi ne, %convert_element_type3A_105, %cond3A_106 : i32
    scf.if %cond3A_107 {
      %mul3A_278 = arith.constant 80 : i32
      %mul3A_279 = arith.muli %add3A_102, %mul3A_278 : i32
      %dma_wait3A_280 = arith.constant 0 : i32
      %dma_wait3A_281 = tpu.memref_slice %arg6[%mul3A_279, %dma_wait3A_280] : memref<10000x144xf32, #tpu.memory_space<vmem_shared>> -> memref<80x144xf32, #tpu.memory_space<vmem_shared>>
      %dma_wait3A_282 = arith.constant 0 : i32
      %dma_wait3A_283 = tpu.memref_slice %arg6[%mul3A_279, %dma_wait3A_282] : memref<10000x144xf32, #tpu.memory_space<vmem_shared>> -> memref<80x144xf32, #tpu.memory_space<vmem_shared>>
      tpu.wait_dma2 semaphore(%arg27 : memref<!tpu.dma_semaphore, #tpu.memory_space<semaphore_mem>>) src(%arg12 : memref<80x144xf32, #tpu.memory_space<vmem>>) dst(%dma_wait3A_283 : memref<80x144xf32, #tpu.memory_space<vmem_shared>>)
    } else {
    }
    %add3A_108 = arith.constant 64 : i32
    %add3A_109 = arith.addi %arg1, %add3A_108 : i32
    %lt3A_110 = arith.constant 125 : i32
    %lt3A_111 = arith.cmpi slt, %add3A_109, %lt3A_110 : i32
    %convert_element_type3A_112 = arith.extui %lt3A_111 : i1 to i32
    %cond3A_113 = arith.constant 0 : i32
    %cond3A_114 = arith.cmpi ne, %convert_element_type3A_112, %cond3A_113 : i32
    scf.if %cond3A_114 {
      %mul3A_278 = arith.constant 80 : i32
      %mul3A_279 = arith.muli %add3A_109, %mul3A_278 : i32
      %dma_wait3A_280 = arith.constant 0 : i32
      %dma_wait3A_281 = tpu.memref_slice %arg6[%mul3A_279, %dma_wait3A_280] : memref<10000x144xf32, #tpu.memory_space<vmem_shared>> -> memref<80x144xf32, #tpu.memory_space<vmem_shared>>
      %dma_wait3A_282 = arith.constant 0 : i32
      %dma_wait3A_283 = tpu.memref_slice %arg6[%mul3A_279, %dma_wait3A_282] : memref<10000x144xf32, #tpu.memory_space<vmem_shared>> -> memref<80x144xf32, #tpu.memory_space<vmem_shared>>
      tpu.wait_dma2 semaphore(%arg27 : memref<!tpu.dma_semaphore, #tpu.memory_space<semaphore_mem>>) src(%arg12 : memref<80x144xf32, #tpu.memory_space<vmem>>) dst(%dma_wait3A_283 : memref<80x144xf32, #tpu.memory_space<vmem_shared>>)
    } else {
    }
    %add3A_115 = arith.constant 80 : i32
    %add3A_116 = arith.addi %arg1, %add3A_115 : i32
    %lt3A_117 = arith.constant 125 : i32
    %lt3A_118 = arith.cmpi slt, %add3A_116, %lt3A_117 : i32
    %convert_element_type3A_119 = arith.extui %lt3A_118 : i1 to i32
    %cond3A_120 = arith.constant 0 : i32
    %cond3A_121 = arith.cmpi ne, %convert_element_type3A_119, %cond3A_120 : i32
    scf.if %cond3A_121 {
      %mul3A_278 = arith.constant 80 : i32
      %mul3A_279 = arith.muli %add3A_116, %mul3A_278 : i32
      %dma_wait3A_280 = arith.constant 0 : i32
      %dma_wait3A_281 = tpu.memref_slice %arg6[%mul3A_279, %dma_wait3A_280] : memref<10000x144xf32, #tpu.memory_space<vmem_shared>> -> memref<80x144xf32, #tpu.memory_space<vmem_shared>>
      %dma_wait3A_282 = arith.constant 0 : i32
      %dma_wait3A_283 = tpu.memref_slice %arg6[%mul3A_279, %dma_wait3A_282] : memref<10000x144xf32, #tpu.memory_space<vmem_shared>> -> memref<80x144xf32, #tpu.memory_space<vmem_shared>>
      tpu.wait_dma2 semaphore(%arg27 : memref<!tpu.dma_semaphore, #tpu.memory_space<semaphore_mem>>) src(%arg12 : memref<80x144xf32, #tpu.memory_space<vmem>>) dst(%dma_wait3A_283 : memref<80x144xf32, #tpu.memory_space<vmem_shared>>)
    } else {
    }
    %add3A_122 = arith.constant 96 : i32
    %add3A_123 = arith.addi %arg1, %add3A_122 : i32
    %lt3A_124 = arith.constant 125 : i32
    %lt3A_125 = arith.cmpi slt, %add3A_123, %lt3A_124 : i32
    %convert_element_type3A_126 = arith.extui %lt3A_125 : i1 to i32
    %cond3A_127 = arith.constant 0 : i32
    %cond3A_128 = arith.cmpi ne, %convert_element_type3A_126, %cond3A_127 : i32
    scf.if %cond3A_128 {
      %mul3A_278 = arith.constant 80 : i32
      %mul3A_279 = arith.muli %add3A_123, %mul3A_278 : i32
      %dma_wait3A_280 = arith.constant 0 : i32
      %dma_wait3A_281 = tpu.memref_slice %arg6[%mul3A_279, %dma_wait3A_280] : memref<10000x144xf32, #tpu.memory_space<vmem_shared>> -> memref<80x144xf32, #tpu.memory_space<vmem_shared>>
      %dma_wait3A_282 = arith.constant 0 : i32
      %dma_wait3A_283 = tpu.memref_slice %arg6[%mul3A_279, %dma_wait3A_282] : memref<10000x144xf32, #tpu.memory_space<vmem_shared>> -> memref<80x144xf32, #tpu.memory_space<vmem_shared>>
      tpu.wait_dma2 semaphore(%arg27 : memref<!tpu.dma_semaphore, #tpu.memory_space<semaphore_mem>>) src(%arg12 : memref<80x144xf32, #tpu.memory_space<vmem>>) dst(%dma_wait3A_283 : memref<80x144xf32, #tpu.memory_space<vmem_shared>>)
    } else {
    }
    %add3A_129 = arith.constant 112 : i32
    %add3A_130 = arith.addi %arg1, %add3A_129 : i32
    %lt3A_131 = arith.constant 125 : i32
    %lt3A_132 = arith.cmpi slt, %add3A_130, %lt3A_131 : i32
    %convert_element_type3A_133 = arith.extui %lt3A_132 : i1 to i32
    %cond3A_134 = arith.constant 0 : i32
    %cond3A_135 = arith.cmpi ne, %convert_element_type3A_133, %cond3A_134 : i32
    scf.if %cond3A_135 {
      %mul3A_278 = arith.constant 80 : i32
      %mul3A_279 = arith.muli %add3A_130, %mul3A_278 : i32
      %dma_wait3A_280 = arith.constant 0 : i32
      %dma_wait3A_281 = tpu.memref_slice %arg6[%mul3A_279, %dma_wait3A_280] : memref<10000x144xf32, #tpu.memory_space<vmem_shared>> -> memref<80x144xf32, #tpu.memory_space<vmem_shared>>
      %dma_wait3A_282 = arith.constant 0 : i32
      %dma_wait3A_283 = tpu.memref_slice %arg6[%mul3A_279, %dma_wait3A_282] : memref<10000x144xf32, #tpu.memory_space<vmem_shared>> -> memref<80x144xf32, #tpu.memory_space<vmem_shared>>
      tpu.wait_dma2 semaphore(%arg27 : memref<!tpu.dma_semaphore, #tpu.memory_space<semaphore_mem>>) src(%arg12 : memref<80x144xf32, #tpu.memory_space<vmem>>) dst(%dma_wait3A_283 : memref<80x144xf32, #tpu.memory_space<vmem_shared>>)
    } else {
    }
    %barrier3A = arith.constant 0 : index
    tpu.barrier barrier_id(%barrier3A)
    %mul3A_136 = arith.constant 10000 : i32
    %mul3A_137 = arith.muli %add3A, %mul3A_136 : i32
    %add3A_138 = arith.constant 0 : i32
    %add3A_139 = arith.addi %mul3A_137, %add3A_138 : i32
    %dma_start3A = arith.constant 0 : i32
    %dma_start3A_140 = arith.constant 0 : i32
    %dma_start3A_141 = tpu.memref_slice %arg4[%dma_start3A, %dma_start3A_140] : memref<2x320000xi32, #tpu.memory_space<hbm>> -> memref<1x320000xi32, #tpu.memory_space<hbm>>
    %dma_start3A_142 = tpu.memref_squeeze %dma_start3A_141 : memref<1x320000xi32, #tpu.memory_space<hbm>> -> memref<320000xi32, #tpu.memory_space<hbm>>
    %dma_start3A_143 = tpu.memref_slice %dma_start3A_142[%add3A_139] : memref<320000xi32, #tpu.memory_space<hbm>> -> memref<80xi32, #tpu.memory_space<hbm>>
    %dma_start3A_144 = arith.constant 0 : i32
    %dma_start3A_145 = tpu.memref_slice %arg4[%dma_start3A, %dma_start3A_144] : memref<2x320000xi32, #tpu.memory_space<hbm>> -> memref<1x320000xi32, #tpu.memory_space<hbm>>
    %dma_start3A_146 = tpu.memref_squeeze %dma_start3A_145 : memref<1x320000xi32, #tpu.memory_space<hbm>> -> memref<320000xi32, #tpu.memory_space<hbm>>
    %dma_start3A_147 = tpu.memref_slice %dma_start3A_146[%add3A_139] : memref<320000xi32, #tpu.memory_space<hbm>> -> memref<80xi32, #tpu.memory_space<hbm>>
    tpu.enqueue_dma source(%dma_start3A_147 : memref<80xi32, #tpu.memory_space<hbm>>) target(%arg7 : memref<80xi32, #tpu.memory_space<vmem>>) target_semaphore(%arg21 : memref<!tpu.dma_semaphore, #tpu.memory_space<semaphore_mem>>)
    %dma_start3A_148 = arith.constant 1 : i32
    %dma_start3A_149 = arith.constant 0 : i32
    %dma_start3A_150 = tpu.memref_slice %arg4[%dma_start3A_148, %dma_start3A_149] : memref<2x320000xi32, #tpu.memory_space<hbm>> -> memref<1x320000xi32, #tpu.memory_space<hbm>>
    %dma_start3A_151 = tpu.memref_squeeze %dma_start3A_150 : memref<1x320000xi32, #tpu.memory_space<hbm>> -> memref<320000xi32, #tpu.memory_space<hbm>>
    %dma_start3A_152 = tpu.memref_slice %dma_start3A_151[%add3A_139] : memref<320000xi32, #tpu.memory_space<hbm>> -> memref<80xi32, #tpu.memory_space<hbm>>
    %dma_start3A_153 = arith.constant 0 : i32
    %dma_start3A_154 = tpu.memref_slice %arg4[%dma_start3A_148, %dma_start3A_153] : memref<2x320000xi32, #tpu.memory_space<hbm>> -> memref<1x320000xi32, #tpu.memory_space<hbm>>
    %dma_start3A_155 = tpu.memref_squeeze %dma_start3A_154 : memref<1x320000xi32, #tpu.memory_space<hbm>> -> memref<320000xi32, #tpu.memory_space<hbm>>
    %dma_start3A_156 = tpu.memref_slice %dma_start3A_155[%add3A_139] : memref<320000xi32, #tpu.memory_space<hbm>> -> memref<80xi32, #tpu.memory_space<hbm>>
    tpu.enqueue_dma source(%dma_start3A_156 : memref<80xi32, #tpu.memory_space<hbm>>) target(%arg8 : memref<80xi32, #tpu.memory_space<vmem>>) target_semaphore(%arg21 : memref<!tpu.dma_semaphore, #tpu.memory_space<semaphore_mem>>)
    %mul3A_157 = arith.constant 10000 : i32
    %mul3A_158 = arith.muli %add3A, %mul3A_157 : i32
    %add3A_159 = arith.constant 0 : i32
    %add3A_160 = arith.addi %mul3A_158, %add3A_159 : i32
    %dma_wait3A = arith.constant 0 : i32
    %dma_wait3A_161 = arith.constant 0 : i32
    %dma_wait3A_162 = tpu.memref_slice %arg4[%dma_wait3A, %dma_wait3A_161] : memref<2x320000xi32, #tpu.memory_space<hbm>> -> memref<1x320000xi32, #tpu.memory_space<hbm>>
    %dma_wait3A_163 = tpu.memref_squeeze %dma_wait3A_162 : memref<1x320000xi32, #tpu.memory_space<hbm>> -> memref<320000xi32, #tpu.memory_space<hbm>>
    %dma_wait3A_164 = tpu.memref_slice %dma_wait3A_163[%add3A_160] : memref<320000xi32, #tpu.memory_space<hbm>> -> memref<80xi32, #tpu.memory_space<hbm>>
    %dma_wait3A_165 = arith.constant 0 : i32
    %dma_wait3A_166 = tpu.memref_slice %arg4[%dma_wait3A, %dma_wait3A_165] : memref<2x320000xi32, #tpu.memory_space<hbm>> -> memref<1x320000xi32, #tpu.memory_space<hbm>>
    %dma_wait3A_167 = tpu.memref_squeeze %dma_wait3A_166 : memref<1x320000xi32, #tpu.memory_space<hbm>> -> memref<320000xi32, #tpu.memory_space<hbm>>
    %dma_wait3A_168 = tpu.memref_slice %dma_wait3A_167[%add3A_160] : memref<320000xi32, #tpu.memory_space<hbm>> -> memref<80xi32, #tpu.memory_space<hbm>>
    tpu.wait_dma2 semaphore(%arg21 : memref<!tpu.dma_semaphore, #tpu.memory_space<semaphore_mem>>) src(%dma_wait3A_168 : memref<80xi32, #tpu.memory_space<hbm>>) dst(%arg7 : memref<80xi32, #tpu.memory_space<vmem>>)
    %dma_wait3A_169 = arith.constant 1 : i32
    %dma_wait3A_170 = arith.constant 0 : i32
    %dma_wait3A_171 = tpu.memref_slice %arg4[%dma_wait3A_169, %dma_wait3A_170] : memref<2x320000xi32, #tpu.memory_space<hbm>> -> memref<1x320000xi32, #tpu.memory_space<hbm>>
    %dma_wait3A_172 = tpu.memref_squeeze %dma_wait3A_171 : memref<1x320000xi32, #tpu.memory_space<hbm>> -> memref<320000xi32, #tpu.memory_space<hbm>>
    %dma_wait3A_173 = tpu.memref_slice %dma_wait3A_172[%add3A_160] : memref<320000xi32, #tpu.memory_space<hbm>> -> memref<80xi32, #tpu.memory_space<hbm>>
    %dma_wait3A_174 = arith.constant 0 : i32
    %dma_wait3A_175 = tpu.memref_slice %arg4[%dma_wait3A_169, %dma_wait3A_174] : memref<2x320000xi32, #tpu.memory_space<hbm>> -> memref<1x320000xi32, #tpu.memory_space<hbm>>
    %dma_wait3A_176 = tpu.memref_squeeze %dma_wait3A_175 : memref<1x320000xi32, #tpu.memory_space<hbm>> -> memref<320000xi32, #tpu.memory_space<hbm>>
    %dma_wait3A_177 = tpu.memref_slice %dma_wait3A_176[%add3A_160] : memref<320000xi32, #tpu.memory_space<hbm>> -> memref<80xi32, #tpu.memory_space<hbm>>
    tpu.wait_dma2 semaphore(%arg21 : memref<!tpu.dma_semaphore, #tpu.memory_space<semaphore_mem>>) src(%dma_wait3A_177 : memref<80xi32, #tpu.memory_space<hbm>>) dst(%arg8 : memref<80xi32, #tpu.memory_space<vmem>>)
    %dma_start3A_178 = arith.constant 0 : i32
    %dma_start3A_179 = arith.constant 0 : i32
    %dma_start3A_180 = tpu.memref_slice %arg2[%dma_start3A_178, %dma_start3A_179] : memref<10000x16xf32, #tpu.memory_space<hbm>> -> memref<10000x16xf32, #tpu.memory_space<hbm>>
    tpu.enqueue_indirect_dma source(%dma_start3A_180 : memref<10000x16xf32, #tpu.memory_space<hbm>>) target(%arg9 : memref<80x16xf32, #tpu.memory_space<vmem>>) offsets(%arg7 : memref<80xi32, #tpu.memory_space<vmem>>) semaphore(%arg23 : memref<!tpu.dma_semaphore, #tpu.memory_space<semaphore_mem>>)
    %dma_start3A_181 = arith.constant 0 : i32
    %dma_start3A_182 = arith.constant 0 : i32
    %dma_start3A_183 = tpu.memref_slice %arg2[%dma_start3A_181, %dma_start3A_182] : memref<10000x16xf32, #tpu.memory_space<hbm>> -> memref<10000x16xf32, #tpu.memory_space<hbm>>
    tpu.enqueue_indirect_dma source(%dma_start3A_183 : memref<10000x16xf32, #tpu.memory_space<hbm>>) target(%arg10 : memref<80x16xf32, #tpu.memory_space<vmem>>) offsets(%arg8 : memref<80xi32, #tpu.memory_space<vmem>>) semaphore(%arg23 : memref<!tpu.dma_semaphore, #tpu.memory_space<semaphore_mem>>)
    %dma_start3A_184 = arith.constant 0 : i32
    %dma_start3A_185 = arith.constant 0 : i32
    %dma_start3A_186 = tpu.memref_slice %arg3[%dma_start3A_184, %dma_start3A_185] : memref<10000x128xbf16, #tpu.memory_space<hbm>> -> memref<10000x128xbf16, #tpu.memory_space<hbm>>
    tpu.enqueue_indirect_dma source(%dma_start3A_186 : memref<10000x128xbf16, #tpu.memory_space<hbm>>) target(%arg11 : memref<80x128xbf16, #tpu.memory_space<vmem>>) offsets(%arg7 : memref<80xi32, #tpu.memory_space<vmem>>) semaphore(%arg23 : memref<!tpu.dma_semaphore, #tpu.memory_space<semaphore_mem>>)
    %mul3A_187 = arith.constant 10000 : i32
    %mul3A_188 = arith.muli %add3A, %mul3A_187 : i32
    %add3A_189 = arith.constant 80 : i32
    %add3A_190 = arith.addi %mul3A_188, %add3A_189 : i32
    %dma_start3A_191 = arith.constant 0 : i32
    %dma_start3A_192 = arith.constant 0 : i32
    %dma_start3A_193 = tpu.memref_slice %arg4[%dma_start3A_191, %dma_start3A_192] : memref<2x320000xi32, #tpu.memory_space<hbm>> -> memref<1x320000xi32, #tpu.memory_space<hbm>>
    %dma_start3A_194 = tpu.memref_squeeze %dma_start3A_193 : memref<1x320000xi32, #tpu.memory_space<hbm>> -> memref<320000xi32, #tpu.memory_space<hbm>>
    %dma_start3A_195 = tpu.memref_slice %dma_start3A_194[%add3A_190] : memref<320000xi32, #tpu.memory_space<hbm>> -> memref<80xi32, #tpu.memory_space<hbm>>
    %dma_start3A_196 = arith.constant 0 : i32
    %dma_start3A_197 = tpu.memref_slice %arg4[%dma_start3A_191, %dma_start3A_196] : memref<2x320000xi32, #tpu.memory_space<hbm>> -> memref<1x320000xi32, #tpu.memory_space<hbm>>
    %dma_start3A_198 = tpu.memref_squeeze %dma_start3A_197 : memref<1x320000xi32, #tpu.memory_space<hbm>> -> memref<320000xi32, #tpu.memory_space<hbm>>
    %dma_start3A_199 = tpu.memref_slice %dma_start3A_198[%add3A_190] : memref<320000xi32, #tpu.memory_space<hbm>> -> memref<80xi32, #tpu.memory_space<hbm>>
    tpu.enqueue_dma source(%dma_start3A_199 : memref<80xi32, #tpu.memory_space<hbm>>) target(%arg14 : memref<80xi32, #tpu.memory_space<vmem>>) target_semaphore(%arg22 : memref<!tpu.dma_semaphore, #tpu.memory_space<semaphore_mem>>)
    %dma_start3A_200 = arith.constant 1 : i32
    %dma_start3A_201 = arith.constant 0 : i32
    %dma_start3A_202 = tpu.memref_slice %arg4[%dma_start3A_200, %dma_start3A_201] : memref<2x320000xi32, #tpu.memory_space<hbm>> -> memref<1x320000xi32, #tpu.memory_space<hbm>>
    %dma_start3A_203 = tpu.memref_squeeze %dma_start3A_202 : memref<1x320000xi32, #tpu.memory_space<hbm>> -> memref<320000xi32, #tpu.memory_space<hbm>>
    %dma_start3A_204 = tpu.memref_slice %dma_start3A_203[%add3A_190] : memref<320000xi32, #tpu.memory_space<hbm>> -> memref<80xi32, #tpu.memory_space<hbm>>
    %dma_start3A_205 = arith.constant 0 : i32
    %dma_start3A_206 = tpu.memref_slice %arg4[%dma_start3A_200, %dma_start3A_205] : memref<2x320000xi32, #tpu.memory_space<hbm>> -> memref<1x320000xi32, #tpu.memory_space<hbm>>
    %dma_start3A_207 = tpu.memref_squeeze %dma_start3A_206 : memref<1x320000xi32, #tpu.memory_space<hbm>> -> memref<320000xi32, #tpu.memory_space<hbm>>
    %dma_start3A_208 = tpu.memref_slice %dma_start3A_207[%add3A_190] : memref<320000xi32, #tpu.memory_space<hbm>> -> memref<80xi32, #tpu.memory_space<hbm>>
    tpu.enqueue_dma source(%dma_start3A_208 : memref<80xi32, #tpu.memory_space<hbm>>) target(%arg15 : memref<80xi32, #tpu.memory_space<vmem>>) target_semaphore(%arg22 : memref<!tpu.dma_semaphore, #tpu.memory_space<semaphore_mem>>)
    %scan3A_209 = arith.constant 0 : i32
    %scan3A_210 = arith.constant 62 : i32
    %scan3A_211 = arith.addi %scan3A_209, %scan3A_210 : i32
    %scan3A_212 = arith.constant 1 : i32
    scf.for %scan3A_278 = %scan3A_209 to %scan3A_211 step %scan3A_212  : i32 {
      %mul3A_279 = arith.constant 2 : i32
      %mul3A_280 = arith.muli %scan3A_278, %mul3A_279 : i32
      %add3A_281 = arith.constant 0 : i32
      %add3A_282 = arith.addi %add3A_281, %mul3A_280 : i32
      %add3A_283 = arith.constant 1 : i32
      %add3A_284 = arith.addi %add3A_282, %add3A_283 : i32
      %lt3A_285 = arith.constant 125 : i32
      %lt3A_286 = arith.cmpi slt, %add3A_284, %lt3A_285 : i32
      %convert_element_type3A_287 = arith.extui %lt3A_286 : i1 to i32
      %cond3A_288 = arith.constant 0 : i32
      %cond3A_289 = arith.cmpi ne, %convert_element_type3A_287, %cond3A_288 : i32
      scf.if %cond3A_289 {
        %add3A_393 = arith.constant 1 : i32
        %add3A_394 = arith.addi %add3A_282, %add3A_393 : i32
        %mul3A_395 = arith.constant 10000 : i32
        %mul3A_396 = arith.muli %add3A, %mul3A_395 : i32
        %mul3A_397 = arith.constant 80 : i32
        %mul3A_398 = arith.muli %add3A_394, %mul3A_397 : i32
        %add3A_399 = arith.addi %mul3A_396, %mul3A_398 : i32
        %dma_wait3A_400 = arith.constant 0 : i32
        %dma_wait3A_401 = arith.constant 0 : i32
        %dma_wait3A_402 = tpu.memref_slice %arg4[%dma_wait3A_400, %dma_wait3A_401] : memref<2x320000xi32, #tpu.memory_space<hbm>> -> memref<1x320000xi32, #tpu.memory_space<hbm>>
        %dma_wait3A_403 = tpu.memref_squeeze %dma_wait3A_402 : memref<1x320000xi32, #tpu.memory_space<hbm>> -> memref<320000xi32, #tpu.memory_space<hbm>>
        %dma_wait3A_404 = tpu.memref_slice %dma_wait3A_403[%add3A_399] : memref<320000xi32, #tpu.memory_space<hbm>> -> memref<80xi32, #tpu.memory_space<hbm>>
        %dma_wait3A_405 = arith.constant 0 : i32
        %dma_wait3A_406 = tpu.memref_slice %arg4[%dma_wait3A_400, %dma_wait3A_405] : memref<2x320000xi32, #tpu.memory_space<hbm>> -> memref<1x320000xi32, #tpu.memory_space<hbm>>
        %dma_wait3A_407 = tpu.memref_squeeze %dma_wait3A_406 : memref<1x320000xi32, #tpu.memory_space<hbm>> -> memref<320000xi32, #tpu.memory_space<hbm>>
        %dma_wait3A_408 = tpu.memref_slice %dma_wait3A_407[%add3A_399] : memref<320000xi32, #tpu.memory_space<hbm>> -> memref<80xi32, #tpu.memory_space<hbm>>
        tpu.wait_dma2 semaphore(%arg22 : memref<!tpu.dma_semaphore, #tpu.memory_space<semaphore_mem>>) src(%dma_wait3A_408 : memref<80xi32, #tpu.memory_space<hbm>>) dst(%arg14 : memref<80xi32, #tpu.memory_space<vmem>>)
        %dma_wait3A_409 = arith.constant 1 : i32
        %dma_wait3A_410 = arith.constant 0 : i32
        %dma_wait3A_411 = tpu.memref_slice %arg4[%dma_wait3A_409, %dma_wait3A_410] : memref<2x320000xi32, #tpu.memory_space<hbm>> -> memref<1x320000xi32, #tpu.memory_space<hbm>>
        %dma_wait3A_412 = tpu.memref_squeeze %dma_wait3A_411 : memref<1x320000xi32, #tpu.memory_space<hbm>> -> memref<320000xi32, #tpu.memory_space<hbm>>
        %dma_wait3A_413 = tpu.memref_slice %dma_wait3A_412[%add3A_399] : memref<320000xi32, #tpu.memory_space<hbm>> -> memref<80xi32, #tpu.memory_space<hbm>>
        %dma_wait3A_414 = arith.constant 0 : i32
        %dma_wait3A_415 = tpu.memref_slice %arg4[%dma_wait3A_409, %dma_wait3A_414] : memref<2x320000xi32, #tpu.memory_space<hbm>> -> memref<1x320000xi32, #tpu.memory_space<hbm>>
        %dma_wait3A_416 = tpu.memref_squeeze %dma_wait3A_415 : memref<1x320000xi32, #tpu.memory_space<hbm>> -> memref<320000xi32, #tpu.memory_space<hbm>>
        %dma_wait3A_417 = tpu.memref_slice %dma_wait3A_416[%add3A_399] : memref<320000xi32, #tpu.memory_space<hbm>> -> memref<80xi32, #tpu.memory_space<hbm>>
        tpu.wait_dma2 semaphore(%arg22 : memref<!tpu.dma_semaphore, #tpu.memory_space<semaphore_mem>>) src(%dma_wait3A_417 : memref<80xi32, #tpu.memory_space<hbm>>) dst(%arg15 : memref<80xi32, #tpu.memory_space<vmem>>)
        %dma_start3A_418 = arith.constant 0 : i32
        %dma_start3A_419 = arith.constant 0 : i32
        %dma_start3A_420 = tpu.memref_slice %arg2[%dma_start3A_418, %dma_start3A_419] : memref<10000x16xf32, #tpu.memory_space<hbm>> -> memref<10000x16xf32, #tpu.memory_space<hbm>>
        tpu.enqueue_indirect_dma source(%dma_start3A_420 : memref<10000x16xf32, #tpu.memory_space<hbm>>) target(%arg16 : memref<80x16xf32, #tpu.memory_space<vmem>>) offsets(%arg14 : memref<80xi32, #tpu.memory_space<vmem>>) semaphore(%arg24 : memref<!tpu.dma_semaphore, #tpu.memory_space<semaphore_mem>>)
        %dma_start3A_421 = arith.constant 0 : i32
        %dma_start3A_422 = arith.constant 0 : i32
        %dma_start3A_423 = tpu.memref_slice %arg2[%dma_start3A_421, %dma_start3A_422] : memref<10000x16xf32, #tpu.memory_space<hbm>> -> memref<10000x16xf32, #tpu.memory_space<hbm>>
        tpu.enqueue_indirect_dma source(%dma_start3A_423 : memref<10000x16xf32, #tpu.memory_space<hbm>>) target(%arg17 : memref<80x16xf32, #tpu.memory_space<vmem>>) offsets(%arg15 : memref<80xi32, #tpu.memory_space<vmem>>) semaphore(%arg24 : memref<!tpu.dma_semaphore, #tpu.memory_space<semaphore_mem>>)
        %dma_start3A_424 = arith.constant 0 : i32
        %dma_start3A_425 = arith.constant 0 : i32
        %dma_start3A_426 = tpu.memref_slice %arg3[%dma_start3A_424, %dma_start3A_425] : memref<10000x128xbf16, #tpu.memory_space<hbm>> -> memref<10000x128xbf16, #tpu.memory_space<hbm>>
        tpu.enqueue_indirect_dma source(%dma_start3A_426 : memref<10000x128xbf16, #tpu.memory_space<hbm>>) target(%arg18 : memref<80x128xbf16, #tpu.memory_space<vmem>>) offsets(%arg14 : memref<80xi32, #tpu.memory_space<vmem>>) semaphore(%arg24 : memref<!tpu.dma_semaphore, #tpu.memory_space<semaphore_mem>>)
      } else {
      }
      %dma_wait3A_290 = arith.constant 0 : i32
      %dma_wait3A_291 = arith.constant 0 : i32
      %dma_wait3A_292 = tpu.memref_slice %arg2[%dma_wait3A_290, %dma_wait3A_291] : memref<10000x16xf32, #tpu.memory_space<hbm>> -> memref<10000x16xf32, #tpu.memory_space<hbm>>
      tpu.wait_indirect_dma semaphore(%arg23 : memref<!tpu.dma_semaphore, #tpu.memory_space<semaphore_mem>>) src(%dma_wait3A_292 : memref<10000x16xf32, #tpu.memory_space<hbm>>) dst(%arg9 : memref<80x16xf32, #tpu.memory_space<vmem>>)
      %dma_wait3A_293 = arith.constant 0 : i32
      %dma_wait3A_294 = arith.constant 0 : i32
      %dma_wait3A_295 = tpu.memref_slice %arg2[%dma_wait3A_293, %dma_wait3A_294] : memref<10000x16xf32, #tpu.memory_space<hbm>> -> memref<10000x16xf32, #tpu.memory_space<hbm>>
      tpu.wait_indirect_dma semaphore(%arg23 : memref<!tpu.dma_semaphore, #tpu.memory_space<semaphore_mem>>) src(%dma_wait3A_295 : memref<10000x16xf32, #tpu.memory_space<hbm>>) dst(%arg10 : memref<80x16xf32, #tpu.memory_space<vmem>>)
      %dma_wait3A_296 = arith.constant 0 : i32
      %dma_wait3A_297 = arith.constant 0 : i32
      %dma_wait3A_298 = tpu.memref_slice %arg3[%dma_wait3A_296, %dma_wait3A_297] : memref<10000x128xbf16, #tpu.memory_space<hbm>> -> memref<10000x128xbf16, #tpu.memory_space<hbm>>
      tpu.wait_indirect_dma semaphore(%arg23 : memref<!tpu.dma_semaphore, #tpu.memory_space<semaphore_mem>>) src(%dma_wait3A_298 : memref<10000x128xbf16, #tpu.memory_space<hbm>>) dst(%arg11 : memref<80x128xbf16, #tpu.memory_space<vmem>>)
      %ge3A_299 = arith.constant 2 : i32
      %ge3A_300 = arith.cmpi sge, %add3A_282, %ge3A_299 : i32
      %convert_element_type3A_301 = arith.extui %ge3A_300 : i1 to i32
      %cond3A_302 = arith.constant 0 : i32
      %cond3A_303 = arith.cmpi ne, %convert_element_type3A_301, %cond3A_302 : i32
      scf.if %cond3A_303 {
        %dma_wait3A_393 = arith.constant 0 : i32
        %dma_wait3A_394 = arith.constant 0 : i32
        %dma_wait3A_395 = tpu.memref_slice %arg6[%dma_wait3A_393, %dma_wait3A_394] : memref<10000x144xf32, #tpu.memory_space<vmem_shared>> -> memref<10000x144xf32, #tpu.memory_space<vmem_shared>>
        tpu.wait_indirect_dma semaphore(%arg25 : memref<!tpu.dma_semaphore, #tpu.memory_space<semaphore_mem>>) src(%arg12 : memref<80x144xf32, #tpu.memory_space<vmem>>) dst(%dma_wait3A_395 : memref<10000x144xf32, #tpu.memory_space<vmem_shared>>)
      } else {
      }
      %get3A_304 = arith.constant 0 : index
      %get3A_305 = tpu.vector_load %arg8[%get3A_304] {strides = array<i32>} : memref<80xi32, #tpu.memory_space<vmem>>, vector<16xi32>,
      %swap3A_306 = arith.constant 0 : index
      %swap3A_307 = tpu.vector_load %arg13[%swap3A_306] {strides = array<i32>} : memref<80xi32, #tpu.memory_space<vmem>>, vector<16xi32>,
      tpu.vector_store %arg13[%swap3A_306], %get3A_305 {strides = array<i32>} : memref<80xi32, #tpu.memory_space<vmem>>, vector<16xi32>,
      %get3A_308 = arith.constant 16 : index
      %get3A_309 = tpu.vector_load %arg8[%get3A_308] {strides = array<i32>} : memref<80xi32, #tpu.memory_space<vmem>>, vector<16xi32>,
      %swap3A_310 = arith.constant 16 : index
      %swap3A_311 = tpu.vector_load %arg13[%swap3A_310] {strides = array<i32>} : memref<80xi32, #tpu.memory_space<vmem>>, vector<16xi32>,
      tpu.vector_store %arg13[%swap3A_310], %get3A_309 {strides = array<i32>} : memref<80xi32, #tpu.memory_space<vmem>>, vector<16xi32>,
      %get3A_312 = arith.constant 32 : index
      %get3A_313 = tpu.vector_load %arg8[%get3A_312] {strides = array<i32>} : memref<80xi32, #tpu.memory_space<vmem>>, vector<16xi32>,
      %swap3A_314 = arith.constant 32 : index
      %swap3A_315 = tpu.vector_load %arg13[%swap3A_314] {strides = array<i32>} : memref<80xi32, #tpu.memory_space<vmem>>, vector<16xi32>,
      tpu.vector_store %arg13[%swap3A_314], %get3A_313 {strides = array<i32>} : memref<80xi32, #tpu.memory_space<vmem>>, vector<16xi32>,
      %get3A_316 = arith.constant 48 : index
      %get3A_317 = tpu.vector_load %arg8[%get3A_316] {strides = array<i32>} : memref<80xi32, #tpu.memory_space<vmem>>, vector<16xi32>,
      %swap3A_318 = arith.constant 48 : index
      %swap3A_319 = tpu.vector_load %arg13[%swap3A_318] {strides = array<i32>} : memref<80xi32, #tpu.memory_space<vmem>>, vector<16xi32>,
      tpu.vector_store %arg13[%swap3A_318], %get3A_317 {strides = array<i32>} : memref<80xi32, #tpu.memory_space<vmem>>, vector<16xi32>,
      %get3A_320 = arith.constant 64 : index
      %get3A_321 = tpu.vector_load %arg8[%get3A_320] {strides = array<i32>} : memref<80xi32, #tpu.memory_space<vmem>>, vector<16xi32>,
      %swap3A_322 = arith.constant 64 : index
      %swap3A_323 = tpu.vector_load %arg13[%swap3A_322] {strides = array<i32>} : memref<80xi32, #tpu.memory_space<vmem>>, vector<16xi32>,
      tpu.vector_store %arg13[%swap3A_322], %get3A_321 {strides = array<i32>} : memref<80xi32, #tpu.memory_space<vmem>>, vector<16xi32>,
      %parallel_loop3A_324 = arith.constant 0 : i32
      %parallel_loop3A_325 = arith.constant 80 : i32
      %parallel_loop3A_326 = arith.constant 1 : i32
      scf.for %parallel_loop3A_393 = %parallel_loop3A_324 to %parallel_loop3A_325 step %parallel_loop3A_326  : i32 {
        %parallel_loop3A_394 = arith.index_cast %parallel_loop3A_393 : i32 to index
        %parallel_loop3A_395 = arith.constant 0 : index
        %parallel_loop3A_396 = tpu.vector_load %arg9[%parallel_loop3A_394, %parallel_loop3A_395] {strides = array<i32>} : memref<80x16xf32, #tpu.memory_space<vmem>>, vector<16xf32>,
        %parallel_loop3A_397 = arith.index_cast %parallel_loop3A_393 : i32 to index
        %parallel_loop3A_398 = arith.constant 0 : index
        %parallel_loop3A_399 = tpu.vector_load %arg10[%parallel_loop3A_397, %parallel_loop3A_398] {strides = array<i32>} : memref<80x16xf32, #tpu.memory_space<vmem>>, vector<16xf32>,
        %parallel_loop3A_400 = vector.shape_cast %add3A_5 : vector<16xi32> to vector<16x1xi32>
        %parallel_loop3A_401 = vector.shape_cast %parallel_loop3A_400 : vector<16x1xi32> to vector<16xi32>
        %parallel_loop3A_402 = tpu.dynamic_gather %parallel_loop3A_399[%parallel_loop3A_401] in [0] : vector<16xf32>, vector<16xi32> -> vector<16xf32>
        %parallel_loop3A_403 = arith.addf %parallel_loop3A_396, %parallel_loop3A_402 : vector<16xf32>
        %parallel_loop3A_404 = arith.constant 0.000000e+00 : f32
        %parallel_loop3A_405 = vector.broadcast %parallel_loop3A_404 : f32 to vector<16xf32>
        %parallel_loop3A_406 = arith.cmpf oge, %parallel_loop3A_403, %parallel_loop3A_405 : vector<16xf32>
        %parallel_loop3A_407 = arith.constant 0.00999999977 : f32
        %parallel_loop3A_408 = vector.broadcast %parallel_loop3A_407 : f32 to vector<16xf32>
        %parallel_loop3A_409 = arith.mulf %parallel_loop3A_403, %parallel_loop3A_408 : vector<16xf32>
        %parallel_loop3A_410 = arith.select %parallel_loop3A_406, %parallel_loop3A_403, %parallel_loop3A_409 : vector<16xi1>, vector<16xf32>
        %parallel_loop3A_411 = math.exp %parallel_loop3A_410 : vector<16xf32>
        %parallel_loop3A_412 = arith.index_cast %parallel_loop3A_393 : i32 to index
        %parallel_loop3A_413 = arith.constant 128 : index
        %parallel_loop3A_414 = tpu.vector_load %arg12[%parallel_loop3A_412, %parallel_loop3A_413] {strides = array<i32>} : memref<80x144xf32, #tpu.memory_space<vmem>>, vector<16xf32>,
        tpu.vector_store %arg12[%parallel_loop3A_412, %parallel_loop3A_413], %parallel_loop3A_411 {strides = array<i32>} : memref<80x144xf32, #tpu.memory_space<vmem>>, vector<16xf32>,
        %parallel_loop3A_415 = arith.index_cast %parallel_loop3A_393 : i32 to index
        %parallel_loop3A_416 = arith.constant 0 : index
        %parallel_loop3A_417 = tpu.vector_load %arg11[%parallel_loop3A_415, %parallel_loop3A_416] {strides = array<i32>} : memref<80x128xbf16, #tpu.memory_space<vmem>>, vector<32xbf16>,
        %parallel_loop3A_418 = tpu.unpack_subelements %parallel_loop3A_417, 0 {pack_format = #tpu.pack_format<interleaved>} : vector<32xbf16> -> vector<16xf32>
        %parallel_loop3A_419 = tpu.unpack_subelements %parallel_loop3A_417, 1 {pack_format = #tpu.pack_format<interleaved>} : vector<32xbf16> -> vector<16xf32>
        %parallel_loop3A_420 = vector.shape_cast %broadcast_in_dim3A_6 : vector<16xi32> to vector<16x1xi32>
        %parallel_loop3A_421 = vector.shape_cast %parallel_loop3A_420 : vector<16x1xi32> to vector<16xi32>
        %parallel_loop3A_422 = tpu.dynamic_gather %parallel_loop3A_411[%parallel_loop3A_421] in [0] : vector<16xf32>, vector<16xi32> -> vector<16xf32>
        %parallel_loop3A_423 = vector.shape_cast %broadcast_in_dim3A_8 : vector<16xi32> to vector<16x1xi32>
        %parallel_loop3A_424 = vector.shape_cast %parallel_loop3A_423 : vector<16x1xi32> to vector<16xi32>
        %parallel_loop3A_425 = tpu.dynamic_gather %parallel_loop3A_411[%parallel_loop3A_424] in [0] : vector<16xf32>, vector<16xi32> -> vector<16xf32>
        %parallel_loop3A_426 = arith.mulf %parallel_loop3A_418, %parallel_loop3A_422 : vector<16xf32>
        %parallel_loop3A_427 = arith.index_cast %parallel_loop3A_393 : i32 to index
        %parallel_loop3A_428 = arith.constant 0 : index
        %parallel_loop3A_429 = tpu.vector_load %arg12[%parallel_loop3A_427, %parallel_loop3A_428] {strides = array<i32>} : memref<80x144xf32, #tpu.memory_space<vmem>>, vector<16xf32>,
        tpu.vector_store %arg12[%parallel_loop3A_427, %parallel_loop3A_428], %parallel_loop3A_426 {strides = array<i32>} : memref<80x144xf32, #tpu.memory_space<vmem>>, vector<16xf32>,
        %parallel_loop3A_430 = arith.mulf %parallel_loop3A_419, %parallel_loop3A_425 : vector<16xf32>
        %parallel_loop3A_431 = arith.index_cast %parallel_loop3A_393 : i32 to index
        %parallel_loop3A_432 = arith.constant 16 : index
        %parallel_loop3A_433 = tpu.vector_load %arg12[%parallel_loop3A_431, %parallel_loop3A_432] {strides = array<i32>} : memref<80x144xf32, #tpu.memory_space<vmem>>, vector<16xf32>,
        tpu.vector_store %arg12[%parallel_loop3A_431, %parallel_loop3A_432], %parallel_loop3A_430 {strides = array<i32>} : memref<80x144xf32, #tpu.memory_space<vmem>>, vector<16xf32>,
        %parallel_loop3A_434 = arith.index_cast %parallel_loop3A_393 : i32 to index
        %parallel_loop3A_435 = arith.constant 32 : index
        %parallel_loop3A_436 = tpu.vector_load %arg11[%parallel_loop3A_434, %parallel_loop3A_435] {strides = array<i32>} : memref<80x128xbf16, #tpu.memory_space<vmem>>, vector<32xbf16>,
        %parallel_loop3A_437 = tpu.unpack_subelements %parallel_loop3A_436, 0 {pack_format = #tpu.pack_format<interleaved>} : vector<32xbf16> -> vector<16xf32>
        %parallel_loop3A_438 = tpu.unpack_subelements %parallel_loop3A_436, 1 {pack_format = #tpu.pack_format<interleaved>} : vector<32xbf16> -> vector<16xf32>
        %parallel_loop3A_439 = vector.shape_cast %broadcast_in_dim3A_10 : vector<16xi32> to vector<16x1xi32>
        %parallel_loop3A_440 = vector.shape_cast %parallel_loop3A_439 : vector<16x1xi32> to vector<16xi32>
        %parallel_loop3A_441 = tpu.dynamic_gather %parallel_loop3A_411[%parallel_loop3A_440] in [0] : vector<16xf32>, vector<16xi32> -> vector<16xf32>
        %parallel_loop3A_442 = vector.shape_cast %broadcast_in_dim3A_12 : vector<16xi32> to vector<16x1xi32>
        %parallel_loop3A_443 = vector.shape_cast %parallel_loop3A_442 : vector<16x1xi32> to vector<16xi32>
        %parallel_loop3A_444 = tpu.dynamic_gather %parallel_loop3A_411[%parallel_loop3A_443] in [0] : vector<16xf32>, vector<16xi32> -> vector<16xf32>
        %parallel_loop3A_445 = arith.mulf %parallel_loop3A_437, %parallel_loop3A_441 : vector<16xf32>
        %parallel_loop3A_446 = arith.index_cast %parallel_loop3A_393 : i32 to index
        %parallel_loop3A_447 = arith.constant 32 : index
        %parallel_loop3A_448 = tpu.vector_load %arg12[%parallel_loop3A_446, %parallel_loop3A_447] {strides = array<i32>} : memref<80x144xf32, #tpu.memory_space<vmem>>, vector<16xf32>,
        tpu.vector_store %arg12[%parallel_loop3A_446, %parallel_loop3A_447], %parallel_loop3A_445 {strides = array<i32>} : memref<80x144xf32, #tpu.memory_space<vmem>>, vector<16xf32>,
        %parallel_loop3A_449 = arith.mulf %parallel_loop3A_438, %parallel_loop3A_444 : vector<16xf32>
        %parallel_loop3A_450 = arith.index_cast %parallel_loop3A_393 : i32 to index
        %parallel_loop3A_451 = arith.constant 48 : index
        %parallel_loop3A_452 = tpu.vector_load %arg12[%parallel_loop3A_450, %parallel_loop3A_451] {strides = array<i32>} : memref<80x144xf32, #tpu.memory_space<vmem>>, vector<16xf32>,
        tpu.vector_store %arg12[%parallel_loop3A_450, %parallel_loop3A_451], %parallel_loop3A_449 {strides = array<i32>} : memref<80x144xf32, #tpu.memory_space<vmem>>, vector<16xf32>,
        %parallel_loop3A_453 = arith.index_cast %parallel_loop3A_393 : i32 to index
        %parallel_loop3A_454 = arith.constant 64 : index
        %parallel_loop3A_455 = tpu.vector_load %arg11[%parallel_loop3A_453, %parallel_loop3A_454] {strides = array<i32>} : memref<80x128xbf16, #tpu.memory_space<vmem>>, vector<32xbf16>,
        %parallel_loop3A_456 = tpu.unpack_subelements %parallel_loop3A_455, 0 {pack_format = #tpu.pack_format<interleaved>} : vector<32xbf16> -> vector<16xf32>
        %parallel_loop3A_457 = tpu.unpack_subelements %parallel_loop3A_455, 1 {pack_format = #tpu.pack_format<interleaved>} : vector<32xbf16> -> vector<16xf32>
        %parallel_loop3A_458 = vector.shape_cast %broadcast_in_dim3A_14 : vector<16xi32> to vector<16x1xi32>
        %parallel_loop3A_459 = vector.shape_cast %parallel_loop3A_458 : vector<16x1xi32> to vector<16xi32>
        %parallel_loop3A_460 = tpu.dynamic_gather %parallel_loop3A_411[%parallel_loop3A_459] in [0] : vector<16xf32>, vector<16xi32> -> vector<16xf32>
        %parallel_loop3A_461 = vector.shape_cast %broadcast_in_dim3A_16 : vector<16xi32> to vector<16x1xi32>
        %parallel_loop3A_462 = vector.shape_cast %parallel_loop3A_461 : vector<16x1xi32> to vector<16xi32>
        %parallel_loop3A_463 = tpu.dynamic_gather %parallel_loop3A_411[%parallel_loop3A_462] in [0] : vector<16xf32>, vector<16xi32> -> vector<16xf32>
        %parallel_loop3A_464 = arith.mulf %parallel_loop3A_456, %parallel_loop3A_460 : vector<16xf32>
        %parallel_loop3A_465 = arith.index_cast %parallel_loop3A_393 : i32 to index
        %parallel_loop3A_466 = arith.constant 64 : index
        %parallel_loop3A_467 = tpu.vector_load %arg12[%parallel_loop3A_465, %parallel_loop3A_466] {strides = array<i32>} : memref<80x144xf32, #tpu.memory_space<vmem>>, vector<16xf32>,
        tpu.vector_store %arg12[%parallel_loop3A_465, %parallel_loop3A_466], %parallel_loop3A_464 {strides = array<i32>} : memref<80x144xf32, #tpu.memory_space<vmem>>, vector<16xf32>,
        %parallel_loop3A_468 = arith.mulf %parallel_loop3A_457, %parallel_loop3A_463 : vector<16xf32>
        %parallel_loop3A_469 = arith.index_cast %parallel_loop3A_393 : i32 to index
        %parallel_loop3A_470 = arith.constant 80 : index
        %parallel_loop3A_471 = tpu.vector_load %arg12[%parallel_loop3A_469, %parallel_loop3A_470] {strides = array<i32>} : memref<80x144xf32, #tpu.memory_space<vmem>>, vector<16xf32>,
        tpu.vector_store %arg12[%parallel_loop3A_469, %parallel_loop3A_470], %parallel_loop3A_468 {strides = array<i32>} : memref<80x144xf32, #tpu.memory_space<vmem>>, vector<16xf32>,
        %parallel_loop3A_472 = arith.index_cast %parallel_loop3A_393 : i32 to index
        %parallel_loop3A_473 = arith.constant 96 : index
        %parallel_loop3A_474 = tpu.vector_load %arg11[%parallel_loop3A_472, %parallel_loop3A_473] {strides = array<i32>} : memref<80x128xbf16, #tpu.memory_space<vmem>>, vector<32xbf16>,
        %parallel_loop3A_475 = tpu.unpack_subelements %parallel_loop3A_474, 0 {pack_format = #tpu.pack_format<interleaved>} : vector<32xbf16> -> vector<16xf32>
        %parallel_loop3A_476 = tpu.unpack_subelements %parallel_loop3A_474, 1 {pack_format = #tpu.pack_format<interleaved>} : vector<32xbf16> -> vector<16xf32>
        %parallel_loop3A_477 = vector.shape_cast %broadcast_in_dim3A_18 : vector<16xi32> to vector<16x1xi32>
        %parallel_loop3A_478 = vector.shape_cast %parallel_loop3A_477 : vector<16x1xi32> to vector<16xi32>
        %parallel_loop3A_479 = tpu.dynamic_gather %parallel_loop3A_411[%parallel_loop3A_478] in [0] : vector<16xf32>, vector<16xi32> -> vector<16xf32>
        %parallel_loop3A_480 = vector.shape_cast %broadcast_in_dim3A_20 : vector<16xi32> to vector<16x1xi32>
        %parallel_loop3A_481 = vector.shape_cast %parallel_loop3A_480 : vector<16x1xi32> to vector<16xi32>
        %parallel_loop3A_482 = tpu.dynamic_gather %parallel_loop3A_411[%parallel_loop3A_481] in [0] : vector<16xf32>, vector<16xi32> -> vector<16xf32>
        %parallel_loop3A_483 = arith.mulf %parallel_loop3A_475, %parallel_loop3A_479 : vector<16xf32>
        %parallel_loop3A_484 = arith.index_cast %parallel_loop3A_393 : i32 to index
        %parallel_loop3A_485 = arith.constant 96 : index
        %parallel_loop3A_486 = tpu.vector_load %arg12[%parallel_loop3A_484, %parallel_loop3A_485] {strides = array<i32>} : memref<80x144xf32, #tpu.memory_space<vmem>>, vector<16xf32>,
        tpu.vector_store %arg12[%parallel_loop3A_484, %parallel_loop3A_485], %parallel_loop3A_483 {strides = array<i32>} : memref<80x144xf32, #tpu.memory_space<vmem>>, vector<16xf32>,
        %parallel_loop3A_487 = arith.mulf %parallel_loop3A_476, %parallel_loop3A_482 : vector<16xf32>
        %parallel_loop3A_488 = arith.index_cast %parallel_loop3A_393 : i32 to index
        %parallel_loop3A_489 = arith.constant 112 : index
        %parallel_loop3A_490 = tpu.vector_load %arg12[%parallel_loop3A_488, %parallel_loop3A_489] {strides = array<i32>} : memref<80x144xf32, #tpu.memory_space<vmem>>, vector<16xf32>,
        tpu.vector_store %arg12[%parallel_loop3A_488, %parallel_loop3A_489], %parallel_loop3A_487 {strides = array<i32>} : memref<80x144xf32, #tpu.memory_space<vmem>>, vector<16xf32>,
      } {sc.loop_unroll_factor = 4 : i64, sc.parallel_access}
      %dma_start3A_327 = arith.constant 0 : i32
      %dma_start3A_328 = arith.constant 0 : i32
      %dma_start3A_329 = tpu.memref_slice %arg6[%dma_start3A_327, %dma_start3A_328] : memref<10000x144xf32, #tpu.memory_space<vmem_shared>> -> memref<10000x144xf32, #tpu.memory_space<vmem_shared>>
      tpu.enqueue_indirect_dma source(%arg12 : memref<80x144xf32, #tpu.memory_space<vmem>>) target(%dma_start3A_329 : memref<10000x144xf32, #tpu.memory_space<vmem_shared>>) offsets(%arg13 : memref<80xi32, #tpu.memory_space<vmem>>) semaphore(%arg25 : memref<!tpu.dma_semaphore, #tpu.memory_space<semaphore_mem>>) {add = true}
      %add3A_330 = arith.constant 2 : i32
      %add3A_331 = arith.addi %add3A_282, %add3A_330 : i32
      %lt3A_332 = arith.constant 125 : i32
      %lt3A_333 = arith.cmpi slt, %add3A_331, %lt3A_332 : i32
      %convert_element_type3A_334 = arith.extui %lt3A_333 : i1 to i32
      %cond3A_335 = arith.constant 0 : i32
      %cond3A_336 = arith.cmpi ne, %convert_element_type3A_334, %cond3A_335 : i32
      scf.if %cond3A_336 {
        %add3A_393 = arith.constant 2 : i32
        %add3A_394 = arith.addi %add3A_282, %add3A_393 : i32
        %mul3A_395 = arith.constant 10000 : i32
        %mul3A_396 = arith.muli %add3A, %mul3A_395 : i32
        %mul3A_397 = arith.constant 80 : i32
        %mul3A_398 = arith.muli %add3A_394, %mul3A_397 : i32
        %add3A_399 = arith.addi %mul3A_396, %mul3A_398 : i32
        %dma_start3A_400 = arith.constant 0 : i32
        %dma_start3A_401 = arith.constant 0 : i32
        %dma_start3A_402 = tpu.memref_slice %arg4[%dma_start3A_400, %dma_start3A_401] : memref<2x320000xi32, #tpu.memory_space<hbm>> -> memref<1x320000xi32, #tpu.memory_space<hbm>>
        %dma_start3A_403 = tpu.memref_squeeze %dma_start3A_402 : memref<1x320000xi32, #tpu.memory_space<hbm>> -> memref<320000xi32, #tpu.memory_space<hbm>>
        %dma_start3A_404 = tpu.memref_slice %dma_start3A_403[%add3A_399] : memref<320000xi32, #tpu.memory_space<hbm>> -> memref<80xi32, #tpu.memory_space<hbm>>
        %dma_start3A_405 = arith.constant 0 : i32
        %dma_start3A_406 = tpu.memref_slice %arg4[%dma_start3A_400, %dma_start3A_405] : memref<2x320000xi32, #tpu.memory_space<hbm>> -> memref<1x320000xi32, #tpu.memory_space<hbm>>
        %dma_start3A_407 = tpu.memref_squeeze %dma_start3A_406 : memref<1x320000xi32, #tpu.memory_space<hbm>> -> memref<320000xi32, #tpu.memory_space<hbm>>
        %dma_start3A_408 = tpu.memref_slice %dma_start3A_407[%add3A_399] : memref<320000xi32, #tpu.memory_space<hbm>> -> memref<80xi32, #tpu.memory_space<hbm>>
        tpu.enqueue_dma source(%dma_start3A_408 : memref<80xi32, #tpu.memory_space<hbm>>) target(%arg7 : memref<80xi32, #tpu.memory_space<vmem>>) target_semaphore(%arg21 : memref<!tpu.dma_semaphore, #tpu.memory_space<semaphore_mem>>)
        %dma_start3A_409 = arith.constant 1 : i32
        %dma_start3A_410 = arith.constant 0 : i32
        %dma_start3A_411 = tpu.memref_slice %arg4[%dma_start3A_409, %dma_start3A_410] : memref<2x320000xi32, #tpu.memory_space<hbm>> -> memref<1x320000xi32, #tpu.memory_space<hbm>>
        %dma_start3A_412 = tpu.memref_squeeze %dma_start3A_411 : memref<1x320000xi32, #tpu.memory_space<hbm>> -> memref<320000xi32, #tpu.memory_space<hbm>>
        %dma_start3A_413 = tpu.memref_slice %dma_start3A_412[%add3A_399] : memref<320000xi32, #tpu.memory_space<hbm>> -> memref<80xi32, #tpu.memory_space<hbm>>
        %dma_start3A_414 = arith.constant 0 : i32
        %dma_start3A_415 = tpu.memref_slice %arg4[%dma_start3A_409, %dma_start3A_414] : memref<2x320000xi32, #tpu.memory_space<hbm>> -> memref<1x320000xi32, #tpu.memory_space<hbm>>
        %dma_start3A_416 = tpu.memref_squeeze %dma_start3A_415 : memref<1x320000xi32, #tpu.memory_space<hbm>> -> memref<320000xi32, #tpu.memory_space<hbm>>
        %dma_start3A_417 = tpu.memref_slice %dma_start3A_416[%add3A_399] : memref<320000xi32, #tpu.memory_space<hbm>> -> memref<80xi32, #tpu.memory_space<hbm>>
        tpu.enqueue_dma source(%dma_start3A_417 : memref<80xi32, #tpu.memory_space<hbm>>) target(%arg8 : memref<80xi32, #tpu.memory_space<vmem>>) target_semaphore(%arg21 : memref<!tpu.dma_semaphore, #tpu.memory_space<semaphore_mem>>)
      } else {
      }
      %add3A_337 = arith.constant 1 : i32
      %add3A_338 = arith.addi %add3A_282, %add3A_337 : i32
      %add3A_339 = arith.constant 1 : i32
      %add3A_340 = arith.addi %add3A_338, %add3A_339 : i32
      %lt3A_341 = arith.constant 125 : i32
      %lt3A_342 = arith.cmpi slt, %add3A_340, %lt3A_341 : i32
      %convert_element_type3A_343 = arith.extui %lt3A_342 : i1 to i32
      %cond3A_344 = arith.constant 0 : i32
      %cond3A_345 = arith.cmpi ne, %convert_element_type3A_343, %cond3A_344 : i32
      scf.if %cond3A_345 {
        %add3A_393 = arith.constant 1 : i32
        %add3A_394 = arith.addi %add3A_338, %add3A_393 : i32
        %mul3A_395 = arith.constant 10000 : i32
        %mul3A_396 = arith.muli %add3A, %mul3A_395 : i32
        %mul3A_397 = arith.constant 80 : i32
        %mul3A_398 = arith.muli %add3A_394, %mul3A_397 : i32
        %add3A_399 = arith.addi %mul3A_396, %mul3A_398 : i32
        %dma_wait3A_400 = arith.constant 0 : i32
        %dma_wait3A_401 = arith.constant 0 : i32
        %dma_wait3A_402 = tpu.memref_slice %arg4[%dma_wait3A_400, %dma_wait3A_401] : memref<2x320000xi32, #tpu.memory_space<hbm>> -> memref<1x320000xi32, #tpu.memory_space<hbm>>
        %dma_wait3A_403 = tpu.memref_squeeze %dma_wait3A_402 : memref<1x320000xi32, #tpu.memory_space<hbm>> -> memref<320000xi32, #tpu.memory_space<hbm>>
        %dma_wait3A_404 = tpu.memref_slice %dma_wait3A_403[%add3A_399] : memref<320000xi32, #tpu.memory_space<hbm>> -> memref<80xi32, #tpu.memory_space<hbm>>
        %dma_wait3A_405 = arith.constant 0 : i32
        %dma_wait3A_406 = tpu.memref_slice %arg4[%dma_wait3A_400, %dma_wait3A_405] : memref<2x320000xi32, #tpu.memory_space<hbm>> -> memref<1x320000xi32, #tpu.memory_space<hbm>>
        %dma_wait3A_407 = tpu.memref_squeeze %dma_wait3A_406 : memref<1x320000xi32, #tpu.memory_space<hbm>> -> memref<320000xi32, #tpu.memory_space<hbm>>
        %dma_wait3A_408 = tpu.memref_slice %dma_wait3A_407[%add3A_399] : memref<320000xi32, #tpu.memory_space<hbm>> -> memref<80xi32, #tpu.memory_space<hbm>>
        tpu.wait_dma2 semaphore(%arg21 : memref<!tpu.dma_semaphore, #tpu.memory_space<semaphore_mem>>) src(%dma_wait3A_408 : memref<80xi32, #tpu.memory_space<hbm>>) dst(%arg7 : memref<80xi32, #tpu.memory_space<vmem>>)
        %dma_wait3A_409 = arith.constant 1 : i32
        %dma_wait3A_410 = arith.constant 0 : i32
        %dma_wait3A_411 = tpu.memref_slice %arg4[%dma_wait3A_409, %dma_wait3A_410] : memref<2x320000xi32, #tpu.memory_space<hbm>> -> memref<1x320000xi32, #tpu.memory_space<hbm>>
        %dma_wait3A_412 = tpu.memref_squeeze %dma_wait3A_411 : memref<1x320000xi32, #tpu.memory_space<hbm>> -> memref<320000xi32, #tpu.memory_space<hbm>>
        %dma_wait3A_413 = tpu.memref_slice %dma_wait3A_412[%add3A_399] : memref<320000xi32, #tpu.memory_space<hbm>> -> memref<80xi32, #tpu.memory_space<hbm>>
        %dma_wait3A_414 = arith.constant 0 : i32
        %dma_wait3A_415 = tpu.memref_slice %arg4[%dma_wait3A_409, %dma_wait3A_414] : memref<2x320000xi32, #tpu.memory_space<hbm>> -> memref<1x320000xi32, #tpu.memory_space<hbm>>
        %dma_wait3A_416 = tpu.memref_squeeze %dma_wait3A_415 : memref<1x320000xi32, #tpu.memory_space<hbm>> -> memref<320000xi32, #tpu.memory_space<hbm>>
        %dma_wait3A_417 = tpu.memref_slice %dma_wait3A_416[%add3A_399] : memref<320000xi32, #tpu.memory_space<hbm>> -> memref<80xi32, #tpu.memory_space<hbm>>
        tpu.wait_dma2 semaphore(%arg21 : memref<!tpu.dma_semaphore, #tpu.memory_space<semaphore_mem>>) src(%dma_wait3A_417 : memref<80xi32, #tpu.memory_space<hbm>>) dst(%arg8 : memref<80xi32, #tpu.memory_space<vmem>>)
        %dma_start3A_418 = arith.constant 0 : i32
        %dma_start3A_419 = arith.constant 0 : i32
        %dma_start3A_420 = tpu.memref_slice %arg2[%dma_start3A_418, %dma_start3A_419] : memref<10000x16xf32, #tpu.memory_space<hbm>> -> memref<10000x16xf32, #tpu.memory_space<hbm>>
        tpu.enqueue_indirect_dma source(%dma_start3A_420 : memref<10000x16xf32, #tpu.memory_space<hbm>>) target(%arg9 : memref<80x16xf32, #tpu.memory_space<vmem>>) offsets(%arg7 : memref<80xi32, #tpu.memory_space<vmem>>) semaphore(%arg23 : memref<!tpu.dma_semaphore, #tpu.memory_space<semaphore_mem>>)
        %dma_start3A_421 = arith.constant 0 : i32
        %dma_start3A_422 = arith.constant 0 : i32
        %dma_start3A_423 = tpu.memref_slice %arg2[%dma_start3A_421, %dma_start3A_422] : memref<10000x16xf32, #tpu.memory_space<hbm>> -> memref<10000x16xf32, #tpu.memory_space<hbm>>
        tpu.enqueue_indirect_dma source(%dma_start3A_423 : memref<10000x16xf32, #tpu.memory_space<hbm>>) target(%arg10 : memref<80x16xf32, #tpu.memory_space<vmem>>) offsets(%arg8 : memref<80xi32, #tpu.memory_space<vmem>>) semaphore(%arg23 : memref<!tpu.dma_semaphore, #tpu.memory_space<semaphore_mem>>)
        %dma_start3A_424 = arith.constant 0 : i32
        %dma_start3A_425 = arith.constant 0 : i32
        %dma_start3A_426 = tpu.memref_slice %arg3[%dma_start3A_424, %dma_start3A_425] : memref<10000x128xbf16, #tpu.memory_space<hbm>> -> memref<10000x128xbf16, #tpu.memory_space<hbm>>
        tpu.enqueue_indirect_dma source(%dma_start3A_426 : memref<10000x128xbf16, #tpu.memory_space<hbm>>) target(%arg11 : memref<80x128xbf16, #tpu.memory_space<vmem>>) offsets(%arg7 : memref<80xi32, #tpu.memory_space<vmem>>) semaphore(%arg23 : memref<!tpu.dma_semaphore, #tpu.memory_space<semaphore_mem>>)
      } else {
      }
      %dma_wait3A_346 = arith.constant 0 : i32
      %dma_wait3A_347 = arith.constant 0 : i32
      %dma_wait3A_348 = tpu.memref_slice %arg2[%dma_wait3A_346, %dma_wait3A_347] : memref<10000x16xf32, #tpu.memory_space<hbm>> -> memref<10000x16xf32, #tpu.memory_space<hbm>>
      tpu.wait_indirect_dma semaphore(%arg24 : memref<!tpu.dma_semaphore, #tpu.memory_space<semaphore_mem>>) src(%dma_wait3A_348 : memref<10000x16xf32, #tpu.memory_space<hbm>>) dst(%arg16 : memref<80x16xf32, #tpu.memory_space<vmem>>)
      %dma_wait3A_349 = arith.constant 0 : i32
      %dma_wait3A_350 = arith.constant 0 : i32
      %dma_wait3A_351 = tpu.memref_slice %arg2[%dma_wait3A_349, %dma_wait3A_350] : memref<10000x16xf32, #tpu.memory_space<hbm>> -> memref<10000x16xf32, #tpu.memory_space<hbm>>
      tpu.wait_indirect_dma semaphore(%arg24 : memref<!tpu.dma_semaphore, #tpu.memory_space<semaphore_mem>>) src(%dma_wait3A_351 : memref<10000x16xf32, #tpu.memory_space<hbm>>) dst(%arg17 : memref<80x16xf32, #tpu.memory_space<vmem>>)
      %dma_wait3A_352 = arith.constant 0 : i32
      %dma_wait3A_353 = arith.constant 0 : i32
      %dma_wait3A_354 = tpu.memref_slice %arg3[%dma_wait3A_352, %dma_wait3A_353] : memref<10000x128xbf16, #tpu.memory_space<hbm>> -> memref<10000x128xbf16, #tpu.memory_space<hbm>>
      tpu.wait_indirect_dma semaphore(%arg24 : memref<!tpu.dma_semaphore, #tpu.memory_space<semaphore_mem>>) src(%dma_wait3A_354 : memref<10000x128xbf16, #tpu.memory_space<hbm>>) dst(%arg18 : memref<80x128xbf16, #tpu.memory_space<vmem>>)
      %ge3A_355 = arith.constant 2 : i32
      %ge3A_356 = arith.cmpi sge, %add3A_338, %ge3A_355 : i32
      %convert_element_type3A_357 = arith.extui %ge3A_356 : i1 to i32
      %cond3A_358 = arith.constant 0 : i32
      %cond3A_359 = arith.cmpi ne, %convert_element_type3A_357, %cond3A_358 : i32
      scf.if %cond3A_359 {
        %dma_wait3A_393 = arith.constant 0 : i32
        %dma_wait3A_394 = arith.constant 0 : i32
        %dma_wait3A_395 = tpu.memref_slice %arg6[%dma_wait3A_393, %dma_wait3A_394] : memref<10000x144xf32, #tpu.memory_space<vmem_shared>> -> memref<10000x144xf32, #tpu.memory_space<vmem_shared>>
        tpu.wait_indirect_dma semaphore(%arg26 : memref<!tpu.dma_semaphore, #tpu.memory_space<semaphore_mem>>) src(%arg19 : memref<80x144xf32, #tpu.memory_space<vmem>>) dst(%dma_wait3A_395 : memref<10000x144xf32, #tpu.memory_space<vmem_shared>>)
      } else {
      }
      %get3A_360 = arith.constant 0 : index
      %get3A_361 = tpu.vector_load %arg15[%get3A_360] {strides = array<i32>} : memref<80xi32, #tpu.memory_space<vmem>>, vector<16xi32>,
      %swap3A_362 = arith.constant 0 : index
      %swap3A_363 = tpu.vector_load %arg20[%swap3A_362] {strides = array<i32>} : memref<80xi32, #tpu.memory_space<vmem>>, vector<16xi32>,
      tpu.vector_store %arg20[%swap3A_362], %get3A_361 {strides = array<i32>} : memref<80xi32, #tpu.memory_space<vmem>>, vector<16xi32>,
      %get3A_364 = arith.constant 16 : index
      %get3A_365 = tpu.vector_load %arg15[%get3A_364] {strides = array<i32>} : memref<80xi32, #tpu.memory_space<vmem>>, vector<16xi32>,
      %swap3A_366 = arith.constant 16 : index
      %swap3A_367 = tpu.vector_load %arg20[%swap3A_366] {strides = array<i32>} : memref<80xi32, #tpu.memory_space<vmem>>, vector<16xi32>,
      tpu.vector_store %arg20[%swap3A_366], %get3A_365 {strides = array<i32>} : memref<80xi32, #tpu.memory_space<vmem>>, vector<16xi32>,
      %get3A_368 = arith.constant 32 : index
      %get3A_369 = tpu.vector_load %arg15[%get3A_368] {strides = array<i32>} : memref<80xi32, #tpu.memory_space<vmem>>, vector<16xi32>,
      %swap3A_370 = arith.constant 32 : index
      %swap3A_371 = tpu.vector_load %arg20[%swap3A_370] {strides = array<i32>} : memref<80xi32, #tpu.memory_space<vmem>>, vector<16xi32>,
      tpu.vector_store %arg20[%swap3A_370], %get3A_369 {strides = array<i32>} : memref<80xi32, #tpu.memory_space<vmem>>, vector<16xi32>,
      %get3A_372 = arith.constant 48 : index
      %get3A_373 = tpu.vector_load %arg15[%get3A_372] {strides = array<i32>} : memref<80xi32, #tpu.memory_space<vmem>>, vector<16xi32>,
      %swap3A_374 = arith.constant 48 : index
      %swap3A_375 = tpu.vector_load %arg20[%swap3A_374] {strides = array<i32>} : memref<80xi32, #tpu.memory_space<vmem>>, vector<16xi32>,
      tpu.vector_store %arg20[%swap3A_374], %get3A_373 {strides = array<i32>} : memref<80xi32, #tpu.memory_space<vmem>>, vector<16xi32>,
      %get3A_376 = arith.constant 64 : index
      %get3A_377 = tpu.vector_load %arg15[%get3A_376] {strides = array<i32>} : memref<80xi32, #tpu.memory_space<vmem>>, vector<16xi32>,
      %swap3A_378 = arith.constant 64 : index
      %swap3A_379 = tpu.vector_load %arg20[%swap3A_378] {strides = array<i32>} : memref<80xi32, #tpu.memory_space<vmem>>, vector<16xi32>,
      tpu.vector_store %arg20[%swap3A_378], %get3A_377 {strides = array<i32>} : memref<80xi32, #tpu.memory_space<vmem>>, vector<16xi32>,
      %parallel_loop3A_380 = arith.constant 0 : i32
      %parallel_loop3A_381 = arith.constant 80 : i32
      %parallel_loop3A_382 = arith.constant 1 : i32
      scf.for %parallel_loop3A_393 = %parallel_loop3A_380 to %parallel_loop3A_381 step %parallel_loop3A_382  : i32 {
        %parallel_loop3A_394 = arith.index_cast %parallel_loop3A_393 : i32 to index
        %parallel_loop3A_395 = arith.constant 0 : index
        %parallel_loop3A_396 = tpu.vector_load %arg16[%parallel_loop3A_394, %parallel_loop3A_395] {strides = array<i32>} : memref<80x16xf32, #tpu.memory_space<vmem>>, vector<16xf32>,
        %parallel_loop3A_397 = arith.index_cast %parallel_loop3A_393 : i32 to index
        %parallel_loop3A_398 = arith.constant 0 : index
        %parallel_loop3A_399 = tpu.vector_load %arg17[%parallel_loop3A_397, %parallel_loop3A_398] {strides = array<i32>} : memref<80x16xf32, #tpu.memory_space<vmem>>, vector<16xf32>,
        %parallel_loop3A_400 = vector.shape_cast %add3A_5 : vector<16xi32> to vector<16x1xi32>
        %parallel_loop3A_401 = vector.shape_cast %parallel_loop3A_400 : vector<16x1xi32> to vector<16xi32>
        %parallel_loop3A_402 = tpu.dynamic_gather %parallel_loop3A_399[%parallel_loop3A_401] in [0] : vector<16xf32>, vector<16xi32> -> vector<16xf32>
        %parallel_loop3A_403 = arith.addf %parallel_loop3A_396, %parallel_loop3A_402 : vector<16xf32>
        %parallel_loop3A_404 = arith.constant 0.000000e+00 : f32
        %parallel_loop3A_405 = vector.broadcast %parallel_loop3A_404 : f32 to vector<16xf32>
        %parallel_loop3A_406 = arith.cmpf oge, %parallel_loop3A_403, %parallel_loop3A_405 : vector<16xf32>
        %parallel_loop3A_407 = arith.constant 0.00999999977 : f32
        %parallel_loop3A_408 = vector.broadcast %parallel_loop3A_407 : f32 to vector<16xf32>
        %parallel_loop3A_409 = arith.mulf %parallel_loop3A_403, %parallel_loop3A_408 : vector<16xf32>
        %parallel_loop3A_410 = arith.select %parallel_loop3A_406, %parallel_loop3A_403, %parallel_loop3A_409 : vector<16xi1>, vector<16xf32>
        %parallel_loop3A_411 = math.exp %parallel_loop3A_410 : vector<16xf32>
        %parallel_loop3A_412 = arith.index_cast %parallel_loop3A_393 : i32 to index
        %parallel_loop3A_413 = arith.constant 128 : index
        %parallel_loop3A_414 = tpu.vector_load %arg19[%parallel_loop3A_412, %parallel_loop3A_413] {strides = array<i32>} : memref<80x144xf32, #tpu.memory_space<vmem>>, vector<16xf32>,
        tpu.vector_store %arg19[%parallel_loop3A_412, %parallel_loop3A_413], %parallel_loop3A_411 {strides = array<i32>} : memref<80x144xf32, #tpu.memory_space<vmem>>, vector<16xf32>,
        %parallel_loop3A_415 = arith.index_cast %parallel_loop3A_393 : i32 to index
        %parallel_loop3A_416 = arith.constant 0 : index
        %parallel_loop3A_417 = tpu.vector_load %arg18[%parallel_loop3A_415, %parallel_loop3A_416] {strides = array<i32>} : memref<80x128xbf16, #tpu.memory_space<vmem>>, vector<32xbf16>,
        %parallel_loop3A_418 = tpu.unpack_subelements %parallel_loop3A_417, 0 {pack_format = #tpu.pack_format<interleaved>} : vector<32xbf16> -> vector<16xf32>
        %parallel_loop3A_419 = tpu.unpack_subelements %parallel_loop3A_417, 1 {pack_format = #tpu.pack_format<interleaved>} : vector<32xbf16> -> vector<16xf32>
        %parallel_loop3A_420 = vector.shape_cast %broadcast_in_dim3A_6 : vector<16xi32> to vector<16x1xi32>
        %parallel_loop3A_421 = vector.shape_cast %parallel_loop3A_420 : vector<16x1xi32> to vector<16xi32>
        %parallel_loop3A_422 = tpu.dynamic_gather %parallel_loop3A_411[%parallel_loop3A_421] in [0] : vector<16xf32>, vector<16xi32> -> vector<16xf32>
        %parallel_loop3A_423 = vector.shape_cast %broadcast_in_dim3A_8 : vector<16xi32> to vector<16x1xi32>
        %parallel_loop3A_424 = vector.shape_cast %parallel_loop3A_423 : vector<16x1xi32> to vector<16xi32>
        %parallel_loop3A_425 = tpu.dynamic_gather %parallel_loop3A_411[%parallel_loop3A_424] in [0] : vector<16xf32>, vector<16xi32> -> vector<16xf32>
        %parallel_loop3A_426 = arith.mulf %parallel_loop3A_418, %parallel_loop3A_422 : vector<16xf32>
        %parallel_loop3A_427 = arith.index_cast %parallel_loop3A_393 : i32 to index
        %parallel_loop3A_428 = arith.constant 0 : index
        %parallel_loop3A_429 = tpu.vector_load %arg19[%parallel_loop3A_427, %parallel_loop3A_428] {strides = array<i32>} : memref<80x144xf32, #tpu.memory_space<vmem>>, vector<16xf32>,
        tpu.vector_store %arg19[%parallel_loop3A_427, %parallel_loop3A_428], %parallel_loop3A_426 {strides = array<i32>} : memref<80x144xf32, #tpu.memory_space<vmem>>, vector<16xf32>,
        %parallel_loop3A_430 = arith.mulf %parallel_loop3A_419, %parallel_loop3A_425 : vector<16xf32>
        %parallel_loop3A_431 = arith.index_cast %parallel_loop3A_393 : i32 to index
        %parallel_loop3A_432 = arith.constant 16 : index
        %parallel_loop3A_433 = tpu.vector_load %arg19[%parallel_loop3A_431, %parallel_loop3A_432] {strides = array<i32>} : memref<80x144xf32, #tpu.memory_space<vmem>>, vector<16xf32>,
        tpu.vector_store %arg19[%parallel_loop3A_431, %parallel_loop3A_432], %parallel_loop3A_430 {strides = array<i32>} : memref<80x144xf32, #tpu.memory_space<vmem>>, vector<16xf32>,
        %parallel_loop3A_434 = arith.index_cast %parallel_loop3A_393 : i32 to index
        %parallel_loop3A_435 = arith.constant 32 : index
        %parallel_loop3A_436 = tpu.vector_load %arg18[%parallel_loop3A_434, %parallel_loop3A_435] {strides = array<i32>} : memref<80x128xbf16, #tpu.memory_space<vmem>>, vector<32xbf16>,
        %parallel_loop3A_437 = tpu.unpack_subelements %parallel_loop3A_436, 0 {pack_format = #tpu.pack_format<interleaved>} : vector<32xbf16> -> vector<16xf32>
        %parallel_loop3A_438 = tpu.unpack_subelements %parallel_loop3A_436, 1 {pack_format = #tpu.pack_format<interleaved>} : vector<32xbf16> -> vector<16xf32>
        %parallel_loop3A_439 = vector.shape_cast %broadcast_in_dim3A_10 : vector<16xi32> to vector<16x1xi32>
        %parallel_loop3A_440 = vector.shape_cast %parallel_loop3A_439 : vector<16x1xi32> to vector<16xi32>
        %parallel_loop3A_441 = tpu.dynamic_gather %parallel_loop3A_411[%parallel_loop3A_440] in [0] : vector<16xf32>, vector<16xi32> -> vector<16xf32>
        %parallel_loop3A_442 = vector.shape_cast %broadcast_in_dim3A_12 : vector<16xi32> to vector<16x1xi32>
        %parallel_loop3A_443 = vector.shape_cast %parallel_loop3A_442 : vector<16x1xi32> to vector<16xi32>
        %parallel_loop3A_444 = tpu.dynamic_gather %parallel_loop3A_411[%parallel_loop3A_443] in [0] : vector<16xf32>, vector<16xi32> -> vector<16xf32>
        %parallel_loop3A_445 = arith.mulf %parallel_loop3A_437, %parallel_loop3A_441 : vector<16xf32>
        %parallel_loop3A_446 = arith.index_cast %parallel_loop3A_393 : i32 to index
        %parallel_loop3A_447 = arith.constant 32 : index
        %parallel_loop3A_448 = tpu.vector_load %arg19[%parallel_loop3A_446, %parallel_loop3A_447] {strides = array<i32>} : memref<80x144xf32, #tpu.memory_space<vmem>>, vector<16xf32>,
        tpu.vector_store %arg19[%parallel_loop3A_446, %parallel_loop3A_447], %parallel_loop3A_445 {strides = array<i32>} : memref<80x144xf32, #tpu.memory_space<vmem>>, vector<16xf32>,
        %parallel_loop3A_449 = arith.mulf %parallel_loop3A_438, %parallel_loop3A_444 : vector<16xf32>
        %parallel_loop3A_450 = arith.index_cast %parallel_loop3A_393 : i32 to index
        %parallel_loop3A_451 = arith.constant 48 : index
        %parallel_loop3A_452 = tpu.vector_load %arg19[%parallel_loop3A_450, %parallel_loop3A_451] {strides = array<i32>} : memref<80x144xf32, #tpu.memory_space<vmem>>, vector<16xf32>,
        tpu.vector_store %arg19[%parallel_loop3A_450, %parallel_loop3A_451], %parallel_loop3A_449 {strides = array<i32>} : memref<80x144xf32, #tpu.memory_space<vmem>>, vector<16xf32>,
        %parallel_loop3A_453 = arith.index_cast %parallel_loop3A_393 : i32 to index
        %parallel_loop3A_454 = arith.constant 64 : index
        %parallel_loop3A_455 = tpu.vector_load %arg18[%parallel_loop3A_453, %parallel_loop3A_454] {strides = array<i32>} : memref<80x128xbf16, #tpu.memory_space<vmem>>, vector<32xbf16>,
        %parallel_loop3A_456 = tpu.unpack_subelements %parallel_loop3A_455, 0 {pack_format = #tpu.pack_format<interleaved>} : vector<32xbf16> -> vector<16xf32>
        %parallel_loop3A_457 = tpu.unpack_subelements %parallel_loop3A_455, 1 {pack_format = #tpu.pack_format<interleaved>} : vector<32xbf16> -> vector<16xf32>
        %parallel_loop3A_458 = vector.shape_cast %broadcast_in_dim3A_14 : vector<16xi32> to vector<16x1xi32>
        %parallel_loop3A_459 = vector.shape_cast %parallel_loop3A_458 : vector<16x1xi32> to vector<16xi32>
        %parallel_loop3A_460 = tpu.dynamic_gather %parallel_loop3A_411[%parallel_loop3A_459] in [0] : vector<16xf32>, vector<16xi32> -> vector<16xf32>
        %parallel_loop3A_461 = vector.shape_cast %broadcast_in_dim3A_16 : vector<16xi32> to vector<16x1xi32>
        %parallel_loop3A_462 = vector.shape_cast %parallel_loop3A_461 : vector<16x1xi32> to vector<16xi32>
        %parallel_loop3A_463 = tpu.dynamic_gather %parallel_loop3A_411[%parallel_loop3A_462] in [0] : vector<16xf32>, vector<16xi32> -> vector<16xf32>
        %parallel_loop3A_464 = arith.mulf %parallel_loop3A_456, %parallel_loop3A_460 : vector<16xf32>
        %parallel_loop3A_465 = arith.index_cast %parallel_loop3A_393 : i32 to index
        %parallel_loop3A_466 = arith.constant 64 : index
        %parallel_loop3A_467 = tpu.vector_load %arg19[%parallel_loop3A_465, %parallel_loop3A_466] {strides = array<i32>} : memref<80x144xf32, #tpu.memory_space<vmem>>, vector<16xf32>,
        tpu.vector_store %arg19[%parallel_loop3A_465, %parallel_loop3A_466], %parallel_loop3A_464 {strides = array<i32>} : memref<80x144xf32, #tpu.memory_space<vmem>>, vector<16xf32>,
        %parallel_loop3A_468 = arith.mulf %parallel_loop3A_457, %parallel_loop3A_463 : vector<16xf32>
        %parallel_loop3A_469 = arith.index_cast %parallel_loop3A_393 : i32 to index
        %parallel_loop3A_470 = arith.constant 80 : index
        %parallel_loop3A_471 = tpu.vector_load %arg19[%parallel_loop3A_469, %parallel_loop3A_470] {strides = array<i32>} : memref<80x144xf32, #tpu.memory_space<vmem>>, vector<16xf32>,
        tpu.vector_store %arg19[%parallel_loop3A_469, %parallel_loop3A_470], %parallel_loop3A_468 {strides = array<i32>} : memref<80x144xf32, #tpu.memory_space<vmem>>, vector<16xf32>,
        %parallel_loop3A_472 = arith.index_cast %parallel_loop3A_393 : i32 to index
        %parallel_loop3A_473 = arith.constant 96 : index
        %parallel_loop3A_474 = tpu.vector_load %arg18[%parallel_loop3A_472, %parallel_loop3A_473] {strides = array<i32>} : memref<80x128xbf16, #tpu.memory_space<vmem>>, vector<32xbf16>,
        %parallel_loop3A_475 = tpu.unpack_subelements %parallel_loop3A_474, 0 {pack_format = #tpu.pack_format<interleaved>} : vector<32xbf16> -> vector<16xf32>
        %parallel_loop3A_476 = tpu.unpack_subelements %parallel_loop3A_474, 1 {pack_format = #tpu.pack_format<interleaved>} : vector<32xbf16> -> vector<16xf32>
        %parallel_loop3A_477 = vector.shape_cast %broadcast_in_dim3A_18 : vector<16xi32> to vector<16x1xi32>
        %parallel_loop3A_478 = vector.shape_cast %parallel_loop3A_477 : vector<16x1xi32> to vector<16xi32>
        %parallel_loop3A_479 = tpu.dynamic_gather %parallel_loop3A_411[%parallel_loop3A_478] in [0] : vector<16xf32>, vector<16xi32> -> vector<16xf32>
        %parallel_loop3A_480 = vector.shape_cast %broadcast_in_dim3A_20 : vector<16xi32> to vector<16x1xi32>
        %parallel_loop3A_481 = vector.shape_cast %parallel_loop3A_480 : vector<16x1xi32> to vector<16xi32>
        %parallel_loop3A_482 = tpu.dynamic_gather %parallel_loop3A_411[%parallel_loop3A_481] in [0] : vector<16xf32>, vector<16xi32> -> vector<16xf32>
        %parallel_loop3A_483 = arith.mulf %parallel_loop3A_475, %parallel_loop3A_479 : vector<16xf32>
        %parallel_loop3A_484 = arith.index_cast %parallel_loop3A_393 : i32 to index
        %parallel_loop3A_485 = arith.constant 96 : index
        %parallel_loop3A_486 = tpu.vector_load %arg19[%parallel_loop3A_484, %parallel_loop3A_485] {strides = array<i32>} : memref<80x144xf32, #tpu.memory_space<vmem>>, vector<16xf32>,
        tpu.vector_store %arg19[%parallel_loop3A_484, %parallel_loop3A_485], %parallel_loop3A_483 {strides = array<i32>} : memref<80x144xf32, #tpu.memory_space<vmem>>, vector<16xf32>,
        %parallel_loop3A_487 = arith.mulf %parallel_loop3A_476, %parallel_loop3A_482 : vector<16xf32>
        %parallel_loop3A_488 = arith.index_cast %parallel_loop3A_393 : i32 to index
        %parallel_loop3A_489 = arith.constant 112 : index
        %parallel_loop3A_490 = tpu.vector_load %arg19[%parallel_loop3A_488, %parallel_loop3A_489] {strides = array<i32>} : memref<80x144xf32, #tpu.memory_space<vmem>>, vector<16xf32>,
        tpu.vector_store %arg19[%parallel_loop3A_488, %parallel_loop3A_489], %parallel_loop3A_487 {strides = array<i32>} : memref<80x144xf32, #tpu.memory_space<vmem>>, vector<16xf32>,
      } {sc.loop_unroll_factor = 4 : i64, sc.parallel_access}
      %dma_start3A_383 = arith.constant 0 : i32
      %dma_start3A_384 = arith.constant 0 : i32
      %dma_start3A_385 = tpu.memref_slice %arg6[%dma_start3A_383, %dma_start3A_384] : memref<10000x144xf32, #tpu.memory_space<vmem_shared>> -> memref<10000x144xf32, #tpu.memory_space<vmem_shared>>
      tpu.enqueue_indirect_dma source(%arg19 : memref<80x144xf32, #tpu.memory_space<vmem>>) target(%dma_start3A_385 : memref<10000x144xf32, #tpu.memory_space<vmem_shared>>) offsets(%arg20 : memref<80xi32, #tpu.memory_space<vmem>>) semaphore(%arg26 : memref<!tpu.dma_semaphore, #tpu.memory_space<semaphore_mem>>) {add = true}
      %add3A_386 = arith.constant 2 : i32
      %add3A_387 = arith.addi %add3A_338, %add3A_386 : i32
      %lt3A_388 = arith.constant 125 : i32
      %lt3A_389 = arith.cmpi slt, %add3A_387, %lt3A_388 : i32
      %convert_element_type3A_390 = arith.extui %lt3A_389 : i1 to i32
      %cond3A_391 = arith.constant 0 : i32
      %cond3A_392 = arith.cmpi ne, %convert_element_type3A_390, %cond3A_391 : i32
      scf.if %cond3A_392 {
        %add3A_393 = arith.constant 2 : i32
        %add3A_394 = arith.addi %add3A_338, %add3A_393 : i32
        %mul3A_395 = arith.constant 10000 : i32
        %mul3A_396 = arith.muli %add3A, %mul3A_395 : i32
        %mul3A_397 = arith.constant 80 : i32
        %mul3A_398 = arith.muli %add3A_394, %mul3A_397 : i32
        %add3A_399 = arith.addi %mul3A_396, %mul3A_398 : i32
        %dma_start3A_400 = arith.constant 0 : i32
        %dma_start3A_401 = arith.constant 0 : i32
        %dma_start3A_402 = tpu.memref_slice %arg4[%dma_start3A_400, %dma_start3A_401] : memref<2x320000xi32, #tpu.memory_space<hbm>> -> memref<1x320000xi32, #tpu.memory_space<hbm>>
        %dma_start3A_403 = tpu.memref_squeeze %dma_start3A_402 : memref<1x320000xi32, #tpu.memory_space<hbm>> -> memref<320000xi32, #tpu.memory_space<hbm>>
        %dma_start3A_404 = tpu.memref_slice %dma_start3A_403[%add3A_399] : memref<320000xi32, #tpu.memory_space<hbm>> -> memref<80xi32, #tpu.memory_space<hbm>>
        %dma_start3A_405 = arith.constant 0 : i32
        %dma_start3A_406 = tpu.memref_slice %arg4[%dma_start3A_400, %dma_start3A_405] : memref<2x320000xi32, #tpu.memory_space<hbm>> -> memref<1x320000xi32, #tpu.memory_space<hbm>>
        %dma_start3A_407 = tpu.memref_squeeze %dma_start3A_406 : memref<1x320000xi32, #tpu.memory_space<hbm>> -> memref<320000xi32, #tpu.memory_space<hbm>>
        %dma_start3A_408 = tpu.memref_slice %dma_start3A_407[%add3A_399] : memref<320000xi32, #tpu.memory_space<hbm>> -> memref<80xi32, #tpu.memory_space<hbm>>
        tpu.enqueue_dma source(%dma_start3A_408 : memref<80xi32, #tpu.memory_space<hbm>>) target(%arg14 : memref<80xi32, #tpu.memory_space<vmem>>) target_semaphore(%arg22 : memref<!tpu.dma_semaphore, #tpu.memory_space<semaphore_mem>>)
        %dma_start3A_409 = arith.constant 1 : i32
        %dma_start3A_410 = arith.constant 0 : i32
        %dma_start3A_411 = tpu.memref_slice %arg4[%dma_start3A_409, %dma_start3A_410] : memref<2x320000xi32, #tpu.memory_space<hbm>> -> memref<1x320000xi32, #tpu.memory_space<hbm>>
        %dma_start3A_412 = tpu.memref_squeeze %dma_start3A_411 : memref<1x320000xi32, #tpu.memory_space<hbm>> -> memref<320000xi32, #tpu.memory_space<hbm>>
        %dma_start3A_413 = tpu.memref_slice %dma_start3A_412[%add3A_399] : memref<320000xi32, #tpu.memory_space<hbm>> -> memref<80xi32, #tpu.memory_space<hbm>>
        %dma_start3A_414 = arith.constant 0 : i32
        %dma_start3A_415 = tpu.memref_slice %arg4[%dma_start3A_409, %dma_start3A_414] : memref<2x320000xi32, #tpu.memory_space<hbm>> -> memref<1x320000xi32, #tpu.memory_space<hbm>>
        %dma_start3A_416 = tpu.memref_squeeze %dma_start3A_415 : memref<1x320000xi32, #tpu.memory_space<hbm>> -> memref<320000xi32, #tpu.memory_space<hbm>>
        %dma_start3A_417 = tpu.memref_slice %dma_start3A_416[%add3A_399] : memref<320000xi32, #tpu.memory_space<hbm>> -> memref<80xi32, #tpu.memory_space<hbm>>
        tpu.enqueue_dma source(%dma_start3A_417 : memref<80xi32, #tpu.memory_space<hbm>>) target(%arg15 : memref<80xi32, #tpu.memory_space<vmem>>) target_semaphore(%arg22 : memref<!tpu.dma_semaphore, #tpu.memory_space<semaphore_mem>>)
      } else {
      }
    }
    %scan3A_213 = arith.constant 62 : i32
    %add3A_214 = arith.constant 124 : i32
    %add3A_215 = arith.constant 1 : i32
    %add3A_216 = arith.addi %add3A_214, %add3A_215 : i32
    %lt3A_217 = arith.constant 125 : i32
    %lt3A_218 = arith.cmpi slt, %add3A_216, %lt3A_217 : i32
    %convert_element_type3A_219 = arith.extui %lt3A_218 : i1 to i32
    %cond3A_220 = arith.constant 124 : i32
    %cond3A_221 = arith.constant 0 : i32
    %cond3A_222 = arith.cmpi ne, %convert_element_type3A_219, %cond3A_221 : i32
    scf.if %cond3A_222 {
      %add3A_278 = arith.constant 1 : i32
      %add3A_279 = arith.addi %cond3A_220, %add3A_278 : i32
      %mul3A_280 = arith.constant 10000 : i32
      %mul3A_281 = arith.muli %add3A, %mul3A_280 : i32
      %mul3A_282 = arith.constant 80 : i32
      %mul3A_283 = arith.muli %add3A_279, %mul3A_282 : i32
      %add3A_284 = arith.addi %mul3A_281, %mul3A_283 : i32
      %dma_wait3A_285 = arith.constant 0 : i32
      %dma_wait3A_286 = arith.constant 0 : i32
      %dma_wait3A_287 = tpu.memref_slice %arg4[%dma_wait3A_285, %dma_wait3A_286] : memref<2x320000xi32, #tpu.memory_space<hbm>> -> memref<1x320000xi32, #tpu.memory_space<hbm>>
      %dma_wait3A_288 = tpu.memref_squeeze %dma_wait3A_287 : memref<1x320000xi32, #tpu.memory_space<hbm>> -> memref<320000xi32, #tpu.memory_space<hbm>>
      %dma_wait3A_289 = tpu.memref_slice %dma_wait3A_288[%add3A_284] : memref<320000xi32, #tpu.memory_space<hbm>> -> memref<80xi32, #tpu.memory_space<hbm>>
      %dma_wait3A_290 = arith.constant 0 : i32
      %dma_wait3A_291 = tpu.memref_slice %arg4[%dma_wait3A_285, %dma_wait3A_290] : memref<2x320000xi32, #tpu.memory_space<hbm>> -> memref<1x320000xi32, #tpu.memory_space<hbm>>
      %dma_wait3A_292 = tpu.memref_squeeze %dma_wait3A_291 : memref<1x320000xi32, #tpu.memory_space<hbm>> -> memref<320000xi32, #tpu.memory_space<hbm>>
      %dma_wait3A_293 = tpu.memref_slice %dma_wait3A_292[%add3A_284] : memref<320000xi32, #tpu.memory_space<hbm>> -> memref<80xi32, #tpu.memory_space<hbm>>
      tpu.wait_dma2 semaphore(%arg22 : memref<!tpu.dma_semaphore, #tpu.memory_space<semaphore_mem>>) src(%dma_wait3A_293 : memref<80xi32, #tpu.memory_space<hbm>>) dst(%arg14 : memref<80xi32, #tpu.memory_space<vmem>>)
      %dma_wait3A_294 = arith.constant 1 : i32
      %dma_wait3A_295 = arith.constant 0 : i32
      %dma_wait3A_296 = tpu.memref_slice %arg4[%dma_wait3A_294, %dma_wait3A_295] : memref<2x320000xi32, #tpu.memory_space<hbm>> -> memref<1x320000xi32, #tpu.memory_space<hbm>>
      %dma_wait3A_297 = tpu.memref_squeeze %dma_wait3A_296 : memref<1x320000xi32, #tpu.memory_space<hbm>> -> memref<320000xi32, #tpu.memory_space<hbm>>
      %dma_wait3A_298 = tpu.memref_slice %dma_wait3A_297[%add3A_284] : memref<320000xi32, #tpu.memory_space<hbm>> -> memref<80xi32, #tpu.memory_space<hbm>>
      %dma_wait3A_299 = arith.constant 0 : i32
      %dma_wait3A_300 = tpu.memref_slice %arg4[%dma_wait3A_294, %dma_wait3A_299] : memref<2x320000xi32, #tpu.memory_space<hbm>> -> memref<1x320000xi32, #tpu.memory_space<hbm>>
      %dma_wait3A_301 = tpu.memref_squeeze %dma_wait3A_300 : memref<1x320000xi32, #tpu.memory_space<hbm>> -> memref<320000xi32, #tpu.memory_space<hbm>>
      %dma_wait3A_302 = tpu.memref_slice %dma_wait3A_301[%add3A_284] : memref<320000xi32, #tpu.memory_space<hbm>> -> memref<80xi32, #tpu.memory_space<hbm>>
      tpu.wait_dma2 semaphore(%arg22 : memref<!tpu.dma_semaphore, #tpu.memory_space<semaphore_mem>>) src(%dma_wait3A_302 : memref<80xi32, #tpu.memory_space<hbm>>) dst(%arg15 : memref<80xi32, #tpu.memory_space<vmem>>)
      %dma_start3A_303 = arith.constant 0 : i32
      %dma_start3A_304 = arith.constant 0 : i32
      %dma_start3A_305 = tpu.memref_slice %arg2[%dma_start3A_303, %dma_start3A_304] : memref<10000x16xf32, #tpu.memory_space<hbm>> -> memref<10000x16xf32, #tpu.memory_space<hbm>>
      tpu.enqueue_indirect_dma source(%dma_start3A_305 : memref<10000x16xf32, #tpu.memory_space<hbm>>) target(%arg16 : memref<80x16xf32, #tpu.memory_space<vmem>>) offsets(%arg14 : memref<80xi32, #tpu.memory_space<vmem>>) semaphore(%arg24 : memref<!tpu.dma_semaphore, #tpu.memory_space<semaphore_mem>>)
      %dma_start3A_306 = arith.constant 0 : i32
      %dma_start3A_307 = arith.constant 0 : i32
      %dma_start3A_308 = tpu.memref_slice %arg2[%dma_start3A_306, %dma_start3A_307] : memref<10000x16xf32, #tpu.memory_space<hbm>> -> memref<10000x16xf32, #tpu.memory_space<hbm>>
      tpu.enqueue_indirect_dma source(%dma_start3A_308 : memref<10000x16xf32, #tpu.memory_space<hbm>>) target(%arg17 : memref<80x16xf32, #tpu.memory_space<vmem>>) offsets(%arg15 : memref<80xi32, #tpu.memory_space<vmem>>) semaphore(%arg24 : memref<!tpu.dma_semaphore, #tpu.memory_space<semaphore_mem>>)
      %dma_start3A_309 = arith.constant 0 : i32
      %dma_start3A_310 = arith.constant 0 : i32
      %dma_start3A_311 = tpu.memref_slice %arg3[%dma_start3A_309, %dma_start3A_310] : memref<10000x128xbf16, #tpu.memory_space<hbm>> -> memref<10000x128xbf16, #tpu.memory_space<hbm>>
      tpu.enqueue_indirect_dma source(%dma_start3A_311 : memref<10000x128xbf16, #tpu.memory_space<hbm>>) target(%arg18 : memref<80x128xbf16, #tpu.memory_space<vmem>>) offsets(%arg14 : memref<80xi32, #tpu.memory_space<vmem>>) semaphore(%arg24 : memref<!tpu.dma_semaphore, #tpu.memory_space<semaphore_mem>>)
    } else {
    }
    %dma_wait3A_223 = arith.constant 0 : i32
    %dma_wait3A_224 = arith.constant 0 : i32
    %dma_wait3A_225 = tpu.memref_slice %arg2[%dma_wait3A_223, %dma_wait3A_224] : memref<10000x16xf32, #tpu.memory_space<hbm>> -> memref<10000x16xf32, #tpu.memory_space<hbm>>
    tpu.wait_indirect_dma semaphore(%arg23 : memref<!tpu.dma_semaphore, #tpu.memory_space<semaphore_mem>>) src(%dma_wait3A_225 : memref<10000x16xf32, #tpu.memory_space<hbm>>) dst(%arg9 : memref<80x16xf32, #tpu.memory_space<vmem>>)
    %dma_wait3A_226 = arith.constant 0 : i32
    %dma_wait3A_227 = arith.constant 0 : i32
    %dma_wait3A_228 = tpu.memref_slice %arg2[%dma_wait3A_226, %dma_wait3A_227] : memref<10000x16xf32, #tpu.memory_space<hbm>> -> memref<10000x16xf32, #tpu.memory_space<hbm>>
    tpu.wait_indirect_dma semaphore(%arg23 : memref<!tpu.dma_semaphore, #tpu.memory_space<semaphore_mem>>) src(%dma_wait3A_228 : memref<10000x16xf32, #tpu.memory_space<hbm>>) dst(%arg10 : memref<80x16xf32, #tpu.memory_space<vmem>>)
    %dma_wait3A_229 = arith.constant 0 : i32
    %dma_wait3A_230 = arith.constant 0 : i32
    %dma_wait3A_231 = tpu.memref_slice %arg3[%dma_wait3A_229, %dma_wait3A_230] : memref<10000x128xbf16, #tpu.memory_space<hbm>> -> memref<10000x128xbf16, #tpu.memory_space<hbm>>
    tpu.wait_indirect_dma semaphore(%arg23 : memref<!tpu.dma_semaphore, #tpu.memory_space<semaphore_mem>>) src(%dma_wait3A_231 : memref<10000x128xbf16, #tpu.memory_space<hbm>>) dst(%arg11 : memref<80x128xbf16, #tpu.memory_space<vmem>>)
    %ge3A = arith.constant 124 : i32
    %ge3A_232 = arith.constant 2 : i32
    %ge3A_233 = arith.cmpi sge, %ge3A, %ge3A_232 : i32
    %convert_element_type3A_234 = arith.extui %ge3A_233 : i1 to i32
    %cond3A_235 = arith.constant 0 : i32
    %cond3A_236 = arith.cmpi ne, %convert_element_type3A_234, %cond3A_235 : i32
    scf.if %cond3A_236 {
      %dma_wait3A_278 = arith.constant 0 : i32
      %dma_wait3A_279 = arith.constant 0 : i32
      %dma_wait3A_280 = tpu.memref_slice %arg6[%dma_wait3A_278, %dma_wait3A_279] : memref<10000x144xf32, #tpu.memory_space<vmem_shared>> -> memref<10000x144xf32, #tpu.memory_space<vmem_shared>>
      tpu.wait_indirect_dma semaphore(%arg25 : memref<!tpu.dma_semaphore, #tpu.memory_space<semaphore_mem>>) src(%arg12 : memref<80x144xf32, #tpu.memory_space<vmem>>) dst(%dma_wait3A_280 : memref<10000x144xf32, #tpu.memory_space<vmem_shared>>)
    } else {
    }
    %get3A = arith.constant 0 : index
    %get3A_237 = tpu.vector_load %arg8[%get3A] {strides = array<i32>} : memref<80xi32, #tpu.memory_space<vmem>>, vector<16xi32>,
    %swap3A = arith.constant 0 : index
    %swap3A_238 = tpu.vector_load %arg13[%swap3A] {strides = array<i32>} : memref<80xi32, #tpu.memory_space<vmem>>, vector<16xi32>,
    tpu.vector_store %arg13[%swap3A], %get3A_237 {strides = array<i32>} : memref<80xi32, #tpu.memory_space<vmem>>, vector<16xi32>,
    %get3A_239 = arith.constant 16 : index
    %get3A_240 = tpu.vector_load %arg8[%get3A_239] {strides = array<i32>} : memref<80xi32, #tpu.memory_space<vmem>>, vector<16xi32>,
    %swap3A_241 = arith.constant 16 : index
    %swap3A_242 = tpu.vector_load %arg13[%swap3A_241] {strides = array<i32>} : memref<80xi32, #tpu.memory_space<vmem>>, vector<16xi32>,
    tpu.vector_store %arg13[%swap3A_241], %get3A_240 {strides = array<i32>} : memref<80xi32, #tpu.memory_space<vmem>>, vector<16xi32>,
    %get3A_243 = arith.constant 32 : index
    %get3A_244 = tpu.vector_load %arg8[%get3A_243] {strides = array<i32>} : memref<80xi32, #tpu.memory_space<vmem>>, vector<16xi32>,
    %swap3A_245 = arith.constant 32 : index
    %swap3A_246 = tpu.vector_load %arg13[%swap3A_245] {strides = array<i32>} : memref<80xi32, #tpu.memory_space<vmem>>, vector<16xi32>,
    tpu.vector_store %arg13[%swap3A_245], %get3A_244 {strides = array<i32>} : memref<80xi32, #tpu.memory_space<vmem>>, vector<16xi32>,
    %get3A_247 = arith.constant 48 : index
    %get3A_248 = tpu.vector_load %arg8[%get3A_247] {strides = array<i32>} : memref<80xi32, #tpu.memory_space<vmem>>, vector<16xi32>,
    %swap3A_249 = arith.constant 48 : index
    %swap3A_250 = tpu.vector_load %arg13[%swap3A_249] {strides = array<i32>} : memref<80xi32, #tpu.memory_space<vmem>>, vector<16xi32>,
    tpu.vector_store %arg13[%swap3A_249], %get3A_248 {strides = array<i32>} : memref<80xi32, #tpu.memory_space<vmem>>, vector<16xi32>,
    %get3A_251 = arith.constant 64 : index
    %get3A_252 = tpu.vector_load %arg8[%get3A_251] {strides = array<i32>} : memref<80xi32, #tpu.memory_space<vmem>>, vector<16xi32>,
    %swap3A_253 = arith.constant 64 : index
    %swap3A_254 = tpu.vector_load %arg13[%swap3A_253] {strides = array<i32>} : memref<80xi32, #tpu.memory_space<vmem>>, vector<16xi32>,
    tpu.vector_store %arg13[%swap3A_253], %get3A_252 {strides = array<i32>} : memref<80xi32, #tpu.memory_space<vmem>>, vector<16xi32>,
    %parallel_loop3A = arith.constant 0 : i32
    %parallel_loop3A_255 = arith.constant 80 : i32
    %parallel_loop3A_256 = arith.constant 1 : i32
    scf.for %parallel_loop3A_278 = %parallel_loop3A to %parallel_loop3A_255 step %parallel_loop3A_256  : i32 {
      %parallel_loop3A_279 = arith.index_cast %parallel_loop3A_278 : i32 to index
      %parallel_loop3A_280 = arith.constant 0 : index
      %parallel_loop3A_281 = tpu.vector_load %arg9[%parallel_loop3A_279, %parallel_loop3A_280] {strides = array<i32>} : memref<80x16xf32, #tpu.memory_space<vmem>>, vector<16xf32>,
      %parallel_loop3A_282 = arith.index_cast %parallel_loop3A_278 : i32 to index
      %parallel_loop3A_283 = arith.constant 0 : index
      %parallel_loop3A_284 = tpu.vector_load %arg10[%parallel_loop3A_282, %parallel_loop3A_283] {strides = array<i32>} : memref<80x16xf32, #tpu.memory_space<vmem>>, vector<16xf32>,
      %parallel_loop3A_285 = vector.shape_cast %add3A_5 : vector<16xi32> to vector<16x1xi32>
      %parallel_loop3A_286 = vector.shape_cast %parallel_loop3A_285 : vector<16x1xi32> to vector<16xi32>
      %parallel_loop3A_287 = tpu.dynamic_gather %parallel_loop3A_284[%parallel_loop3A_286] in [0] : vector<16xf32>, vector<16xi32> -> vector<16xf32>
      %parallel_loop3A_288 = arith.addf %parallel_loop3A_281, %parallel_loop3A_287 : vector<16xf32>
      %parallel_loop3A_289 = arith.constant 0.000000e+00 : f32
      %parallel_loop3A_290 = vector.broadcast %parallel_loop3A_289 : f32 to vector<16xf32>
      %parallel_loop3A_291 = arith.cmpf oge, %parallel_loop3A_288, %parallel_loop3A_290 : vector<16xf32>
      %parallel_loop3A_292 = arith.constant 0.00999999977 : f32
      %parallel_loop3A_293 = vector.broadcast %parallel_loop3A_292 : f32 to vector<16xf32>
      %parallel_loop3A_294 = arith.mulf %parallel_loop3A_288, %parallel_loop3A_293 : vector<16xf32>
      %parallel_loop3A_295 = arith.select %parallel_loop3A_291, %parallel_loop3A_288, %parallel_loop3A_294 : vector<16xi1>, vector<16xf32>
      %parallel_loop3A_296 = math.exp %parallel_loop3A_295 : vector<16xf32>
      %parallel_loop3A_297 = arith.index_cast %parallel_loop3A_278 : i32 to index
      %parallel_loop3A_298 = arith.constant 128 : index
      %parallel_loop3A_299 = tpu.vector_load %arg12[%parallel_loop3A_297, %parallel_loop3A_298] {strides = array<i32>} : memref<80x144xf32, #tpu.memory_space<vmem>>, vector<16xf32>,
      tpu.vector_store %arg12[%parallel_loop3A_297, %parallel_loop3A_298], %parallel_loop3A_296 {strides = array<i32>} : memref<80x144xf32, #tpu.memory_space<vmem>>, vector<16xf32>,
      %parallel_loop3A_300 = arith.index_cast %parallel_loop3A_278 : i32 to index
      %parallel_loop3A_301 = arith.constant 0 : index
      %parallel_loop3A_302 = tpu.vector_load %arg11[%parallel_loop3A_300, %parallel_loop3A_301] {strides = array<i32>} : memref<80x128xbf16, #tpu.memory_space<vmem>>, vector<32xbf16>,
      %parallel_loop3A_303 = tpu.unpack_subelements %parallel_loop3A_302, 0 {pack_format = #tpu.pack_format<interleaved>} : vector<32xbf16> -> vector<16xf32>
      %parallel_loop3A_304 = tpu.unpack_subelements %parallel_loop3A_302, 1 {pack_format = #tpu.pack_format<interleaved>} : vector<32xbf16> -> vector<16xf32>
      %parallel_loop3A_305 = vector.shape_cast %broadcast_in_dim3A_6 : vector<16xi32> to vector<16x1xi32>
      %parallel_loop3A_306 = vector.shape_cast %parallel_loop3A_305 : vector<16x1xi32> to vector<16xi32>
      %parallel_loop3A_307 = tpu.dynamic_gather %parallel_loop3A_296[%parallel_loop3A_306] in [0] : vector<16xf32>, vector<16xi32> -> vector<16xf32>
      %parallel_loop3A_308 = vector.shape_cast %broadcast_in_dim3A_8 : vector<16xi32> to vector<16x1xi32>
      %parallel_loop3A_309 = vector.shape_cast %parallel_loop3A_308 : vector<16x1xi32> to vector<16xi32>
      %parallel_loop3A_310 = tpu.dynamic_gather %parallel_loop3A_296[%parallel_loop3A_309] in [0] : vector<16xf32>, vector<16xi32> -> vector<16xf32>
      %parallel_loop3A_311 = arith.mulf %parallel_loop3A_303, %parallel_loop3A_307 : vector<16xf32>
      %parallel_loop3A_312 = arith.index_cast %parallel_loop3A_278 : i32 to index
      %parallel_loop3A_313 = arith.constant 0 : index
      %parallel_loop3A_314 = tpu.vector_load %arg12[%parallel_loop3A_312, %parallel_loop3A_313] {strides = array<i32>} : memref<80x144xf32, #tpu.memory_space<vmem>>, vector<16xf32>,
      tpu.vector_store %arg12[%parallel_loop3A_312, %parallel_loop3A_313], %parallel_loop3A_311 {strides = array<i32>} : memref<80x144xf32, #tpu.memory_space<vmem>>, vector<16xf32>,
      %parallel_loop3A_315 = arith.mulf %parallel_loop3A_304, %parallel_loop3A_310 : vector<16xf32>
      %parallel_loop3A_316 = arith.index_cast %parallel_loop3A_278 : i32 to index
      %parallel_loop3A_317 = arith.constant 16 : index
      %parallel_loop3A_318 = tpu.vector_load %arg12[%parallel_loop3A_316, %parallel_loop3A_317] {strides = array<i32>} : memref<80x144xf32, #tpu.memory_space<vmem>>, vector<16xf32>,
      tpu.vector_store %arg12[%parallel_loop3A_316, %parallel_loop3A_317], %parallel_loop3A_315 {strides = array<i32>} : memref<80x144xf32, #tpu.memory_space<vmem>>, vector<16xf32>,
      %parallel_loop3A_319 = arith.index_cast %parallel_loop3A_278 : i32 to index
      %parallel_loop3A_320 = arith.constant 32 : index
      %parallel_loop3A_321 = tpu.vector_load %arg11[%parallel_loop3A_319, %parallel_loop3A_320] {strides = array<i32>} : memref<80x128xbf16, #tpu.memory_space<vmem>>, vector<32xbf16>,
      %parallel_loop3A_322 = tpu.unpack_subelements %parallel_loop3A_321, 0 {pack_format = #tpu.pack_format<interleaved>} : vector<32xbf16> -> vector<16xf32>
      %parallel_loop3A_323 = tpu.unpack_subelements %parallel_loop3A_321, 1 {pack_format = #tpu.pack_format<interleaved>} : vector<32xbf16> -> vector<16xf32>
      %parallel_loop3A_324 = vector.shape_cast %broadcast_in_dim3A_10 : vector<16xi32> to vector<16x1xi32>
      %parallel_loop3A_325 = vector.shape_cast %parallel_loop3A_324 : vector<16x1xi32> to vector<16xi32>
      %parallel_loop3A_326 = tpu.dynamic_gather %parallel_loop3A_296[%parallel_loop3A_325] in [0] : vector<16xf32>, vector<16xi32> -> vector<16xf32>
      %parallel_loop3A_327 = vector.shape_cast %broadcast_in_dim3A_12 : vector<16xi32> to vector<16x1xi32>
      %parallel_loop3A_328 = vector.shape_cast %parallel_loop3A_327 : vector<16x1xi32> to vector<16xi32>
      %parallel_loop3A_329 = tpu.dynamic_gather %parallel_loop3A_296[%parallel_loop3A_328] in [0] : vector<16xf32>, vector<16xi32> -> vector<16xf32>
      %parallel_loop3A_330 = arith.mulf %parallel_loop3A_322, %parallel_loop3A_326 : vector<16xf32>
      %parallel_loop3A_331 = arith.index_cast %parallel_loop3A_278 : i32 to index
      %parallel_loop3A_332 = arith.constant 32 : index
      %parallel_loop3A_333 = tpu.vector_load %arg12[%parallel_loop3A_331, %parallel_loop3A_332] {strides = array<i32>} : memref<80x144xf32, #tpu.memory_space<vmem>>, vector<16xf32>,
      tpu.vector_store %arg12[%parallel_loop3A_331, %parallel_loop3A_332], %parallel_loop3A_330 {strides = array<i32>} : memref<80x144xf32, #tpu.memory_space<vmem>>, vector<16xf32>,
      %parallel_loop3A_334 = arith.mulf %parallel_loop3A_323, %parallel_loop3A_329 : vector<16xf32>
      %parallel_loop3A_335 = arith.index_cast %parallel_loop3A_278 : i32 to index
      %parallel_loop3A_336 = arith.constant 48 : index
      %parallel_loop3A_337 = tpu.vector_load %arg12[%parallel_loop3A_335, %parallel_loop3A_336] {strides = array<i32>} : memref<80x144xf32, #tpu.memory_space<vmem>>, vector<16xf32>,
      tpu.vector_store %arg12[%parallel_loop3A_335, %parallel_loop3A_336], %parallel_loop3A_334 {strides = array<i32>} : memref<80x144xf32, #tpu.memory_space<vmem>>, vector<16xf32>,
      %parallel_loop3A_338 = arith.index_cast %parallel_loop3A_278 : i32 to index
      %parallel_loop3A_339 = arith.constant 64 : index
      %parallel_loop3A_340 = tpu.vector_load %arg11[%parallel_loop3A_338, %parallel_loop3A_339] {strides = array<i32>} : memref<80x128xbf16, #tpu.memory_space<vmem>>, vector<32xbf16>,
      %parallel_loop3A_341 = tpu.unpack_subelements %parallel_loop3A_340, 0 {pack_format = #tpu.pack_format<interleaved>} : vector<32xbf16> -> vector<16xf32>
      %parallel_loop3A_342 = tpu.unpack_subelements %parallel_loop3A_340, 1 {pack_format = #tpu.pack_format<interleaved>} : vector<32xbf16> -> vector<16xf32>
      %parallel_loop3A_343 = vector.shape_cast %broadcast_in_dim3A_14 : vector<16xi32> to vector<16x1xi32>
      %parallel_loop3A_344 = vector.shape_cast %parallel_loop3A_343 : vector<16x1xi32> to vector<16xi32>
      %parallel_loop3A_345 = tpu.dynamic_gather %parallel_loop3A_296[%parallel_loop3A_344] in [0] : vector<16xf32>, vector<16xi32> -> vector<16xf32>
      %parallel_loop3A_346 = vector.shape_cast %broadcast_in_dim3A_16 : vector<16xi32> to vector<16x1xi32>
      %parallel_loop3A_347 = vector.shape_cast %parallel_loop3A_346 : vector<16x1xi32> to vector<16xi32>
      %parallel_loop3A_348 = tpu.dynamic_gather %parallel_loop3A_296[%parallel_loop3A_347] in [0] : vector<16xf32>, vector<16xi32> -> vector<16xf32>
      %parallel_loop3A_349 = arith.mulf %parallel_loop3A_341, %parallel_loop3A_345 : vector<16xf32>
      %parallel_loop3A_350 = arith.index_cast %parallel_loop3A_278 : i32 to index
      %parallel_loop3A_351 = arith.constant 64 : index
      %parallel_loop3A_352 = tpu.vector_load %arg12[%parallel_loop3A_350, %parallel_loop3A_351] {strides = array<i32>} : memref<80x144xf32, #tpu.memory_space<vmem>>, vector<16xf32>,
      tpu.vector_store %arg12[%parallel_loop3A_350, %parallel_loop3A_351], %parallel_loop3A_349 {strides = array<i32>} : memref<80x144xf32, #tpu.memory_space<vmem>>, vector<16xf32>,
      %parallel_loop3A_353 = arith.mulf %parallel_loop3A_342, %parallel_loop3A_348 : vector<16xf32>
      %parallel_loop3A_354 = arith.index_cast %parallel_loop3A_278 : i32 to index
      %parallel_loop3A_355 = arith.constant 80 : index
      %parallel_loop3A_356 = tpu.vector_load %arg12[%parallel_loop3A_354, %parallel_loop3A_355] {strides = array<i32>} : memref<80x144xf32, #tpu.memory_space<vmem>>, vector<16xf32>,
      tpu.vector_store %arg12[%parallel_loop3A_354, %parallel_loop3A_355], %parallel_loop3A_353 {strides = array<i32>} : memref<80x144xf32, #tpu.memory_space<vmem>>, vector<16xf32>,
      %parallel_loop3A_357 = arith.index_cast %parallel_loop3A_278 : i32 to index
      %parallel_loop3A_358 = arith.constant 96 : index
      %parallel_loop3A_359 = tpu.vector_load %arg11[%parallel_loop3A_357, %parallel_loop3A_358] {strides = array<i32>} : memref<80x128xbf16, #tpu.memory_space<vmem>>, vector<32xbf16>,
      %parallel_loop3A_360 = tpu.unpack_subelements %parallel_loop3A_359, 0 {pack_format = #tpu.pack_format<interleaved>} : vector<32xbf16> -> vector<16xf32>
      %parallel_loop3A_361 = tpu.unpack_subelements %parallel_loop3A_359, 1 {pack_format = #tpu.pack_format<interleaved>} : vector<32xbf16> -> vector<16xf32>
      %parallel_loop3A_362 = vector.shape_cast %broadcast_in_dim3A_18 : vector<16xi32> to vector<16x1xi32>
      %parallel_loop3A_363 = vector.shape_cast %parallel_loop3A_362 : vector<16x1xi32> to vector<16xi32>
      %parallel_loop3A_364 = tpu.dynamic_gather %parallel_loop3A_296[%parallel_loop3A_363] in [0] : vector<16xf32>, vector<16xi32> -> vector<16xf32>
      %parallel_loop3A_365 = vector.shape_cast %broadcast_in_dim3A_20 : vector<16xi32> to vector<16x1xi32>
      %parallel_loop3A_366 = vector.shape_cast %parallel_loop3A_365 : vector<16x1xi32> to vector<16xi32>
      %parallel_loop3A_367 = tpu.dynamic_gather %parallel_loop3A_296[%parallel_loop3A_366] in [0] : vector<16xf32>, vector<16xi32> -> vector<16xf32>
      %parallel_loop3A_368 = arith.mulf %parallel_loop3A_360, %parallel_loop3A_364 : vector<16xf32>
      %parallel_loop3A_369 = arith.index_cast %parallel_loop3A_278 : i32 to index
      %parallel_loop3A_370 = arith.constant 96 : index
      %parallel_loop3A_371 = tpu.vector_load %arg12[%parallel_loop3A_369, %parallel_loop3A_370] {strides = array<i32>} : memref<80x144xf32, #tpu.memory_space<vmem>>, vector<16xf32>,
      tpu.vector_store %arg12[%parallel_loop3A_369, %parallel_loop3A_370], %parallel_loop3A_368 {strides = array<i32>} : memref<80x144xf32, #tpu.memory_space<vmem>>, vector<16xf32>,
      %parallel_loop3A_372 = arith.mulf %parallel_loop3A_361, %parallel_loop3A_367 : vector<16xf32>
      %parallel_loop3A_373 = arith.index_cast %parallel_loop3A_278 : i32 to index
      %parallel_loop3A_374 = arith.constant 112 : index
      %parallel_loop3A_375 = tpu.vector_load %arg12[%parallel_loop3A_373, %parallel_loop3A_374] {strides = array<i32>} : memref<80x144xf32, #tpu.memory_space<vmem>>, vector<16xf32>,
      tpu.vector_store %arg12[%parallel_loop3A_373, %parallel_loop3A_374], %parallel_loop3A_372 {strides = array<i32>} : memref<80x144xf32, #tpu.memory_space<vmem>>, vector<16xf32>,
    } {sc.loop_unroll_factor = 4 : i64, sc.parallel_access}
    %dma_start3A_257 = arith.constant 0 : i32
    %dma_start3A_258 = arith.constant 0 : i32
    %dma_start3A_259 = tpu.memref_slice %arg6[%dma_start3A_257, %dma_start3A_258] : memref<10000x144xf32, #tpu.memory_space<vmem_shared>> -> memref<10000x144xf32, #tpu.memory_space<vmem_shared>>
    tpu.enqueue_indirect_dma source(%arg12 : memref<80x144xf32, #tpu.memory_space<vmem>>) target(%dma_start3A_259 : memref<10000x144xf32, #tpu.memory_space<vmem_shared>>) offsets(%arg13 : memref<80xi32, #tpu.memory_space<vmem>>) semaphore(%arg25 : memref<!tpu.dma_semaphore, #tpu.memory_space<semaphore_mem>>) {add = true}
    %add3A_260 = arith.constant 124 : i32
    %add3A_261 = arith.constant 2 : i32
    %add3A_262 = arith.addi %add3A_260, %add3A_261 : i32
    %lt3A_263 = arith.constant 125 : i32
    %lt3A_264 = arith.cmpi slt, %add3A_262, %lt3A_263 : i32
    %convert_element_type3A_265 = arith.extui %lt3A_264 : i1 to i32
    %cond3A_266 = arith.constant 124 : i32
    %cond3A_267 = arith.constant 0 : i32
    %cond3A_268 = arith.cmpi ne, %convert_element_type3A_265, %cond3A_267 : i32
    scf.if %cond3A_268 {
      %add3A_278 = arith.constant 2 : i32
      %add3A_279 = arith.addi %cond3A_266, %add3A_278 : i32
      %mul3A_280 = arith.constant 10000 : i32
      %mul3A_281 = arith.muli %add3A, %mul3A_280 : i32
      %mul3A_282 = arith.constant 80 : i32
      %mul3A_283 = arith.muli %add3A_279, %mul3A_282 : i32
      %add3A_284 = arith.addi %mul3A_281, %mul3A_283 : i32
      %dma_start3A_285 = arith.constant 0 : i32
      %dma_start3A_286 = arith.constant 0 : i32
      %dma_start3A_287 = tpu.memref_slice %arg4[%dma_start3A_285, %dma_start3A_286] : memref<2x320000xi32, #tpu.memory_space<hbm>> -> memref<1x320000xi32, #tpu.memory_space<hbm>>
      %dma_start3A_288 = tpu.memref_squeeze %dma_start3A_287 : memref<1x320000xi32, #tpu.memory_space<hbm>> -> memref<320000xi32, #tpu.memory_space<hbm>>
      %dma_start3A_289 = tpu.memref_slice %dma_start3A_288[%add3A_284] : memref<320000xi32, #tpu.memory_space<hbm>> -> memref<80xi32, #tpu.memory_space<hbm>>
      %dma_start3A_290 = arith.constant 0 : i32
      %dma_start3A_291 = tpu.memref_slice %arg4[%dma_start3A_285, %dma_start3A_290] : memref<2x320000xi32, #tpu.memory_space<hbm>> -> memref<1x320000xi32, #tpu.memory_space<hbm>>
      %dma_start3A_292 = tpu.memref_squeeze %dma_start3A_291 : memref<1x320000xi32, #tpu.memory_space<hbm>> -> memref<320000xi32, #tpu.memory_space<hbm>>
      %dma_start3A_293 = tpu.memref_slice %dma_start3A_292[%add3A_284] : memref<320000xi32, #tpu.memory_space<hbm>> -> memref<80xi32, #tpu.memory_space<hbm>>
      tpu.enqueue_dma source(%dma_start3A_293 : memref<80xi32, #tpu.memory_space<hbm>>) target(%arg7 : memref<80xi32, #tpu.memory_space<vmem>>) target_semaphore(%arg21 : memref<!tpu.dma_semaphore, #tpu.memory_space<semaphore_mem>>)
      %dma_start3A_294 = arith.constant 1 : i32
      %dma_start3A_295 = arith.constant 0 : i32
      %dma_start3A_296 = tpu.memref_slice %arg4[%dma_start3A_294, %dma_start3A_295] : memref<2x320000xi32, #tpu.memory_space<hbm>> -> memref<1x320000xi32, #tpu.memory_space<hbm>>
      %dma_start3A_297 = tpu.memref_squeeze %dma_start3A_296 : memref<1x320000xi32, #tpu.memory_space<hbm>> -> memref<320000xi32, #tpu.memory_space<hbm>>
      %dma_start3A_298 = tpu.memref_slice %dma_start3A_297[%add3A_284] : memref<320000xi32, #tpu.memory_space<hbm>> -> memref<80xi32, #tpu.memory_space<hbm>>
      %dma_start3A_299 = arith.constant 0 : i32
      %dma_start3A_300 = tpu.memref_slice %arg4[%dma_start3A_294, %dma_start3A_299] : memref<2x320000xi32, #tpu.memory_space<hbm>> -> memref<1x320000xi32, #tpu.memory_space<hbm>>
      %dma_start3A_301 = tpu.memref_squeeze %dma_start3A_300 : memref<1x320000xi32, #tpu.memory_space<hbm>> -> memref<320000xi32, #tpu.memory_space<hbm>>
      %dma_start3A_302 = tpu.memref_slice %dma_start3A_301[%add3A_284] : memref<320000xi32, #tpu.memory_space<hbm>> -> memref<80xi32, #tpu.memory_space<hbm>>
      tpu.enqueue_dma source(%dma_start3A_302 : memref<80xi32, #tpu.memory_space<hbm>>) target(%arg8 : memref<80xi32, #tpu.memory_space<vmem>>) target_semaphore(%arg21 : memref<!tpu.dma_semaphore, #tpu.memory_space<semaphore_mem>>)
    } else {
    }
    %dma_wait3A_269 = arith.constant 0 : i32
    %dma_wait3A_270 = arith.constant 0 : i32
    %dma_wait3A_271 = tpu.memref_slice %arg6[%dma_wait3A_269, %dma_wait3A_270] : memref<10000x144xf32, #tpu.memory_space<vmem_shared>> -> memref<10000x144xf32, #tpu.memory_space<vmem_shared>>
    tpu.wait_indirect_dma semaphore(%arg25 : memref<!tpu.dma_semaphore, #tpu.memory_space<semaphore_mem>>) src(%arg12 : memref<80x144xf32, #tpu.memory_space<vmem>>) dst(%dma_wait3A_271 : memref<10000x144xf32, #tpu.memory_space<vmem_shared>>)
    %dma_wait3A_272 = arith.constant 0 : i32
    %dma_wait3A_273 = arith.constant 0 : i32
    %dma_wait3A_274 = tpu.memref_slice %arg6[%dma_wait3A_272, %dma_wait3A_273] : memref<10000x144xf32, #tpu.memory_space<vmem_shared>> -> memref<10000x144xf32, #tpu.memory_space<vmem_shared>>
    tpu.wait_indirect_dma semaphore(%arg26 : memref<!tpu.dma_semaphore, #tpu.memory_space<semaphore_mem>>) src(%arg19 : memref<80x144xf32, #tpu.memory_space<vmem>>) dst(%dma_wait3A_274 : memref<10000x144xf32, #tpu.memory_space<vmem_shared>>)
    %barrier3A_275 = arith.constant 0 : index
    tpu.barrier barrier_id(%barrier3A_275)
    %mul3A_276 = arith.constant 625 : i32
    %mul3A_277 = arith.muli %arg1, %mul3A_276 : i32
    "tpu.region"() ({
      %run_scoped3A = tpu.sem_alloc : memref<!tpu.dma_semaphore, #tpu.memory_space<semaphore_mem>>
      %dma_start3A_278 = arith.constant 0 : i32
      %dma_start3A_279 = arith.constant 0 : i32
      %dma_start3A_280 = tpu.memref_slice %arg5[%arg0, %dma_start3A_278, %dma_start3A_279] : memref<2x10000x144xf32, #tpu.memory_space<hbm>> -> memref<1x10000x144xf32, #tpu.memory_space<hbm>>
      %dma_start3A_281 = tpu.memref_squeeze %dma_start3A_280 : memref<1x10000x144xf32, #tpu.memory_space<hbm>> -> memref<10000x144xf32, #tpu.memory_space<hbm>>
      %dma_start3A_282 = arith.constant 0 : i32
      %dma_start3A_283 = tpu.memref_slice %dma_start3A_281[%mul3A_277, %dma_start3A_282] : memref<10000x144xf32, #tpu.memory_space<hbm>> -> memref<625x144xf32, #tpu.memory_space<hbm>>
      %dma_start3A_284 = arith.constant 0 : i32
      %dma_start3A_285 = tpu.memref_slice %arg6[%mul3A_277, %dma_start3A_284] : memref<10000x144xf32, #tpu.memory_space<vmem_shared>> -> memref<625x144xf32, #tpu.memory_space<vmem_shared>>
      tpu.enqueue_dma source(%dma_start3A_285 : memref<625x144xf32, #tpu.memory_space<vmem_shared>>) target(%dma_start3A_283 : memref<625x144xf32, #tpu.memory_space<hbm>>) target_semaphore(%run_scoped3A : memref<!tpu.dma_semaphore, #tpu.memory_space<semaphore_mem>>)
      %dma_wait3A_286 = arith.constant 0 : i32
      %dma_wait3A_287 = arith.constant 0 : i32
      %dma_wait3A_288 = tpu.memref_slice %arg5[%arg0, %dma_wait3A_286, %dma_wait3A_287] : memref<2x10000x144xf32, #tpu.memory_space<hbm>> -> memref<1x10000x144xf32, #tpu.memory_space<hbm>>
      %dma_wait3A_289 = tpu.memref_squeeze %dma_wait3A_288 : memref<1x10000x144xf32, #tpu.memory_space<hbm>> -> memref<10000x144xf32, #tpu.memory_space<hbm>>
      %dma_wait3A_290 = arith.constant 0 : i32
      %dma_wait3A_291 = tpu.memref_slice %dma_wait3A_289[%mul3A_277, %dma_wait3A_290] : memref<10000x144xf32, #tpu.memory_space<hbm>> -> memref<625x144xf32, #tpu.memory_space<hbm>>
      %dma_wait3A_292 = arith.constant 0 : i32
      %dma_wait3A_293 = tpu.memref_slice %arg6[%mul3A_277, %dma_wait3A_292] : memref<10000x144xf32, #tpu.memory_space<vmem_shared>> -> memref<625x144xf32, #tpu.memory_space<vmem_shared>>
      tpu.wait_dma2 semaphore(%run_scoped3A : memref<!tpu.dma_semaphore, #tpu.memory_space<semaphore_mem>>) src(%dma_wait3A_293 : memref<625x144xf32, #tpu.memory_space<vmem_shared>>) dst(%dma_wait3A_291 : memref<625x144xf32, #tpu.memory_space<hbm>>)
      tpu.yield
    }) : () -> ()
    return
  }
}

module attributes {stable_mosaic.version = 14 : i64} {
  func.func @_pre_kernel(%arg0: i32, %arg1: memref<2000x128xf32, #tpu.memory_space<vmem>>, %arg2: memref<128x128xf32, #tpu.memory_space<vmem>>, %arg3: memref<128x128xf32, #tpu.memory_space<vmem>>, %arg4: memref<128x16xf32, #tpu.memory_space<vmem>>, %arg5: memref<128x128xf32, #tpu.memory_space<vmem>>, %arg6: memref<2000x16xf32, #tpu.memory_space<vmem>>, %arg7: memref<2000x128xbf16, #tpu.memory_space<vmem>>, %arg8: memref<2000x128xf32, #tpu.memory_space<vmem>>) attributes {dimension_semantics = [#tpu.dimension_semantics<arbitrary>], iteration_bounds = array<i64: 5>, scalar_prefetch = 0 : i64, scratch_operands = 0 : i64, tpu.core_type = #tpu.core_type<tc>, window_params = [{transform_indices = @transform_0, window_bounds = array<i64: 2000, 128>}, {pipeline_mode = #tpu.pipeline_mode<synchronous>, transform_indices = @transform_1, window_bounds = array<i64: 128, 128>}, {pipeline_mode = #tpu.pipeline_mode<synchronous>, transform_indices = @transform_2, window_bounds = array<i64: 128, 128>}, {pipeline_mode = #tpu.pipeline_mode<synchronous>, transform_indices = @transform_3, window_bounds = array<i64: 128, 16>}, {pipeline_mode = #tpu.pipeline_mode<synchronous>, transform_indices = @transform_4, window_bounds = array<i64: 128, 128>}, {transform_indices = @transform_5, window_bounds = array<i64: 2000, 16>}, {transform_indices = @transform_6, window_bounds = array<i64: 2000, 128>}, {transform_indices = @transform_7, window_bounds = array<i64: 2000, 128>}]} {
    %get3A = arith.constant 0 : index
    %get3A_0 = arith.constant 0 : index
    %get3A_1 = vector.load %arg1[%get3A, %get3A_0] : memref<2000x128xf32, #tpu.memory_space<vmem>>, vector<2000x128xf32>
    %get3A_2 = arith.constant 0 : index
    %get3A_3 = arith.constant 0 : index
    %get3A_4 = vector.load %arg2[%get3A_2, %get3A_3] : memref<128x128xf32, #tpu.memory_space<vmem>>, vector<128x128xf32>
    %dot_general3A = arith.constant dense<0.000000e+00> : vector<2000x128xf32>
    %dot_general3A_5 = tpu.matmul %get3A_1, %get3A_4, %dot_general3A {dimension_numbers = #tpu.dot_dimension_numbers<[1], [0], [0], [1], [0, 0, 1, 1], [], []>, transpose_lhs_hint = false} : vector<2000x128xf32>, vector<128x128xf32>, vector<2000x128xf32> -> vector<2000x128xf32>
    %get3A_6 = arith.constant 0 : index
    %get3A_7 = arith.constant 0 : index
    %get3A_8 = vector.load %arg4[%get3A_6, %get3A_7] : memref<128x16xf32, #tpu.memory_space<vmem>>, vector<128x16xf32>
    %dot_general3A_9 = arith.constant dense<0.000000e+00> : vector<2000x16xf32>
    %dot_general3A_10 = tpu.matmul %dot_general3A_5, %get3A_8, %dot_general3A_9 {dimension_numbers = #tpu.dot_dimension_numbers<[1], [0], [0], [1], [0, 0, 1, 1], [], []>, transpose_lhs_hint = false} : vector<2000x128xf32>, vector<128x16xf32>, vector<2000x16xf32> -> vector<2000x16xf32>
    %swap3A = arith.constant 0 : index
    %swap3A_11 = arith.constant 0 : index
    %swap3A_12 = vector.load %arg6[%swap3A, %swap3A_11] : memref<2000x16xf32, #tpu.memory_space<vmem>>, vector<2000x16xf32>
    tpu.vector_store %arg6[%swap3A, %swap3A_11], %dot_general3A_10 {strides = array<i32>} : memref<2000x16xf32, #tpu.memory_space<vmem>>, vector<2000x16xf32>,
    %get3A_13 = arith.constant 0 : index
    %get3A_14 = arith.constant 0 : index
    %get3A_15 = vector.load %arg3[%get3A_13, %get3A_14] : memref<128x128xf32, #tpu.memory_space<vmem>>, vector<128x128xf32>
    %dot_general3A_16 = arith.constant dense<0.000000e+00> : vector<2000x128xf32>
    %dot_general3A_17 = tpu.matmul %get3A_1, %get3A_15, %dot_general3A_16 {dimension_numbers = #tpu.dot_dimension_numbers<[1], [0], [0], [1], [0, 0, 1, 1], [], []>, transpose_lhs_hint = false} : vector<2000x128xf32>, vector<128x128xf32>, vector<2000x128xf32> -> vector<2000x128xf32>
    %convert_element_type3A = arith.truncf %dot_general3A_17 : vector<2000x128xf32> to vector<2000x128xbf16>
    %swap3A_18 = arith.constant 0 : index
    %swap3A_19 = arith.constant 0 : index
    %swap3A_20 = vector.load %arg7[%swap3A_18, %swap3A_19] : memref<2000x128xbf16, #tpu.memory_space<vmem>>, vector<2000x128xbf16>
    tpu.vector_store %arg7[%swap3A_18, %swap3A_19], %convert_element_type3A {strides = array<i32>} : memref<2000x128xbf16, #tpu.memory_space<vmem>>, vector<2000x128xbf16>,
    %get3A_21 = arith.constant 0 : index
    %get3A_22 = arith.constant 0 : index
    %get3A_23 = vector.load %arg5[%get3A_21, %get3A_22] : memref<128x128xf32, #tpu.memory_space<vmem>>, vector<128x128xf32>
    %dot_general3A_24 = arith.constant dense<0.000000e+00> : vector<2000x128xf32>
    %dot_general3A_25 = tpu.matmul %get3A_1, %get3A_23, %dot_general3A_24 {dimension_numbers = #tpu.dot_dimension_numbers<[1], [0], [0], [1], [0, 0, 1, 1], [], []>, transpose_lhs_hint = false} : vector<2000x128xf32>, vector<128x128xf32>, vector<2000x128xf32> -> vector<2000x128xf32>
    %swap3A_26 = arith.constant 0 : index
    %swap3A_27 = arith.constant 0 : index
    %swap3A_28 = vector.load %arg8[%swap3A_26, %swap3A_27] : memref<2000x128xf32, #tpu.memory_space<vmem>>, vector<2000x128xf32>
    tpu.vector_store %arg8[%swap3A_26, %swap3A_27], %dot_general3A_25 {strides = array<i32>} : memref<2000x128xf32, #tpu.memory_space<vmem>>, vector<2000x128xf32>,
    return
  }
  func.func @transform_0(%arg0: i32) -> (i32, i32) {
    %c0_i32 = arith.constant 0 : i32
    %c0_i32_0 = arith.constant 0 : i32
    return %arg0, %c0_i32 : i32, i32
  }
  func.func @transform_1(%arg0: i32) -> (i32, i32) {
    %c0_i32 = arith.constant 0 : i32
    %c0_i32_0 = arith.constant 0 : i32
    %c0_i32_1 = arith.constant 0 : i32
    return %c0_i32, %c0_i32_0 : i32, i32
  }
  func.func @transform_2(%arg0: i32) -> (i32, i32) {
    %c0_i32 = arith.constant 0 : i32
    %c0_i32_0 = arith.constant 0 : i32
    %c0_i32_1 = arith.constant 0 : i32
    return %c0_i32, %c0_i32_0 : i32, i32
  }
  func.func @transform_3(%arg0: i32) -> (i32, i32) {
    %c0_i32 = arith.constant 0 : i32
    %c0_i32_0 = arith.constant 0 : i32
    %c0_i32_1 = arith.constant 0 : i32
    return %c0_i32, %c0_i32_0 : i32, i32
  }
  func.func @transform_4(%arg0: i32) -> (i32, i32) {
    %c0_i32 = arith.constant 0 : i32
    %c0_i32_0 = arith.constant 0 : i32
    %c0_i32_1 = arith.constant 0 : i32
    return %c0_i32, %c0_i32_0 : i32, i32
  }
  func.func @transform_5(%arg0: i32) -> (i32, i32) {
    %c0_i32 = arith.constant 0 : i32
    %c0_i32_0 = arith.constant 0 : i32
    return %arg0, %c0_i32 : i32, i32
  }
  func.func @transform_6(%arg0: i32) -> (i32, i32) {
    %c0_i32 = arith.constant 0 : i32
    %c0_i32_0 = arith.constant 0 : i32
    return %arg0, %c0_i32 : i32, i32
  }
  func.func @transform_7(%arg0: i32) -> (i32, i32) {
    %c0_i32 = arith.constant 0 : i32
    %c0_i32_0 = arith.constant 0 : i32
    return %arg0, %c0_i32 : i32, i32
  }
}

module attributes {stable_mosaic.version = 14 : i64} {
  func.func @_merge_kernel(%arg0: i32, %arg1: memref<1x2000x144xf32, #tpu.memory_space<vmem>>, %arg2: memref<1x2000x144xf32, #tpu.memory_space<vmem>>, %arg3: memref<2000x128xf32, #tpu.memory_space<vmem>>, %arg4: memref<8x128xf32, #tpu.memory_space<vmem>>, %arg5: memref<2000x128xf32, #tpu.memory_space<vmem>>) attributes {dimension_semantics = [#tpu.dimension_semantics<arbitrary>], iteration_bounds = array<i64: 5>, scalar_prefetch = 0 : i64, scratch_operands = 0 : i64, tpu.core_type = #tpu.core_type<tc>, window_params = [{transform_indices = @transform_0, window_bounds = array<i64: 1, 2000, 144>}, {transform_indices = @transform_1, window_bounds = array<i64: 1, 2000, 144>}, {transform_indices = @transform_2, window_bounds = array<i64: 2000, 128>}, {pipeline_mode = #tpu.pipeline_mode<synchronous>, transform_indices = @transform_3, window_bounds = array<i64: 8, 128>}, {transform_indices = @transform_4, window_bounds = array<i64: 2000, 128>}]} {
    %get3A = arith.constant 0 : index
    %get3A_0 = arith.constant 0 : index
    %get3A_1 = arith.constant 0 : index
    %get3A_2 = vector.load %arg1[%get3A, %get3A_0, %get3A_1] : memref<1x2000x144xf32, #tpu.memory_space<vmem>>, vector<1x2000x144xf32>
    %get3A_3 = vector.shape_cast %get3A_2 : vector<1x2000x144xf32> to vector<2000x144xf32>
    %get3A_4 = arith.constant 0 : index
    %get3A_5 = arith.constant 0 : index
    %get3A_6 = arith.constant 0 : index
    %get3A_7 = vector.load %arg2[%get3A_4, %get3A_5, %get3A_6] : memref<1x2000x144xf32, #tpu.memory_space<vmem>>, vector<1x2000x144xf32>
    %get3A_8 = vector.shape_cast %get3A_7 : vector<1x2000x144xf32> to vector<2000x144xf32>
    %add3A = arith.addf %get3A_3, %get3A_8 : vector<2000x144xf32>
    %slice3A = vector.extract_strided_slice %add3A {offsets = [0, 0], sizes = [2000, 128], strides = [1, 1]} : vector<2000x144xf32> to vector<2000x128xf32>
    %slice3A_9 = vector.extract_strided_slice %add3A {offsets = [0, 128], sizes = [2000, 8], strides = [1, 1]} : vector<2000x144xf32> to vector<2000x8xf32>
    %add3A_10 = arith.constant 1.000000e-16 : f32
    %add3A_11 = vector.broadcast %add3A_10 : f32 to vector<2000x8xf32>
    %add3A_12 = arith.addf %slice3A_9, %add3A_11 : vector<2000x8xf32>
    %div3A = arith.constant 1.000000e+00 : f32
    %div3A_13 = vector.broadcast %div3A : f32 to vector<2000x8xf32>
    %div3A_14 = arith.divf %div3A_13, %add3A_12 : vector<2000x8xf32>
    %get3A_15 = arith.constant 0 : index
    %get3A_16 = arith.constant 0 : index
    %get3A_17 = vector.load %arg4[%get3A_15, %get3A_16] : memref<8x128xf32, #tpu.memory_space<vmem>>, vector<8x128xf32>
    %dot_general3A = arith.constant dense<0.000000e+00> : vector<2000x128xf32>
    %dot_general3A_18 = tpu.matmul %div3A_14, %get3A_17, %dot_general3A {dimension_numbers = #tpu.dot_dimension_numbers<[1], [0], [0], [1], [0, 0, 1, 1], [], []>, transpose_lhs_hint = false} : vector<2000x8xf32>, vector<8x128xf32>, vector<2000x128xf32> -> vector<2000x128xf32>
    %mul3A = arith.mulf %slice3A, %dot_general3A_18 : vector<2000x128xf32>
    %get3A_19 = arith.constant 0 : index
    %get3A_20 = arith.constant 0 : index
    %get3A_21 = vector.load %arg3[%get3A_19, %get3A_20] : memref<2000x128xf32, #tpu.memory_space<vmem>>, vector<2000x128xf32>
    %add3A_22 = arith.addf %mul3A, %get3A_21 : vector<2000x128xf32>
    %swap3A = arith.constant 0 : index
    %swap3A_23 = arith.constant 0 : index
    %swap3A_24 = vector.load %arg5[%swap3A, %swap3A_23] : memref<2000x128xf32, #tpu.memory_space<vmem>>, vector<2000x128xf32>
    tpu.vector_store %arg5[%swap3A, %swap3A_23], %add3A_22 {strides = array<i32>} : memref<2000x128xf32, #tpu.memory_space<vmem>>, vector<2000x128xf32>,
    return
  }
  func.func @transform_0(%arg0: i32) -> (i32, i32, i32) {
    %c0_i32 = arith.constant 0 : i32
    %c0_i32_0 = arith.constant 0 : i32
    %c0_i32_1 = arith.constant 0 : i32
    return %c0_i32, %arg0, %c0_i32_0 : i32, i32, i32
  }
  func.func @transform_1(%arg0: i32) -> (i32, i32, i32) {
    %c1_i32 = arith.constant 1 : i32
    %c0_i32 = arith.constant 0 : i32
    %c0_i32_0 = arith.constant 0 : i32
    return %c1_i32, %arg0, %c0_i32 : i32, i32, i32
  }
  func.func @transform_2(%arg0: i32) -> (i32, i32) {
    %c0_i32 = arith.constant 0 : i32
    %c0_i32_0 = arith.constant 0 : i32
    return %arg0, %c0_i32 : i32, i32
  }
  func.func @transform_3(%arg0: i32) -> (i32, i32) {
    %c0_i32 = arith.constant 0 : i32
    %c0_i32_0 = arith.constant 0 : i32
    %c0_i32_1 = arith.constant 0 : i32
    return %c0_i32, %c0_i32_0 : i32, i32
  }
  func.func @transform_4(%arg0: i32) -> (i32, i32) {
    %c0_i32 = arith.constant 0 : i32
    %c0_i32_0 = arith.constant 0 : i32
    return %arg0, %c0_i32 : i32, i32
  }
}

</mosaic_0001>

<sc_bundles>
// kernel: kernel.5.cloned.1.call-start
scs
__scs_entry_jumppad:
0x0: {  	(pc) =	sbr.rel $0x88, $3  }
0x1: {  	(tag) =	ssettag $0x0;
	lr =	simm.s32 $0x1  }
0x2: {  	[smem:$0x3F9C] =	sst lr;
	_ =	strace $0xD0000000  }
0x3: {  	_ = 	snop  }
0x4: {  	_ = 	snop  }
0x5: {  	_ = 	snop  }
0x6: {  	_ = 	snop  }
0x7: {  	_ = 	snop  }
__scs_overlays_trampoline_lowered:
0x8: {  	[smem:$0x3FAB] =	sst s0  }
0x9: {  	[smem:$0x3FAC] =	sst s1  }
0xa: {  	[smem:$0x3FAD] =	sst s2  }
0xb: {  	[smem:$0x3FAE] =	sst s3  }
0xc: {  	[smem:$0x3FAF] =	sst s4  }
0xd: {  	[smem:$0x3FB0] =	sst s5  }
0xe: {  	[smem:$0x3FB1] =	sst s6  }
0xf: {  	[smem:$0x3FB2] =	sst s7  }
0x10: {  	[smem:$0x3FB3] =	sst s8  }
0x11: {  	[smem:$0x3FB4] =	sst s9;
	s0 =	simm.s32 @!p0 $0x0  }
0x12: {  	s1 =	sld [smem:$0x3F9A];
	s0 =	simm.s32 @p0 $0x1  }
0x13: {  	[smem:$0x3FB5] =	sst s0;
	s0 =	simm.s32 @!p1 $0x0  }
0x14: {  	s2 =	sld [smem:$0x3F99];
	s0 =	simm.s32 @p1 $0x1  }
0x15: {  	[smem:$0x3FB6] =	sst s0;
	s0 =	simm.s32 @!p2 $0x0  }
0x16: {  	s3 =	sld [smem:$0x3FDB];
	s0 =	simm.s32 @p2 $0x1  }
0x17: {  	s4 =	simm.s32 $0x1BF5;
	[smem:$0x3FB8] =	sst s0  }
0x18: {  	s0 =	sld [smem:$0x3F9B];
	_ =	swait.ge [sflag:s4], $0x0  }
0x19: {  	s7 =	sld [smem:$0x3F9C]  }
0x1a: {  	s8 =	sadd.s32 $0xFFFFE003, lr  }
0x1b: {  	s9 =	sadd.s32 $0xFFFFFEF7, lr;
	s5 =	simm.s32 $0xFFFFFFFF;
	p2 =	slt.u32 s8, $0xFFFFF086  }
0x1c: {  	p1 =	slt.u32 s9, $0xF7A;
	s5 =	simm.s32 @!p2 $0x0  }
0x1d: {  	s5 =	simm.s32 @p1 $0x1;
	p0 =	seq.s32 s7, s2  }
0x1e: {  	s7 =	smul.u32 @!p0 $0xF7A, s2;
	p2 =	seq.s32 @!p0 s5, $0x0  }
0x1f: {  	s9 =	smul.u32 $0xF7A, s1;
	s8 =	simm.s32 @!p0 $0x1BF5;
	p2 =	por !p2, p0  }
0x20: {  	[sflag:s8] =	ssyncset.s32 @!p0 $0xFFFFF086;
	s6 =	sadd.s32 @!p0 s3, s7;
	s7 =	simm.s32 @!p0 $0x108  }
0x21: {  	s3 =	sadd.s32 s3, s9;
	s6 =	sadd.s32 @!p0 $0x88, s6;
	s7 =	simm.s32 @p2 $0x1082  }
0x22: {  	[simem:s7], [sflag:s8] =	dma.local @!p0 [hbm:s6], $0xF7A  }
0x23: {  	s9 =	sor.u32 $0xD0000000, s2;
	s6 =	simm.s32 $0x108;
	_ =	swait.ge @!p0 [sflag:s8], $0x0  }
0x24: {  	s3 =	sadd.s32 $0x88, s3;
	s6 =	simm.s32 @!p1 $0x1082;
	[sflag:s4] =	ssyncset.s32 $0xFFFFF086  }
0x25: {  	[simem:s6], [sflag:s4] =	dma.local [hbm:s3], $0xF7A  }
0x26: {  	[smem:$0x3F9C] =	sst s1;
	(tag) =	ssettag s2;
	_ =	strace s9  }
0x27: {  	s1 =	sld [smem:$0x3FAC]  }
0x28: {  	s2 =	sld [smem:$0x3FAD]  }
0x29: {  	s4 =	sld [smem:$0x3FAF]  }
0x2a: {  	p0 =	seq.s32 s5, $0x0;
	s5 =	sld [smem:$0x3FB0]  }
0x2b: {  	s6 =	sld [smem:$0x3FB1]  }
0x2c: {  	s7 =	sld [smem:$0x3FB2]  }
0x2d: {  	s3 =	simm.s32 $0x108;
	s8 =	sld [smem:$0x3FB3]  }
0x2e: {  	s3 =	simm.s32 @!p0 $0x1082;
	s9 =	sld [smem:$0x3FB4]  }
0x2f: {  	lr =	sadd.s32 s0, s3;
	s0 =	sld [smem:$0x3FAB]  }
0x30: {  	s3 =	sld [smem:$0x3FAE]  }
0x31: {  	[smem:$0x3FB7] =	sst s10  }
0x32: {  	s10 =	sld [smem:$0x3FB5];
	_ =	sdelay $0x3  }
0x33: {  	p0 =	seq.s32 s10, $0x1;
	s10 =	sld [smem:$0x3FB7];
	_ =	sdelay $0x3  }
0x34: {  	[smem:$0x3FB7] =	sst s10  }
0x35: {  	s10 =	sld [smem:$0x3FB6];
	_ =	sdelay $0x3  }
0x36: {  	p1 =	seq.s32 s10, $0x1;
	s10 =	sld [smem:$0x3FB7];
	_ =	sdelay $0x3  }
0x37: {  	[smem:$0x3FB7] =	sst s10  }
0x38: {  	s10 =	sld [smem:$0x3FB8]  }
0x39: {  	_ = 	snop;
	(pc) =	sbr.ind lr, $3  }
0x3a: {  	_ = 	snop  }
0x3b: {  	_ = 	snop  }
0x3c: {  	p2 =	seq.s32 s10, $0x1;
	s10 =	sld [smem:$0x3FB7]  }
0x3d: {  	_ =	shalt  }
0x3e: {  	_ =	shalt  }
0x3f: {  	_ =	shalt  }
0x40: {  	_ =	shalt  }
0x41: {  	_ =	shalt  }
0x42: {  	_ =	shalt  }
0x43: {  	_ =	shalt  }
0x44: {  	_ =	shalt  }
0x45: {  	_ =	shalt  }
0x46: {  	_ =	shalt  }
0x47: {  	_ =	shalt  }
0x48: {  	_ =	shalt  }
0x49: {  	_ =	shalt  }
0x4a: {  	_ =	shalt  }
0x4b: {  	_ =	shalt  }
0x4c: {  	_ =	shalt  }
0x4d: {  	_ =	shalt  }
0x4e: {  	_ =	shalt  }
0x4f: {  	_ =	shalt  }
0x50: {  	_ =	shalt  }
0x51: {  	_ =	shalt  }
0x52: {  	_ =	shalt  }
0x53: {  	_ =	shalt  }
0x54: {  	_ =	shalt  }
0x55: {  	_ =	shalt  }
0x56: {  	_ =	shalt  }
0x57: {  	_ =	shalt  }
0x58: {  	_ =	shalt  }
0x59: {  	_ =	shalt  }
0x5a: {  	_ =	shalt  }
0x5b: {  	_ =	shalt  }
0x5c: {  	_ =	shalt  }
0x5d: {  	_ =	shalt  }
0x5e: {  	_ =	shalt  }
0x5f: {  	_ =	shalt  }
0x60: {  	_ =	shalt  }
0x61: {  	_ =	shalt  }
0x62: {  	_ =	shalt  }
0x63: {  	_ =	shalt  }
0x64: {  	_ =	shalt  }
0x65: {  	_ =	shalt  }
0x66: {  	_ =	shalt  }
0x67: {  	_ =	shalt  }
0x68: {  	_ =	shalt  }
0x69: {  	_ =	shalt  }
0x6a: {  	_ =	shalt  }
0x6b: {  	_ =	shalt  }
0x6c: {  	_ =	shalt  }
0x6d: {  	_ =	shalt  }
0x6e: {  	_ =	shalt  }
0x6f: {  	_ =	shalt  }
0x70: {  	_ =	shalt  }
0x71: {  	_ =	shalt  }
0x72: {  	_ =	shalt  }
0x73: {  	_ =	shalt  }
0x74: {  	_ =	shalt  }
0x75: {  	_ =	shalt  }
0x76: {  	_ =	shalt  }
0x77: {  	_ =	shalt  }
0x78: {  	_ =	shalt  }
0x79: {  	_ =	shalt  }
0x7a: {  	_ =	shalt  }
0x7b: {  	_ =	shalt  }
0x7c: {  	_ =	shalt  }
0x7d: {  	_ =	shalt  }
0x7e: {  	_ =	shalt  }
0x7f: {  	_ =	shalt  }
0x80: {  	_ =	shalt  }
0x81: {  	_ =	shalt  }
0x82: {  	_ =	shalt  }
0x83: {  	_ =	shalt  }
0x84: {  	_ =	shalt  }
0x85: {  	_ =	shalt  }
0x86: {  	_ =	shalt  }
0x87: {  	_ =	shalt  }
.Lfunc_end0:
.L_simem_size_0:
called_computation_lowered:
.L_overlay_start_0:
0x88: {  	s2 =	sld [smem:$0x3FD9]  }
0x89: {  	s3 =	sld [smem:$0x3FFE];
	_ =	sdelay $0x1  }
0x8a: {  	s1 =	srdreg.scid  }
0x8b: {  	s0 =	sand.u32 $0x1, s1  }
0x8c: {  	s17 =	sshll.u32 s0, $0xA;
	s2 =	sadd.s32 s3, s2  }
0x8d: {  	s2 =	sadd.s32 s2, s17  }
0x8e: {  	[smem:$0x3FC3] =	sst s2  }
0x8f: {  	_ = 	snop  }
0x90: {  	s2 =	sld [smem:$0x3FD0];
	(tm) =	ssettm $0x1  }
0x91: {  	s18 =	sld [smem:$0x3FFB];
	_ =	sdelay $0x3  }
0x92: {  	_ =	strace s18  }
0x93: {  	s3 =	sld [smem:$0x3FFC];
	_ =	sdelay $0x3  }
0x94: {  	_ =	strace s3  }
0x95: {  	s3 =	sld [smem:$0x3FFD];
	_ =	sdelay $0x3  }
0x96: {  	_ =	strace s3  }
0x97: {  	_ =	strace $0x8FFFFFFF  }
0x98: {  	s19 =	sld [smem:$0x3FDB];
	_ =	sdelay $0x1  }
0x99: {  	s4 =	simm.s32 $_scs_section_size  }
0x9a: {  	s5 =	simm.s32 $_size__tile_overlayer_lowered;
	s6 =	simm.s32 $_tile_overlayer_lowered  }
0x9b: {  	s22 =	simm.s32 $0x1BFF;
	s21 =	sshll.u32 s6, $0x1;
	s3 =	sadd.s32 s4, s19  }
0x9c: {  	s7 =	simm.s32 $0x0;
	s20 =	sshll.u32 s5, $0x1;
	s5 =	sadd.s32 s21, s3  }
0x9d: {  	[timem:s7], [sflag:s22] =	dma.local [hbm:s5], s20  }
0x9e: {  	_ =	swait.ge [sflag:s22], s20  }
0x9f: {  	s4 =	ssub.s32 $0x0, s20;
	[sflag:s22] =	ssyncset.done $0x0  }
0xa0: {  	[sflag:s22] =	ssyncadd.s32 s4;
	_ =	sdelay $0x1  }
0xa1: {  	s23 =	simm.s32 $0x1B8B  }
0xa2: {  	_ =	swait.ge [sflag:s23], $0x1  }
0xa3: {  	[sflag:s23] =	ssyncset.done $0x0  }
0xa4: {  	s25 =	simm.s32 $0x1B8E;
	s24 =	sld [smem:$0x3FFE];
	[sflag:s23] =	ssyncadd.s32 $0xFFFFFFFF  }
0xa5: {  	s26 =	simm.s32 $execute0_lowered;
	[smem:$0x3FD2] =	sst s25  }
0xa6: {  	s5 =	sshll.u32 s26, $0x1;
	_ =	strace $0x80000046;
	[dreg:$0x1] =	wrdreg $0xFFFFFFFF  }
0xa7: {  	s28 =	simm.s32 $_size_execute0_lowered;
	s3 =	sadd.s32 s3, s5;
	[dreg:$0x0] =	wrdreg $0x0  }
0xa8: {  	s5 =	sshll.u32 s28, $0x1;
	[dreg:$0x2] =	wrdreg s3  }
0xa9: {  	[dreg:$0x3] =	wrdreg s5  }
0xaa: {  	[dreg:$0x4] =	wrdreg $0xC0  }
0xab: {  	_ =	task [dreg:s7], $0x5FFFF  }
0xac: {  	[dreg:$0x1] =	wrdreg $0xFFFFFFFF  }
0xad: {  	[dreg:$0x0] =	wrdreg $0x60  }
0xae: {  	[dreg:$0x2] =	wrdreg s24  }
0xaf: {  	[dreg:$0x3] =	wrdreg s2  }
0xb0: {  	[dreg:$0x4] =	wrdreg $0x0  }
0xb1: {  	[dreg:$0x5] =	wrdreg $0x9  }
0xb2: {  	_ =	task.clear_ibuf [dreg:s7], $0x6FFFF;
	_ =	strace $0x90000046  }
0xb3: {  	s29 =	simm.s32 $0x9;
	_ =	strace $0x80000048  }
0xb4: {  	_ =	swait.ge [sflag:s29], $0x1  }
0xb5: {  	[sflag:s29] =	ssyncadd.s32 $0xFFFFFFFF  }
0xb6: {  	_ =	strace $0x90000048  }
0xb7: {  	_ =	sfence  }
0xb8: {  	s30 =	sld [smem:$0x0];
	_ =	sdelay $0x2  }
0xb9: {  	s31 =	sshll.u32 s1, $0xD;
	s1 =	sshrl.u32 s1, $0x2  }
0xba: {  	s3 =	sand.u32 $0x4000, s31;
	s1 =	sadd.s32 s1, s30  }
0xbb: {  	s0 =	sor.u32 s3, s0;
	s1 =	sshll.u32 s1, $0x11  }
0xbc: {  	s0 =	sor.u32 s1, s0  }
0xbd: {  	s0 =	sadd.s32 $0x8F2B, s0  }
0xbe: {  	[sflag:s0] =	ssyncadd.remote.s32 $0x1  }
0xbf: {  	_ =	sfence.sel $0xFFFF  }
0xc0: {  	[dreg:$0x0] =	wrdreg $0xFFFFFFFF;
	(pc) =	sbr.abs _section_cstart, $3  }
0xc1: {  	[dreg:$0x1] =	wrdreg $0xFFFFFFFF  }
0xc2: {  	_ =	task.clear_ibuf [dreg:s7], $0x2FFFF;
	_ =	strace $0x9FFFFFFF  }
0xc3: {  	(tm) =	ssettm $0x7FFFFFFF  }
tec
execute0_lowered:
.L_overlay_start_1:
0x0: {  	(tag) =	ssettag $0x1  }
0x1: {  	s0 =	rddreg [dreg:$0x0]  }
0x2: {  	s1 =	rddreg [dreg:$0x1]  }
0x3: {  	s2 =	rddreg [dreg:$0x2];
	s3 =	simm.s32 $0x0;
	s4 =	srdreg.scid  }
0x4: {  	s11 =	stileid.u32;
	s28 =	simm.s32 $0x15F90;
	s29 =	simm.s32 $0x15FE0  }
0x5: {  	s30 =	simm.s32 $0x1;
	s31 =	simm.s32 $0x50;
	[smem:$0x7FF] =	sst s3  }
0x6: {  	s4 =	sand.u32 $0x1, s4;
	s8 =	smul.u32 $0xB400, s11;
	s5 =	sadd.s32 $0x14800, s0  }
0x7: {  	s6 =	sadd.s32 $0xE00, s0;
	s24 =	smul.u32 $0x15F90, s11;
	p0 =	sgt.u32 s11, $0xC  }
0x8: {  	s7 =	smul.u32 $0x2BF20, s4;
	_ =	strace $0x80000047;
	s9 =	ssub.s32 $0x2, s4  }
0x9: {  	s4 =	sshll.u32 s4, $0x4;
	s8 =	sshrl.u32 s8, $0x2;
	s10 =	sshrl.u32 s9, $0x1  }
0xa: {  	s4 =	sor.u32 s11, s4;
	s26 =	sshrl.u32 s24, $0x3;
	s12 =	sadd.s32 s8, s2  }
0xb: {  	s11 =	simm.s32 $0x2;
	s14 =	sadd.s32 $0x2D000, s12;
	[dreg:$0x4] =	wrdreg s12  }
0xc: {  	s7 =	sadd.s32 s7, s0;
	s15 =	sadd.s32 $0x5A000, s12;
	[dreg:$0x5] =	wrdreg s14  }
0xd: {  	s13 =	ssub.s32 s9, s10;
	s16 =	sadd.s32 $0x87000, s12;
	[dreg:$0x6] =	wrdreg s15  }
0xe: {  	s4 =	smul.u32 $0x2710, s4;
	s17 =	sadd.s32 $0xB4000, s12;
	[dreg:$0x7] =	wrdreg s16  }
0xf: {  	s10 =	simm.s32 $0x1ABD0;
	s18 =	sadd.s32 $0xE1000, s12;
	[dreg:$0x8] =	wrdreg s17  }
0x10: {  	s19 =	sadd.s32 $0x10E000, s12;
	s21 =	sadd.s32 $0x13B000, s12;
	[dreg:$0x9] =	wrdreg s18  }
0x11: {  	s25 =	sadd.s32 $0x19800, s7;
	s8 =	smax.u32 s13, $0x1;
	[dreg:$0xa] =	wrdreg s19  }
0x12: {  	s13 =	simm.s32 $0x0;
	s20 =	sshrl.u32 s4, $0x3;
	[dreg:$0xc] =	wrdreg s21  }
0x13: {  	s18 =	sadd.s32 $0xAA40, s0;
	s21 =	sadd.s32 $0xF0, s4;
	s0 =	sadd.s32 s24, s2  }
0x14: {  	[dreg:$0x10] =	wrdreg s8;
	s24 =	simm.s32 $0x17E30;
	s8 =	simm.s32 $0x16A30  }
0x15: {  	s16 =	simm.s32 $0x3;
	s22 =	sadd.s32 s6, s20;
	[dreg:$0xb] =	wrdreg s20  }
0x16: {  	s19 =	simm.s32 $0x1AB30;
	s9 =	sadd.s32 $0xA, s20;
	[dreg:$0xd] =	wrdreg s22  }
0x17: {  	v0 =	vimm.f32 $0.0e+00;
	v1 =	vlaneseq.u32;
	s20 =	sadd.s32 $0xA0, s4;
	s4 =	sadd.s32 s26, s25;
	[dreg:$0xe] =	wrdreg s9  }
0x18: {  	v2 =	vimm.s32 $0x0;
	v3 =	vimm.s32 $0x1;
	v4 =	vimm.s32 $0x2;
	s0 =	sshrl.u32 s0, $0x3;
	s23 =	sadd.s32 s6, s9;
	[dreg:$0x11] =	wrdreg s4  }
0x19: {  	v5 =	vimm.s32 $0x3;
	v6 =	vimm.s32 $0x4;
	v7 =	vimm.s32 $0x5;
	[dreg:$0x12] =	wrdreg s0;
	s0 =	simm.s32 $0x16030;
	s4 =	simm.s32 $0x16530  }
0x1a: {  	v8 =	vimm.s32 $0x6;
	v9 =	vimm.s32 $0x7;
	v1 =	vor.u32 $0x8, v1;
	s9 =	simm.s32 $0x1AB80;
	s22 =	simm.s32 $0x4;
	[dreg:$0xf] =	wrdreg s23  }
.LBB2_1:
0x1b: {  	[dreg:$0x13] =	wrdreg s13;
	s7 =	simm.s32 $0x0;
	s12 =	simm.s32 $0x240  }
.LBB2_2:
0x1c: {  	p1 =	sne.s32 s12, $0xB1C0;
	[tilespmem:s7+$0x17EB0] =	vst v0  }
0x1d: {  	[tilespmem:s7+$0x17E30] =	vst v0  }
0x1e: {  	[tilespmem:s7+$0x17E40] =	vst v0  }
0x1f: {  	[tilespmem:s7+$0x17E50] =	vst v0  }
.Ltmp0:
0x20: {  	[tilespmem:s7+$0x17E60] =	vst v0;
	(pc) =	sbr.rel @p1 .LBB2_2-.Ltmp0, $4  }
0x21: {  	[tilespmem:s7+$0x17E70] =	vst v0  }
0x22: {  	[tilespmem:s7+$0x17E80] =	vst v0  }
0x23: {  	[tilespmem:s7+$0x17E90] =	vst v0  }
0x24: {  	[tilespmem:s7+$0x17EA0] =	vst v0;
	s7 =	sshra.s32 s12, $0x2;
	s12 =	sadd.s32 $0x240, s12  }
0x25: {  	[tilespmem:s7+$0x17EB0] =	vst v0  }
0x26: {  	[tilespmem:s7+$0x17E30] =	vst v0  }
0x27: {  	[tilespmem:s7+$0x17E40] =	vst v0  }
0x28: {  	[tilespmem:s7+$0x17E50] =	vst v0  }
0x29: {  	[tilespmem:s7+$0x17E60] =	vst v0  }
0x2a: {  	[tilespmem:s7+$0x17E70] =	vst v0  }
0x2b: {  	[tilespmem:s7+$0x17E80] =	vst v0  }
0x2c: {  	[tilespmem:s7+$0x17E90] =	vst v0  }
0x2d: {  	[tilespmem:s7+$0x17EA0] =	vst v0;
	s17 =	rddreg [dreg:$0x4]  }
0x2e: {  	[spmem:s17] =	stream.linear.scatter [tilespmem:s24], [sflag:$0x7], $0x2D00, $0x38;
	[tilespmem:$0x1F770] =	vst v63  }
0x2f: {  	s23 =	rddreg [dreg:$0x5]  }
0x30: {  	[spmem:s23] =	stream.linear.scatter [tilespmem:s24], [sflag:$0x7], $0x2D00, $0x38;
	[tilespmem:$0x1F770] =	vst v63  }
0x31: {  	s25 =	rddreg [dreg:$0x6]  }
0x32: {  	[spmem:s25] =	stream.linear.scatter [tilespmem:s24], [sflag:$0x7], $0x2D00, $0x38;
	[tilespmem:$0x1F770] =	vst v63  }
0x33: {  	s26 =	rddreg [dreg:$0x7]  }
0x34: {  	[spmem:s26] =	stream.linear.scatter [tilespmem:s24], [sflag:$0x7], $0x2D00, $0x38;
	[tilespmem:$0x1F770] =	vst v63  }
0x35: {  	s12 =	rddreg [dreg:$0x8]  }
0x36: {  	[spmem:s12] =	stream.linear.scatter [tilespmem:s24], [sflag:$0x7], $0x2D00, $0x38;
	[tilespmem:$0x1F770] =	vst v63  }
0x37: {  	s13 =	rddreg [dreg:$0x9]  }
0x38: {  	[spmem:s13] =	stream.linear.scatter [tilespmem:s24], [sflag:$0x7], $0x2D00, $0x38;
	[tilespmem:$0x1F770] =	vst v63  }
0x39: {  	s14 =	rddreg [dreg:$0xa]  }
0x3a: {  	[spmem:s14] =	stream.linear.scatter [tilespmem:s24], [sflag:$0x7], $0x2D00, $0x38;
	[tilespmem:$0x1F770] =	vst v63  }
0x3b: {  	s7 =	simm.s32 @!p0 $0x17E30;
	s15 =	simm.s32 $0x7;
	s12 =	rddreg [dreg:$0xc]  }
0x3c: {  	[spmem:s12] =	stream.linear.scatter @!p0 [tilespmem:s7], [sflag:$0x7], $0x2D00, $0x38;
	[tilespmem:$0x1F770] =	vst v63  }
0x3d: {  	_ =	swait.ge [sflag:s15], $0x2D00  }
0x3e: {  	[sflag:s15] =	ssyncset.done $0x0  }
0x3f: {  	[sflag:s15] =	ssyncadd.s32 $0xFFFFD300  }
0x40: {  	_ =	swait.ge [sflag:s15], $0x2D00  }
0x41: {  	[sflag:s15] =	ssyncset.done $0x0  }
0x42: {  	[sflag:s15] =	ssyncadd.s32 $0xFFFFD300  }
0x43: {  	_ =	swait.ge [sflag:s15], $0x2D00  }
0x44: {  	[sflag:s15] =	ssyncset.done $0x0  }
0x45: {  	[sflag:s15] =	ssyncadd.s32 $0xFFFFD300  }
0x46: {  	_ =	swait.ge [sflag:s15], $0x2D00  }
0x47: {  	[sflag:s15] =	ssyncset.done $0x0  }
0x48: {  	[sflag:s15] =	ssyncadd.s32 $0xFFFFD300  }
0x49: {  	_ =	swait.ge [sflag:s15], $0x2D00  }
0x4a: {  	[sflag:s15] =	ssyncset.done $0x0  }
0x4b: {  	[sflag:s15] =	ssyncadd.s32 $0xFFFFD300  }
0x4c: {  	_ =	swait.ge [sflag:s15], $0x2D00  }
0x4d: {  	[sflag:s15] =	ssyncset.done $0x0  }
0x4e: {  	[sflag:s15] =	ssyncadd.s32 $0xFFFFD300  }
0x4f: {  	_ =	swait.ge [sflag:s15], $0x2D00  }
0x50: {  	[sflag:s15] =	ssyncset.done $0x0  }
0x51: {  	s7 =	simm.s32 @!p0 $0x7;
	[sflag:s15] =	ssyncadd.s32 $0xFFFFD300  }
0x52: {  	_ =	swait.ge @!p0 [sflag:s7], $0x2D00  }
0x53: {  	[sflag:s7] =	ssyncset.done @!p0 $0x0  }
0x54: {  	[sflag:s7] =	ssyncadd.s32 @!p0 $0xFFFFD300  }
0x55: {  	[bflag:$0x0] =	sbarrier.arrive $0xFFFF  }
0x56: {  	s17 =	rddreg [dreg:$0xd]  }
0x57: {  	s7 =	simm.s32 $0x0;
	s23 =	rddreg [dreg:$0xb]  }
0x58: {  	[tilespmem:s28], [sflag:$0x1] =	stream.linear.gather [hbm4b:s17+s7], $0x50, $0x38;
	[tilespmem:$0x1F770] =	vst v63  }
0x59: {  	s12 =	sadd.s32 s23, s18  }
0x5a: {  	[tilespmem:s29], [sflag:$0x1] =	stream.linear.gather [hbm4b:s12+s7], $0x50, $0x38;
	[tilespmem:$0x1F770] =	vst v63  }
0x5b: {  	_ =	swait.ge [sflag:s30], $0x50  }
0x5c: {  	[sflag:s30] =	ssyncset.done $0x0  }
0x5d: {  	[sflag:s30] =	ssyncadd.s32 $0xFFFFFFB0  }
0x5e: {  	_ =	swait.ge [sflag:s30], $0x50  }
0x5f: {  	[sflag:s30] =	ssyncset.done $0x0  }
0x60: {  	[sflag:s30] =	ssyncadd.s32 $0xFFFFFFB0  }
0x61: {  	[tilespmem:s0], [sflag:$0x3] =	stream.indirect.gather [hbm4b:s5+s31], $0x10, s28, s31, $0xb8;
	[tilespmem:$0x1F770] =	vst v63  }
0x62: {  	_ = 	snop  }
0x63: {  	[tilespmem:s4], [sflag:$0x3] =	stream.indirect.gather [hbm4b:s5+s31], $0x10, s29, s31, $0xb8;
	[tilespmem:$0x1F770] =	vst v63  }
0x64: {  	s25 =	rddreg [dreg:$0xf]  }
0x65: {  	[tilespmem:s8], [sflag:$0x3] =	stream.indirect.gather [hbm4b:s1+s31], $0x40, s28, s31, $0xb8;
	[tilespmem:$0x1F770] =	vst v63  }
0x66: {  	s26 =	rddreg [dreg:$0xe]  }
0x67: {  	[tilespmem:s9], [sflag:$0x2] =	stream.linear.gather [hbm4b:s25+s7], $0x50, $0x38;
	[tilespmem:$0x1F770] =	vst v63  }
0x68: {  	s12 =	sadd.s32 s26, s18  }
0x69: {  	[tilespmem:s10], [sflag:$0x2] =	stream.linear.gather [hbm4b:s12+s7], $0x50, $0x38;
	[tilespmem:$0x1F770] =	vst v63  }
.LBB2_4:
0x6a: {  	_ =	swait.ge [sflag:s11], $0x50  }
0x6b: {  	[sflag:s11] =	ssyncset.done $0x0  }
0x6c: {  	[sflag:s11] =	ssyncadd.s32 $0xFFFFFFB0  }
0x6d: {  	_ =	swait.ge [sflag:s11], $0x50  }
0x6e: {  	[sflag:s11] =	ssyncset.done $0x0  }
0x6f: {  	s12 =	simm.s32 $0x1AC20;
	[sflag:s11] =	ssyncadd.s32 $0xFFFFFFB0  }
0x70: {  	[tilespmem:s12], [sflag:$0x4] =	stream.indirect.gather [hbm4b:s5+s31], $0x10, s9, s31, $0xb8;
	[tilespmem:$0x1F770] =	vst v63  }
0x71: {  	s17 =	simm.s32 $0x1B120  }
0x72: {  	[tilespmem:s17], [sflag:$0x4] =	stream.indirect.gather [hbm4b:s5+s31], $0x10, s10, s31, $0xb8;
	[tilespmem:$0x1F770] =	vst v63  }
0x73: {  	s23 =	simm.s32 $0x1B620  }
0x74: {  	[tilespmem:s23], [sflag:$0x4] =	stream.indirect.gather [hbm4b:s1+s31], $0x40, s9, s31, $0xb8;
	[tilespmem:$0x1F770] =	vst v63  }
0x75: {  	_ =	swait.ge [sflag:s16], $0x500  }
0x76: {  	[sflag:s16] =	ssyncset.done $0x0  }
0x77: {  	[sflag:s16] =	ssyncadd.s32 $0xFFFFFB00  }
0x78: {  	_ =	swait.ge [sflag:s16], $0x500  }
0x79: {  	[sflag:s16] =	ssyncset.done $0x0  }
0x7a: {  	[sflag:s16] =	ssyncadd.s32 $0xFFFFFB00  }
0x7b: {  	_ =	swait.ge [sflag:s16], $0x1400  }
0x7c: {  	p1 =	seq.s32 s7, $0x0;
	[sflag:s16] =	ssyncset.done $0x0  }
0x7d: {  	s12 =	simm.s32 @!p1 $0x5;
	[sflag:s16] =	ssyncadd.s32 $0xFFFFEC00  }
0x7e: {  	_ =	swait.ge @!p1 [sflag:s12], $0x2D00  }
0x7f: {  	[sflag:s12] =	ssyncset.done @!p1 $0x0  }
0x80: {  	[sflag:s12] =	ssyncadd.s32 @!p1 $0xFFFFD300  }
0x81: {  	v10 =	vld [tilespmem:$0x15FE0]  }
0x82: {  	v11 =	vld [tilespmem:$0x15FF0]  }
0x83: {  	v12 =	vld [tilespmem:$0x16000]  }
0x84: {  	v13 =	vld [tilespmem:$0x16010]  }
0x85: {  	v14 =	vld [tilespmem:$0x16020]  }
0x86: {  	[tilespmem:$0x1AB30] =	vst v10  }
0x87: {  	[tilespmem:$0x1AB40] =	vst v11  }
0x88: {  	[tilespmem:$0x1AB50] =	vst v12  }
0x89: {  	[tilespmem:$0x1AB60] =	vst v13  }
0x8a: {  	s25 =	simm.s32 $0x16550;
	[tilespmem:$0x1AB70] =	vst v14  }
0x8b: {  	v10 =	vld [tilespmem:s25+$0xFFFFFFF0]  }
0x8c: {  	s13 =	simm.s32 $0x16050  }
0x8d: {  	v11 =	vld [tilespmem:s13+$0xFFFFFFF0];
	_ =	sdelay $0x2  }
0x8e: {  	v10 =	vperm.xlane v10, v1  }
0x8f: {  	v12 =	vld [tilespmem:s25+$0xFFFFFFE0]  }
0x90: {  	v10 =	vadd.f32 v10, v11  }
0x91: {  	v11 =	vld [tilespmem:s13+$0xFFFFFFE0]  }
0x92: {  	v13 =	vmul.f32 $9.999999770e-03, v10  }
0x93: {  	vm0 =	vge.f32 v10, $0.0e+00  }
0x94: {  	v12 =	vperm.xlane v12, v1;
	v10 =	vsel vm0, v10, v13;
	v13 =	vld [tilespmem:s25+$0x0]  }
0x95: {  	v10 =	vmul.f32 $1.442695020e+00, v10  }
0x96: {  	v14 =	vld [tilespmem:s13+$0x0];
	v11 =	vadd.f32 v12, v11  }
0x97: {  	(erf) = vpow2.f32 v10  }
0x98: {  	v10 =	vmul.f32 $9.999999770e-03, v11  }
0x99: {  	vm9 =	vge.f32 v11, $0.0e+00;
	v12 =	vperm.xlane v13, v1;
	v13 =	vld [tilespmem:s25+$0x10]  }
0x9a: {  	v10 =	vsel vm9, v11, v10  }
0x9b: {  	v10 =	vmul.f32 $1.442695020e+00, v10;
	v11 =	vadd.f32 v12, v14;
	v12 =	vld [tilespmem:s13+$0x10];
	_ =	sdelay $0x1  }
0x9c: {  	(erf) = vpow2.f32 v10;
	v14 =	vmul.f32 $9.999999770e-03, v11  }
0x9d: {  	vm10 =	vge.f32 v11, $0.0e+00;
	v10 =	vperm.xlane v13, v1  }
0x9e: {  	v11 =	vsel vm10, v11, v14  }
0x9f: {  	s17 =	simm.s32 $0x17F50;
	v15 =	vpop (erf);
	v11 =	vmul.f32 $1.442695020e+00, v11;
	v10 =	vadd.f32 v10, v12  }
0xa0: {  	s14 =	simm.s32 $0x16AB0;
	[tilespmem:s17+$0xFFFFFFF0] =	vst v15  }
0xa1: {  	v12 =	vld [tilespmem:s14+$0xFFFFFFC0];
	(erf) = vpow2.f32 v11;
	v11 =	vmul.f32 $9.999999770e-03, v10  }
0xa2: {  	v13 =	vperm.xlane v15, v3;
	vm11 =	vge.f32 v10, $0.0e+00  }
0xa3: {  	v18 =	vperm.xlane v15, v5;
	v19 =	vperm.xlane v15, v6;
	v10 =	vsel vm11, v10, v11  }
0xa4: {  	v39 =	vperm.xlane v15, v7;
	v10 =	vmul.f32 $1.442695020e+00, v10  }
0xa5: {  	v48 =	vperm.xlane v15, v8;
	v11 =	vperm.xlane v15, v2;
	v20 =	vpop (erf)  }
0xa6: {  	[tilespmem:s17+$0xFFFFFF60] =	vst v20;
	v14 =	vunpack.i.l.bf16.f32 v12;
	v12 =	vunpack.i.u.bf16.f32 v12;
	(erf) = vpow2.f32 v10  }
0xa7: {  	v11 =	vmul.f32 v11, v14;
	v10 =	vmul.f32 v13, v12;
	v12 =	vld [tilespmem:s14+$0xFFFFFF80]  }
0xa8: {  	v22 =	vperm.xlane v20, v4;
	v24 =	vperm.xlane v20, v6  }
0xa9: {  	v17 =	vperm.xlane v20, v2;
	v63 =	vperm.xlane v20, v5;
	[tilespmem:s17+$0xFFFFFF70] =	vst v11  }
0xaa: {  	v51 =	vperm.xlane v20, v8;
	v55 =	vperm.xlane v20, v7;
	[tilespmem:s17+$0xFFFFFF80] =	vst v10  }
0xab: {  	s26 =	simm.s32 $0x16590;
	v60 =	vperm.xlane v20, v9;
	v13 =	vperm.xlane v20, v3;
	v23 =	vpop (erf);
	v10 =	vld [tilespmem:s14+$0xFFFFFFD0]  }
0xac: {  	v26 =	vld [tilespmem:s26+$0xFFFFFFF0];
	v14 =	vperm.xlane v15, v4;
	[tilespmem:s17+$0x80] =	vst v23;
	v21 =	vperm.xlane v23, v4;
	v16 =	vunpack.i.u.bf16.f32 v12  }
0xad: {  	s13 =	simm.s32 $0x16090;
	v11 =	vperm.xlane v23, v8;
	v25 =	vld [tilespmem:s14+$0x0];
	v13 =	vmul.f32 v13, v16  }
0xae: {  	v27 =	vld [tilespmem:s13+$0xFFFFFFF0];
	v28 =	vperm.xlane v23, v3;
	v50 =	vperm.xlane v23, v2;
	v12 =	vunpack.i.l.bf16.f32 v12  }
0xaf: {  	v16 =	vperm.xlane v23, v6;
	v12 =	vmul.f32 v17, v12  }
0xb0: {  	v29 =	vld [tilespmem:s26+$0xFFFFFFE0];
	v17 =	vperm.xlane v23, v7;
	v30 =	vunpack.i.l.bf16.f32 v10;
	v10 =	vunpack.i.u.bf16.f32 v10  }
0xb1: {  	[tilespmem:s17+$0xFFFFFEF0] =	vst v13;
	v10 =	vmul.f32 v18, v10;
	v18 =	vperm.xlane v26, v1;
	v13 =	vpop (erf)  }
0xb2: {  	v32 =	vld [tilespmem:s13+$0xFFFFFFE0];
	[tilespmem:s17+$0xFFFFFEE0] =	vst v12;
	v12 =	vmul.f32 v14, v30;
	v14 =	vunpack.i.u.bf16.f32 v25;
	v30 =	vperm.xlane v13, v4  }
0xb3: {  	v31 =	vld [tilespmem:s14+$0xFFFFFF90];
	[tilespmem:s17+$0x110] =	vst v13;
	v26 =	vperm.xlane v13, v5;
	v28 =	vmul.f32 v28, v14;
	v18 =	vadd.f32 v18, v27  }
0xb4: {  	[tilespmem:s17+$0xFFFFFF90] =	vst v12;
	v14 =	vperm.xlane v13, v6;
	v34 =	vperm.xlane v13, v3  }
0xb5: {  	[tilespmem:s17+$0xFFFFFFA0] =	vst v10;
	v27 =	vperm.xlane v29, v1;
	v33 =	vld [tilespmem:s14+$0x40];
	v35 =	vmul.f32 $9.999999770e-03, v18  }
0xb6: {  	v10 =	vperm.xlane v13, v9;
	v12 =	vperm.xlane v13, v8;
	v29 =	vld [tilespmem:s14+$0xFFFFFFE0];
	vm12 =	vge.f32 v18, $0.0e+00  }
0xb7: {  	v36 =	vld [tilespmem:s26+$0x10];
	v40 =	vperm.xlane v13, v2;
	v27 =	vadd.f32 v27, v32;
	v18 =	vsel vm12, v18, v35  }
0xb8: {  	v38 =	vld [tilespmem:s26+$0x0];
	v37 =	vunpack.i.u.bf16.f32 v31;
	v31 =	vunpack.i.l.bf16.f32 v31;
	v18 =	vmul.f32 $1.442695020e+00, v18  }
0xb9: {  	v22 =	vmul.f32 v22, v31;
	v31 =	vld [tilespmem:s13+$0x10];
	v35 =	vmul.f32 v63, v37  }
0xba: {  	vm13 =	vge.f32 v27, $0.0e+00;
	v45 =	vmul.f32 $9.999999770e-03, v27;
	(erf) = vpow2.f32 v18  }
0xbb: {  	v62 =	vunpack.i.u.bf16.f32 v33;
	v44 =	vunpack.i.l.bf16.f32 v29;
	v33 =	vunpack.i.l.bf16.f32 v33;
	[tilespmem:s17+$0xFFFFFF00] =	vst v22;
	v18 =	vld [tilespmem:s13+$0x0]  }
0xbc: {  	v22 =	vunpack.i.u.bf16.f32 v29;
	[tilespmem:s17+$0xFFFFFF10] =	vst v35;
	v37 =	vmul.f32 v19, v44;
	v19 =	vperm.xlane v36, v1  }
0xbd: {  	v27 =	vsel vm13, v27, v45;
	v29 =	vmul.f32 v40, v33;
	v46 =	vmul.f32 v39, v22;
	v47 =	vld [tilespmem:s14+$0xFFFFFFA0]  }
0xbe: {  	v22 =	vadd.f32 v19, v31;
	v19 =	vperm.xlane v38, v1;
	v31 =	vmul.f32 v34, v62  }
0xbf: {  	[tilespmem:s17+$0x90] =	vst v29;
	v29 =	vperm.xlane v15, v9;
	v15 =	vunpack.i.l.bf16.f32 v25;
	v25 =	vmul.f32 $1.442695020e+00, v27  }
0xc0: {  	[tilespmem:s17+$0x10] =	vst v28;
	v27 =	vmul.f32 v50, v15;
	v49 =	vmul.f32 $9.999999770e-03, v22;
	v18 =	vadd.f32 v19, v18  }
0xc1: {  	[tilespmem:s17+$0xA0] =	vst v31;
	(erf) = vpow2.f32 v25;
	vm15 =	vge.f32 v22, $0.0e+00;
	v19 =	vperm.xlane v23, v9  }
0xc2: {  	v31 =	vld [tilespmem:s14+$0x50];
	v25 =	vunpack.i.l.bf16.f32 v47;
	[tilespmem:s17+$0x0] =	vst v27;
	v28 =	vunpack.i.u.bf16.f32 v47;
	v52 =	vmul.f32 $9.999999770e-03, v18  }
0xc3: {  	s26 =	simm.s32 $0x18190;
	[tilespmem:s17+$0xFFFFFFB0] =	vst v37;
	v23 =	vperm.xlane v23, v5;
	v24 =	vmul.f32 v24, v25;
	v53 =	vld [tilespmem:s14+$0x10];
	vm14 =	vge.f32 v18, $0.0e+00;
	v15 =	vpop (erf)  }
0xc4: {  	s12 =	simm.s32 $0x16BB0;
	v34 =	vsel vm15, v22, v49;
	v28 =	vmul.f32 v55, v28;
	v18 =	vsel vm14, v18, v52;
	[tilespmem:s26+$0xFFFFFFF0] =	vst v15  }
0xc5: {  	[tilespmem:s17+$0xFFFFFFC0] =	vst v46;
	v58 =	vmul.f32 $1.442695020e+00, v34;
	v18 =	vmul.f32 $1.442695020e+00, v18;
	v54 =	vld [tilespmem:s12+$0xFFFFFFC0]  }
0xc6: {  	[tilespmem:s17+$0xFFFFFF20] =	vst v24;
	v27 =	vperm.xlane v15, v4;
	v25 =	vperm.xlane v15, v5  }
0xc7: {  	v35 =	vld [tilespmem:s14+$0xFFFFFFF0];
	[tilespmem:s17+$0xFFFFFF30] =	vst v28;
	(erf) = vpow2.f32 v18;
	v18 =	vperm.xlane v15, v2  }
0xc8: {  	v57 =	vld [tilespmem:s14+$0xFFFFFFB0];
	v22 =	vperm.xlane v15, v6;
	v56 =	vunpack.i.u.bf16.f32 v31;
	v24 =	vunpack.i.u.bf16.f32 v53  }
0xc9: {  	v31 =	vunpack.i.l.bf16.f32 v31;
	v37 =	vmul.f32 v26, v56;
	v23 =	vmul.f32 v23, v24  }
0xca: {  	v26 =	vperm.xlane v15, v3;
	v24 =	vmul.f32 v30, v31;
	v28 =	vunpack.i.l.bf16.f32 v54  }
0xcb: {  	v31 =	vunpack.i.l.bf16.f32 v53;
	(erf) = vpow2.f32 v58;
	[tilespmem:s17+$0x30] =	vst v23;
	v28 =	vmul.f32 v18, v28;
	v18 =	vpop (erf)  }
0xcc: {  	v23 =	vmul.f32 v21, v31;
	v31 =	vunpack.i.u.bf16.f32 v35;
	v30 =	vunpack.i.u.bf16.f32 v54;
	[tilespmem:s26+$0xFFFFFF60] =	vst v18  }
0xcd: {  	v20 =	vunpack.i.l.bf16.f32 v57;
	[tilespmem:s17+$0xB0] =	vst v24;
	v29 =	vmul.f32 v29, v31;
	v30 =	vmul.f32 v26, v30;
	v59 =	vld [tilespmem:s12+$0xFFFFFF80]  }
0xce: {  	[tilespmem:s17+$0x20] =	vst v23;
	v26 =	vperm.xlane v18, v4;
	v21 =	vperm.xlane v18, v6  }
0xcf: {  	v61 =	vperm.xlane v18, v3;
	v62 =	vperm.xlane v18, v2;
	[tilespmem:s26+$0xFFFFFF70] =	vst v28;
	v28 =	vunpack.i.l.bf16.f32 v35;
	v35 =	vld [tilespmem:s14+$0x20]  }
0xd0: {  	v23 =	vunpack.i.u.bf16.f32 v57;
	[tilespmem:s26+$0xFFFFFF80] =	vst v30;
	v31 =	vmul.f32 v48, v28;
	v28 =	vmul.f32 v51, v20;
	v20 =	vpop (erf)  }
0xd1: {  	v30 =	vmul.f32 v60, v23;
	v36 =	vld [tilespmem:s12+$0xFFFFFFD0];
	[tilespmem:s26+$0x80] =	vst v20;
	v23 =	vperm.xlane v20, v4  }
0xd2: {  	v24 =	vperm.xlane v20, v8;
	v32 =	vperm.xlane v20, v6;
	[tilespmem:s17+$0xFFFFFF40] =	vst v28;
	v28 =	vld [tilespmem:s12+$0x0];
	v63 =	vunpack.i.u.bf16.f32 v59  }
0xd3: {  	[tilespmem:s17+$0xC0] =	vst v37;
	v33 =	vperm.xlane v20, v7;
	v34 =	vunpack.i.l.bf16.f32 v59;
	v39 =	vmul.f32 v61, v63  }
0xd4: {  	s15 =	simm.s32 $0x4;
	s23 =	simm.s32 $0x165D0;
	[tilespmem:s17+$0xFFFFFF50] =	vst v30;
	v37 =	vperm.xlane v20, v3;
	v40 =	vunpack.i.u.bf16.f32 v35;
	v38 =	vmul.f32 v62, v34;
	v34 =	vld [tilespmem:s14+$0x60]  }
.LBB2_5:
0xd5: {  	v41 =	vld [tilespmem:s23+$0xFFFFFFF0];
	s15 =	sadd.s32 $0x4, s15;
	[tilespmem:s26+$0xFFFFFEF0] =	vst v39;
	s13 =	sadd.s32 $0x40, s13;
	v30 =	vunpack.i.l.bf16.f32 v35;
	v35 =	vmul.f32 v17, v40;
	v39 =	vperm.xlane v13, v7;
	v17 =	vmovc v33  }
0xd6: {  	v33 =	vld [tilespmem:s23+$0xFFFFFFE0];
	p2 =	slt.u32 s15, $0x4C;
	[tilespmem:s26+$0xFFFFFEE0] =	vst v38;
	v38 =	vunpack.i.u.bf16.f32 v36;
	v36 =	vunpack.i.l.bf16.f32 v36;
	v13 =	vpop (erf);
	v40 =	vmul.f32 v16, v30  }
0xd7: {  	v16 =	vmovc v32;
	v42 =	vld [tilespmem:s12+$0xFFFFFF90];
	v27 =	vmul.f32 v27, v36;
	v36 =	vunpack.i.u.bf16.f32 v28;
	[tilespmem:s26+$0x110] =	vst v13;
	v30 =	vperm.xlane v13, v4  }
0xd8: {  	v25 =	vmul.f32 v25, v38;
	v32 =	vperm.xlane v13, v5;
	v38 =	vld [tilespmem:s12+$0x40];
	[tilespmem:s17+$0x50] =	vst v35  }
0xd9: {  	v35 =	vld [tilespmem:s13+$0xFFFFFFE0];
	[tilespmem:s26+$0xFFFFFF90] =	vst v27;
	v27 =	vmul.f32 v37, v36;
	v36 =	vperm.xlane v13, v6  }
0xda: {  	v43 =	vperm.xlane v13, v9;
	v44 =	vunpack.i.l.bf16.f32 v34;
	v37 =	vld [tilespmem:s13+$0xFFFFFFF0];
	[tilespmem:s26+$0xFFFFFFA0] =	vst v25;
	v25 =	vperm.xlane v13, v3  }
0xdb: {  	v46 =	vperm.xlane v13, v8;
	v34 =	vunpack.i.u.bf16.f32 v34;
	v33 =	vperm.xlane v33, v1;
	v45 =	vld [tilespmem:s12+$0xFFFFFFE0];
	[tilespmem:s17+$0x40] =	vst v40  }
0xdc: {  	v40 =	vld [tilespmem:s23+$0x10];
	v47 =	vunpack.i.u.bf16.f32 v42;
	v42 =	vunpack.i.l.bf16.f32 v42;
	[tilespmem:s17+$0xFFFFFFD0] =	vst v31;
	v31 =	vmul.f32 v14, v44;
	v14 =	vmovc v36  }
0xdd: {  	v34 =	vmul.f32 v39, v34;
	v36 =	vperm.xlane v41, v1;
	v41 =	vunpack.i.u.bf16.f32 v38;
	[tilespmem:s17+$0xFFFFFFE0] =	vst v29;
	v29 =	vld [tilespmem:s14+$0x30]  }
0xde: {  	v26 =	vmul.f32 v26, v42;
	v33 =	vadd.f32 v33, v35;
	v35 =	vperm.xlane v15, v7;
	[tilespmem:s17+$0xD0] =	vst v31  }
0xdf: {  	v31 =	vadd.f32 v36, v37;
	v36 =	vperm.xlane v18, v5;
	v37 =	vperm.xlane v13, v2;
	[tilespmem:s17+$0xE0] =	vst v34  }
0xe0: {  	vm0 =	vge.f32 v33, $0.0e+00;
	[tilespmem:s26+$0xFFFFFF00] =	vst v26;
	v26 =	vunpack.i.u.bf16.f32 v45;
	v34 =	vunpack.i.l.bf16.f32 v45;
	v39 =	vld [tilespmem:s14+$0x70];
	s14 =	smov.u32 s12  }
0xe1: {  	v38 =	vunpack.i.l.bf16.f32 v38;
	v42 =	vmul.f32 $9.999999770e-03, v31;
	v36 =	vmul.f32 v36, v47  }
0xe2: {  	vm1 =	vge.f32 v31, $0.0e+00;
	v22 =	vmul.f32 v22, v34;
	v34 =	vmul.f32 v37, v38;
	v44 =	vld [tilespmem:s13+$0x10]  }
0xe3: {  	v37 =	vmul.f32 $9.999999770e-03, v33;
	v31 =	vsel vm1, v31, v42;
	[tilespmem:s26+$0xFFFFFF10] =	vst v36;
	v36 =	vunpack.i.u.bf16.f32 v29  }
0xe4: {  	v31 =	vmul.f32 $1.442695020e+00, v31;
	v38 =	vld [tilespmem:s23+$0x0];
	[tilespmem:s26+$0xFFFFFFB0] =	vst v22;
	v22 =	vunpack.i.l.bf16.f32 v29;
	v19 =	vmul.f32 v19, v36  }
0xe5: {  	v29 =	vsel vm0, v33, v37;
	v33 =	vperm.xlane v40, v1;
	v36 =	vunpack.i.u.bf16.f32 v39  }
0xe6: {  	v26 =	vmul.f32 v35, v26;
	v37 =	vld [tilespmem:s13+$0x0];
	(erf) = vpow2.f32 v31;
	[tilespmem:s17+$0x70] =	vst v19;
	v19 =	vunpack.i.l.bf16.f32 v39  }
0xe7: {  	v25 =	vmul.f32 v25, v41;
	v39 =	vmul.f32 v11, v22;
	v31 =	vadd.f32 v33, v44;
	[tilespmem:s26+$0x90] =	vst v34  }
0xe8: {  	v33 =	vmul.f32 v10, v36;
	v10 =	vmovc v43;
	v22 =	vld [tilespmem:s12+$0xFFFFFFA0];
	[tilespmem:s26+$0xFFFFFFC0] =	vst v26;
	v26 =	vmul.f32 v12, v19;
	v12 =	vmov v46  }
0xe9: {  	v35 =	vperm.xlane v15, v8;
	v11 =	vmov v24;
	v19 =	vperm.xlane v38, v1;
	v34 =	vld [tilespmem:s12+$0xFFFFFFF0];
	[tilespmem:s17+$0x60] =	vst v39  }
0xea: {  	v36 =	vperm.xlane v20, v2;
	v24 =	vmul.f32 $9.999999770e-03, v31;
	[tilespmem:s26+$0xA0] =	vst v25  }
0xeb: {  	v25 =	vadd.f32 v19, v37;
	v37 =	vperm.xlane v15, v9;
	v19 =	vperm.xlane v20, v9;
	[tilespmem:s17+$0x100] =	vst v33  }
0xec: {  	v28 =	vunpack.i.l.bf16.f32 v28;
	v39 =	vmul.f32 $1.442695020e+00, v29;
	v33 =	vperm.xlane v18, v8;
	v29 =	vld [tilespmem:s12+$0x50];
	[tilespmem:s17+$0xF0] =	vst v26;
	s17 =	smov.u32 s26;
	s26 =	sadd.s32 $0x240, s26  }
0xed: {  	v28 =	vmul.f32 v36, v28;
	s12 =	sadd.s32 $0x100, s12;
	v26 =	vmul.f32 $9.999999770e-03, v25;
	v38 =	vunpack.i.u.bf16.f32 v22  }
0xee: {  	vm0 =	vge.f32 v25, $0.0e+00;
	v22 =	vunpack.i.l.bf16.f32 v22;
	(erf) = vpow2.f32 v39;
	[tilespmem:s17+$0x10] =	vst v27  }
0xef: {  	v21 =	vmul.f32 v21, v22;
	v26 =	vsel vm0, v25, v26;
	vm0 =	vge.f32 v31, $0.0e+00;
	v15 =	vpop (erf);
	[tilespmem:s17+$0x0] =	vst v28  }
0xf0: {  	[tilespmem:s26+$0xFFFFFFF0] =	vst v15;
	v27 =	vperm.xlane v15, v4;
	v25 =	vperm.xlane v15, v5;
	v24 =	vsel vm0, v31, v24;
	v28 =	vld [tilespmem:s14+$0x10]  }
0xf1: {  	v36 =	vperm.xlane v18, v7;
	v22 =	vperm.xlane v15, v6;
	v31 =	vld [tilespmem:s12+$0xFFFFFFC0];
	v39 =	vunpack.i.u.bf16.f32 v29  }
0xf2: {  	v26 =	vmul.f32 $1.442695020e+00, v26;
	v29 =	vunpack.i.l.bf16.f32 v29;
	v40 =	vmul.f32 v32, v39  }
0xf3: {  	v20 =	vperm.xlane v20, v5;
	v32 =	vmul.f32 v36, v38;
	v36 =	vunpack.i.l.bf16.f32 v34  }
0xf4: {  	v30 =	vmul.f32 v30, v29;
	(erf) = vpow2.f32 v26;
	[tilespmem:s17+$0xFFFFFF20] =	vst v21  }
0xf5: {  	v21 =	vperm.xlane v15, v2;
	v26 =	vperm.xlane v15, v3;
	[tilespmem:s17+$0xFFFFFF30] =	vst v32;
	v29 =	vunpack.i.u.bf16.f32 v28  }
0xf6: {  	v32 =	vunpack.i.u.bf16.f32 v31;
	v31 =	vunpack.i.l.bf16.f32 v31;
	v38 =	vld [tilespmem:s14+$0xFFFFFFB0];
	v20 =	vmul.f32 v20, v29  }
0xf7: {  	v28 =	vunpack.i.l.bf16.f32 v28;
	v29 =	vmul.f32 v21, v31;
	v32 =	vmul.f32 v26, v32;
	v39 =	vpop (erf)  }
0xf8: {  	v24 =	vmul.f32 $1.442695020e+00, v24;
	v26 =	vperm.xlane v39, v4;
	[tilespmem:s17+$0x30] =	vst v20  }
0xf9: {  	v23 =	vmul.f32 v23, v28;
	v21 =	vperm.xlane v39, v6;
	v20 =	vunpack.i.u.bf16.f32 v34;
	[tilespmem:s26+$0xFFFFFF60] =	vst v39  }
0xfa: {  	v28 =	vld [tilespmem:s12+$0xFFFFFF80];
	[tilespmem:s26+$0xFFFFFF70] =	vst v29;
	(erf) = vpow2.f32 v24;
	v29 =	vmul.f32 v37, v20  }
0xfb: {  	v31 =	vmul.f32 v35, v36;
	v24 =	vperm.xlane v18, v9;
	v18 =	vmovc v39;
	v37 =	vunpack.i.l.bf16.f32 v38;
	[tilespmem:s17+$0x20] =	vst v23  }
0xfc: {  	v34 =	vperm.xlane v18, v3;
	v23 =	vunpack.i.u.bf16.f32 v38;
	v33 =	vmul.f32 v33, v37;
	v35 =	vld [tilespmem:s14+$0x20];
	[tilespmem:s17+$0xB0] =	vst v30  }
.Ltmp1:
0xfd: {  	v30 =	vperm.xlane v18, v2;
	v41 =	vmul.f32 v24, v23;
	[tilespmem:s26+$0xFFFFFF80] =	vst v32;
	v20 =	vpop (erf);
	(pc) =	sbr.rel @p2 .LBB2_5-.Ltmp1, $4  }
0xfe: {  	v36 =	vld [tilespmem:s12+$0xFFFFFFD0];
	[tilespmem:s26+$0x80] =	vst v20;
	v23 =	vperm.xlane v20, v4;
	v24 =	vperm.xlane v20, v8  }
0xff: {  	v32 =	vperm.xlane v20, v6;
	v37 =	vunpack.i.u.bf16.f32 v28;
	v38 =	vunpack.i.l.bf16.f32 v28;
	v28 =	vld [tilespmem:s12+$0x0];
	[tilespmem:s17+$0xFFFFFF40] =	vst v33  }
0x100: {  	v33 =	vperm.xlane v20, v7;
	v39 =	vmul.f32 v34, v37;
	[tilespmem:s17+$0xC0] =	vst v40  }
0x101: {  	s23 =	sadd.s32 $0x40, s23;
	v38 =	vmul.f32 v30, v38;
	v37 =	vperm.xlane v20, v3;
	[tilespmem:s17+$0xFFFFFF50] =	vst v41;
	v40 =	vunpack.i.u.bf16.f32 v35;
	v34 =	vld [tilespmem:s14+$0x60]  }
0x102: {  	_ = 	snop  }
0x103: {  	v30 =	vpop (erf)  }
0x104: {  	[tilespmem:s26+$0x110] =	vst v30  }
0x105: {  	[tilespmem:s26+$0xFFFFFEF0] =	vst v39;
	v17 =	vmul.f32 v17, v40;
	v50 =	vunpack.i.l.bf16.f32 v36;
	v51 =	vld [tilespmem:s12+$0x40]  }
0x106: {  	[tilespmem:s26+$0xFFFFFEE0] =	vst v38;
	v52 =	vunpack.i.u.bf16.f32 v36;
	v27 =	vmul.f32 v27, v50  }
0x107: {  	v35 =	vunpack.i.l.bf16.f32 v35;
	v25 =	vmul.f32 v25, v52;
	[tilespmem:s17+$0x50] =	vst v17  }
0x108: {  	v16 =	vmul.f32 v16, v35;
	v17 =	vunpack.i.u.bf16.f32 v28;
	[tilespmem:s26+$0xFFFFFF90] =	vst v27;
	v27 =	vperm.xlane v20, v2  }
0x109: {  	v53 =	vld [tilespmem:s12+$0xFFFFFF90];
	v28 =	vunpack.i.l.bf16.f32 v28;
	v17 =	vmul.f32 v37, v17;
	[tilespmem:s26+$0xFFFFFFA0] =	vst v25;
	v25 =	vperm.xlane v30, v2  }
0x10a: {  	v54 =	vperm.xlane v30, v3;
	[tilespmem:s17+$0x40] =	vst v16;
	v27 =	vmul.f32 v27, v28;
	v16 =	vunpack.i.l.bf16.f32 v51  }
0x10b: {  	[tilespmem:s26+$0x10] =	vst v17;
	v28 =	vunpack.i.u.bf16.f32 v51;
	v16 =	vmul.f32 v25, v16  }
0x10c: {  	[tilespmem:s26+$0x0] =	vst v27;
	v17 =	vmul.f32 v54, v28  }
0x10d: {  	[tilespmem:s26+$0x90] =	vst v16;
	v16 =	vld [tilespmem:s12+$0x10]  }
0x10e: {  	v27 =	vperm.xlane v18, v5;
	v25 =	vunpack.i.l.bf16.f32 v53;
	[tilespmem:s26+$0xA0] =	vst v17  }
0x10f: {  	[tilespmem:s17+$0xFFFFFFD0] =	vst v31;
	v25 =	vmul.f32 v26, v25;
	v17 =	vunpack.i.u.bf16.f32 v53;
	v26 =	vld [tilespmem:s12+$0x50]  }
0x110: {  	v13 =	vperm.xlane v13, v7;
	[tilespmem:s17+$0xFFFFFFE0] =	vst v29;
	v28 =	vunpack.i.l.bf16.f32 v34;
	v17 =	vmul.f32 v27, v17  }
0x111: {  	v29 =	vunpack.i.u.bf16.f32 v34;
	v14 =	vmul.f32 v14, v28;
	v27 =	vld [tilespmem:s12+$0xFFFFFFE0];
	[tilespmem:s26+$0xFFFFFF00] =	vst v25;
	v25 =	vperm.xlane v20, v5  }
0x112: {  	v13 =	vmul.f32 v13, v29;
	v28 =	vld [tilespmem:s14+$0x30];
	[tilespmem:s26+$0xFFFFFF10] =	vst v17;
	v17 =	vunpack.i.u.bf16.f32 v16  }
0x113: {  	v29 =	vperm.xlane v30, v4;
	[tilespmem:s17+$0xD0] =	vst v14;
	v14 =	vld [tilespmem:s12+$0xFFFFFFA0];
	v16 =	vunpack.i.l.bf16.f32 v16;
	v17 =	vmul.f32 v25, v17  }
0x114: {  	[tilespmem:s17+$0xE0] =	vst v13;
	v25 =	vperm.xlane v30, v5;
	v13 =	vunpack.i.l.bf16.f32 v26;
	v16 =	vmul.f32 v23, v16  }
0x115: {  	v23 =	vunpack.i.u.bf16.f32 v26;
	v13 =	vmul.f32 v29, v13;
	[tilespmem:s26+$0x30] =	vst v17  }
0x116: {  	v17 =	vunpack.i.l.bf16.f32 v27;
	v23 =	vmul.f32 v25, v23;
	[tilespmem:s26+$0x20] =	vst v16  }
0x117: {  	v16 =	vmul.f32 v22, v17;
	v17 =	vunpack.i.u.bf16.f32 v28;
	v22 =	vld [tilespmem:s12+$0x20];
	[tilespmem:s26+$0xB0] =	vst v13  }
0x118: {  	v13 =	vmul.f32 v19, v17;
	v17 =	vunpack.i.l.bf16.f32 v14;
	v19 =	vperm.xlane v18, v7;
	[tilespmem:s26+$0xC0] =	vst v23  }
0x119: {  	v23 =	vperm.xlane v15, v7;
	v14 =	vunpack.i.u.bf16.f32 v14;
	[tilespmem:s26+$0xFFFFFFB0] =	vst v16;
	v16 =	vmul.f32 v21, v17;
	v17 =	vld [tilespmem:s12+$0x60]  }
0x11a: {  	v21 =	vunpack.i.u.bf16.f32 v27;
	[tilespmem:s17+$0x70] =	vst v13;
	v13 =	vmul.f32 v19, v14  }
0x11b: {  	v14 =	vld [tilespmem:s14+$0x70];
	v19 =	vunpack.i.l.bf16.f32 v28;
	v21 =	vmul.f32 v23, v21;
	[tilespmem:s26+$0xFFFFFF20] =	vst v16  }
0x11c: {  	v11 =	vmul.f32 v11, v19;
	[tilespmem:s26+$0xFFFFFF30] =	vst v13;
	v13 =	vunpack.i.u.bf16.f32 v22  }
0x11d: {  	v16 =	vperm.xlane v30, v6;
	[tilespmem:s26+$0xFFFFFFC0] =	vst v21;
	v21 =	vunpack.i.l.bf16.f32 v22;
	v19 =	vld [tilespmem:s12+$0xFFFFFFB0];
	v13 =	vmul.f32 v33, v13  }
0x11e: {  	[tilespmem:s17+$0x60] =	vst v11;
	v11 =	vperm.xlane v30, v7;
	v21 =	vmul.f32 v32, v21;
	v22 =	vunpack.i.l.bf16.f32 v17  }
0x11f: {  	v23 =	vld [tilespmem:s12+$0xFFFFFFF0];
	[tilespmem:s26+$0x50] =	vst v13;
	v13 =	vunpack.i.u.bf16.f32 v17;
	v16 =	vmul.f32 v16, v22  }
0x120: {  	v17 =	vunpack.i.u.bf16.f32 v14;
	[tilespmem:s26+$0x40] =	vst v21;
	v11 =	vmul.f32 v11, v13  }
0x121: {  	v13 =	vunpack.i.l.bf16.f32 v14;
	v10 =	vmul.f32 v10, v17;
	v14 =	vperm.xlane v18, v8;
	v17 =	vld [tilespmem:s12+$0x30];
	[tilespmem:s26+$0xD0] =	vst v16  }
0x122: {  	v12 =	vmul.f32 v12, v13;
	v16 =	vperm.xlane v18, v9;
	v13 =	vunpack.i.l.bf16.f32 v19;
	[tilespmem:s26+$0xE0] =	vst v11  }
0x123: {  	v11 =	vperm.xlane v15, v8;
	[tilespmem:s17+$0x100] =	vst v10;
	v10 =	vunpack.i.u.bf16.f32 v19;
	v13 =	vmul.f32 v14, v13;
	v14 =	vld [tilespmem:s12+$0x70]  }
0x124: {  	v15 =	vperm.xlane v15, v9;
	[tilespmem:s17+$0xF0] =	vst v12;
	v12 =	vunpack.i.l.bf16.f32 v23;
	v10 =	vmul.f32 v16, v10  }
0x125: {  	v18 =	vunpack.i.u.bf16.f32 v23;
	v16 =	vperm.xlane v20, v9;
	v11 =	vmul.f32 v11, v12;
	[tilespmem:s26+$0xFFFFFF40] =	vst v13  }
0x126: {  	v12 =	vmul.f32 v15, v18;
	[tilespmem:s26+$0xFFFFFF50] =	vst v10;
	v10 =	vunpack.i.u.bf16.f32 v17  }
0x127: {  	v13 =	vperm.xlane v30, v9;
	[tilespmem:s26+$0xFFFFFFD0] =	vst v11;
	v11 =	vunpack.i.l.bf16.f32 v17;
	v10 =	vmul.f32 v16, v10  }
0x128: {  	v15 =	vperm.xlane v30, v8;
	[tilespmem:s26+$0xFFFFFFE0] =	vst v12;
	v11 =	vmul.f32 v24, v11;
	v12 =	vunpack.i.u.bf16.f32 v14  }
0x129: {  	s17 =	smul.u32 $0xA0, s7;
	[tilespmem:s26+$0x70] =	vst v10;
	v10 =	vunpack.i.l.bf16.f32 v14;
	v12 =	vmul.f32 v13, v12  }
0x12a: {  	v10 =	vmul.f32 v15, v10;
	[tilespmem:s26+$0x60] =	vst v11  }
0x12b: {  	s14 =	sadd.s32 s17, s20;
	[tilespmem:s26+$0x100] =	vst v12  }
0x12c: {  	s12 =	sshrl.u32 s14, $0x3;
	[tilespmem:s26+$0xF0] =	vst v10  }
0x12d: {  	[spmem:s2] =	stream.indirect.scatter.add.f32 [tilespmem:s24], [sflag:$0x5], $0x90, s19, s31, $0xb8;
	[tilespmem:$0x1F770] =	vst v63  }
0x12e: {  	s13 =	sadd.s32 s6, s12  }
0x12f: {  	[tilespmem:s28], [sflag:$0x1] =	stream.linear.gather [hbm4b:s13+s3], $0x50, $0x38;
	[tilespmem:$0x1F770] =	vst v63  }
0x130: {  	s12 =	sadd.s32 s18, s12  }
0x131: {  	[tilespmem:s29], [sflag:$0x1] =	stream.linear.gather [hbm4b:s12+s3], $0x50, $0x38;
	[tilespmem:$0x1F770] =	vst v63  }
0x132: {  	_ =	swait.ge [sflag:s30], $0x50  }
0x133: {  	[sflag:s30] =	ssyncset.done $0x0  }
0x134: {  	[sflag:s30] =	ssyncadd.s32 $0xFFFFFFB0  }
0x135: {  	_ =	swait.ge [sflag:s30], $0x50  }
0x136: {  	[sflag:s30] =	ssyncset.done $0x0  }
0x137: {  	[sflag:s30] =	ssyncadd.s32 $0xFFFFFFB0  }
0x138: {  	[tilespmem:s0], [sflag:$0x3] =	stream.indirect.gather [hbm4b:s5+s31], $0x10, s28, s31, $0xb8;
	[tilespmem:$0x1F770] =	vst v63  }
0x139: {  	_ = 	snop  }
0x13a: {  	[tilespmem:s4], [sflag:$0x3] =	stream.indirect.gather [hbm4b:s5+s31], $0x10, s29, s31, $0xb8;
	[tilespmem:$0x1F770] =	vst v63  }
0x13b: {  	_ = 	snop  }
0x13c: {  	[tilespmem:s8], [sflag:$0x3] =	stream.indirect.gather [hbm4b:s1+s31], $0x40, s28, s31, $0xb8;
	[tilespmem:$0x1F770] =	vst v63  }
0x13d: {  	_ =	swait.ge [sflag:s22], $0x500  }
0x13e: {  	[sflag:s22] =	ssyncset.done $0x0  }
0x13f: {  	[sflag:s22] =	ssyncadd.s32 $0xFFFFFB00  }
0x140: {  	_ =	swait.ge [sflag:s22], $0x500  }
0x141: {  	[sflag:s22] =	ssyncset.done $0x0  }
0x142: {  	[sflag:s22] =	ssyncadd.s32 $0xFFFFFB00  }
0x143: {  	_ =	swait.ge [sflag:s22], $0x1400  }
0x144: {  	[sflag:s22] =	ssyncset.done $0x0  }
0x145: {  	s12 =	simm.s32 @!p1 $0x6;
	[sflag:s22] =	ssyncadd.s32 $0xFFFFEC00  }
0x146: {  	_ =	swait.ge @!p1 [sflag:s12], $0x2D00  }
0x147: {  	[sflag:s12] =	ssyncset.done @!p1 $0x0  }
0x148: {  	[sflag:s12] =	ssyncadd.s32 @!p1 $0xFFFFD300  }
0x149: {  	v10 =	vld [tilespmem:$0x1ABD0]  }
0x14a: {  	v11 =	vld [tilespmem:$0x1ABE0]  }
0x14b: {  	v12 =	vld [tilespmem:$0x1ABF0]  }
0x14c: {  	v13 =	vld [tilespmem:$0x1AC00]  }
0x14d: {  	v14 =	vld [tilespmem:$0x1AC10]  }
0x14e: {  	[tilespmem:$0x1F720] =	vst v10  }
0x14f: {  	[tilespmem:$0x1F730] =	vst v11  }
0x150: {  	[tilespmem:$0x1F740] =	vst v12  }
0x151: {  	[tilespmem:$0x1F750] =	vst v13  }
0x152: {  	s15 =	simm.s32 $0x1B140;
	[tilespmem:$0x1F760] =	vst v14  }
0x153: {  	v10 =	vld [tilespmem:s15+$0xFFFFFFF0]  }
0x154: {  	s23 =	simm.s32 $0x1AC40  }
0x155: {  	v11 =	vld [tilespmem:s23+$0xFFFFFFF0];
	_ =	sdelay $0x2  }
0x156: {  	v10 =	vperm.xlane v10, v1;
	_ =	sdelay $0x1  }
0x157: {  	v12 =	vld [tilespmem:s15+$0xFFFFFFE0];
	v10 =	vadd.f32 v10, v11;
	_ =	sdelay $0x1  }
0x158: {  	v11 =	vld [tilespmem:s23+$0xFFFFFFE0];
	v13 =	vmul.f32 $9.999999770e-03, v10  }
0x159: {  	vm0 =	vge.f32 v10, $0.0e+00  }
0x15a: {  	v10 =	vsel vm0, v10, v13  }
0x15b: {  	v12 =	vperm.xlane v12, v1;
	v10 =	vmul.f32 $1.442695020e+00, v10  }
0x15c: {  	v13 =	vld [tilespmem:s15+$0x0]  }
0x15d: {  	v11 =	vadd.f32 v12, v11;
	(erf) = vpow2.f32 v10  }
0x15e: {  	v14 =	vld [tilespmem:s23+$0x0]  }
0x15f: {  	v10 =	vmul.f32 $9.999999770e-03, v11  }
0x160: {  	vm9 =	vge.f32 v11, $0.0e+00  }
0x161: {  	v12 =	vperm.xlane v13, v1;
	v13 =	vld [tilespmem:s15+$0x10];
	v10 =	vsel vm9, v11, v10  }
0x162: {  	v10 =	vmul.f32 $1.442695020e+00, v10  }
0x163: {  	v11 =	vadd.f32 v12, v14;
	v12 =	vld [tilespmem:s23+$0x10]  }
0x164: {  	(erf) = vpow2.f32 v10  }
0x165: {  	v14 =	vmul.f32 $9.999999770e-03, v11  }
0x166: {  	s14 =	simm.s32 $0x1CB40;
	vm10 =	vge.f32 v11, $0.0e+00;
	v10 =	vperm.xlane v13, v1;
	v15 =	vpop (erf)  }
0x167: {  	s26 =	simm.s32 $0x1B6A0;
	v11 =	vsel vm10, v11, v14;
	[tilespmem:s14+$0xFFFFFFF0] =	vst v15  }
0x168: {  	v11 =	vmul.f32 $1.442695020e+00, v11;
	v10 =	vadd.f32 v10, v12;
	v12 =	vld [tilespmem:s26+$0xFFFFFFC0];
	_ =	sdelay $0x1  }
0x169: {  	(erf) = vpow2.f32 v11;
	v11 =	vmul.f32 $9.999999770e-03, v10  }
0x16a: {  	vm11 =	vge.f32 v10, $0.0e+00  }
0x16b: {  	v13 =	vperm.xlane v15, v3;
	v10 =	vsel vm11, v10, v11;
	v11 =	vperm.xlane v15, v2  }
0x16c: {  	v18 =	vperm.xlane v15, v5;
	v10 =	vmul.f32 $1.442695020e+00, v10;
	v20 =	vpop (erf);
	v14 =	vunpack.i.l.bf16.f32 v12  }
0x16d: {  	v19 =	vperm.xlane v15, v6;
	[tilespmem:s14+$0xFFFFFF60] =	vst v20;
	v12 =	vunpack.i.u.bf16.f32 v12;
	v11 =	vmul.f32 v11, v14  }
0x16e: {  	(erf) = vpow2.f32 v10;
	v10 =	vmul.f32 v13, v12;
	v12 =	vld [tilespmem:s26+$0xFFFFFF80]  }
0x16f: {  	v44 =	vperm.xlane v15, v7;
	v49 =	vperm.xlane v15, v8;
	[tilespmem:s14+$0xFFFFFF70] =	vst v11  }
0x170: {  	v52 =	vperm.xlane v15, v9;
	v22 =	vperm.xlane v20, v4;
	[tilespmem:s14+$0xFFFFFF80] =	vst v10  }
0x171: {  	v24 =	vperm.xlane v20, v6;
	v17 =	vperm.xlane v20, v2;
	v10 =	vld [tilespmem:s26+$0xFFFFFFD0]  }
0x172: {  	s25 =	simm.s32 $0x1B180;
	v62 =	vperm.xlane v20, v5;
	v13 =	vperm.xlane v20, v3;
	v23 =	vpop (erf)  }
0x173: {  	v26 =	vld [tilespmem:s25+$0xFFFFFFF0];
	v53 =	vperm.xlane v20, v8;
	v14 =	vperm.xlane v15, v4;
	[tilespmem:s14+$0x80] =	vst v23;
	v16 =	vunpack.i.u.bf16.f32 v12  }
0x174: {  	s15 =	simm.s32 $0x1AC80;
	v21 =	vperm.xlane v23, v4;
	v25 =	vld [tilespmem:s26+$0x0];
	v12 =	vunpack.i.l.bf16.f32 v12;
	v13 =	vmul.f32 v13, v16  }
0x175: {  	v27 =	vld [tilespmem:s15+$0xFFFFFFF0];
	v11 =	vperm.xlane v23, v8;
	v12 =	vmul.f32 v17, v12  }
0x176: {  	v29 =	vld [tilespmem:s25+$0xFFFFFFE0];
	v28 =	vperm.xlane v23, v3;
	v51 =	vperm.xlane v23, v2;
	v30 =	vunpack.i.l.bf16.f32 v10  }
0x177: {  	v16 =	vperm.xlane v23, v6;
	[tilespmem:s14+$0xFFFFFEE0] =	vst v12;
	v10 =	vunpack.i.u.bf16.f32 v10;
	v12 =	vmul.f32 v14, v30  }
0x178: {  	v55 =	vld [tilespmem:s15+$0xFFFFFFE0];
	[tilespmem:s14+$0xFFFFFEF0] =	vst v13;
	v10 =	vmul.f32 v18, v10;
	v18 =	vperm.xlane v26, v1;
	v13 =	vpop (erf)  }
0x179: {  	v17 =	vperm.xlane v23, v7;
	v31 =	vld [tilespmem:s26+$0xFFFFFF90];
	v14 =	vunpack.i.u.bf16.f32 v25;
	v30 =	vperm.xlane v13, v4;
	[tilespmem:s14+$0xFFFFFF90] =	vst v12  }
0x17a: {  	v26 =	vperm.xlane v13, v5;
	v28 =	vmul.f32 v28, v14;
	v18 =	vadd.f32 v18, v27;
	[tilespmem:s14+$0xFFFFFFA0] =	vst v10  }
0x17b: {  	v14 =	vperm.xlane v13, v6;
	v27 =	vperm.xlane v29, v1;
	v29 =	vld [tilespmem:s26+$0xFFFFFFE0]  }
0x17c: {  	v59 =	vld [tilespmem:s25+$0x10];
	[tilespmem:s14+$0x110] =	vst v13;
	v57 =	vperm.xlane v13, v3;
	v58 =	vmul.f32 $9.999999770e-03, v18  }
0x17d: {  	v45 =	vperm.xlane v13, v2;
	v56 =	vld [tilespmem:s26+$0x40];
	vm12 =	vge.f32 v18, $0.0e+00;
	v27 =	vadd.f32 v27, v55  }
0x17e: {  	v60 =	vunpack.i.u.bf16.f32 v31;
	v31 =	vunpack.i.l.bf16.f32 v31;
	v18 =	vsel vm12, v18, v58  }
0x17f: {  	v22 =	vmul.f32 v22, v31;
	v31 =	vld [tilespmem:s15+$0x10];
	v18 =	vmul.f32 $1.442695020e+00, v18  }
0x180: {  	v63 =	vld [tilespmem:s25+$0x0];
	vm13 =	vge.f32 v27, $0.0e+00;
	v35 =	vmul.f32 v62, v60;
	v41 =	vunpack.i.l.bf16.f32 v29  }
0x181: {  	[tilespmem:s14+$0xFFFFFF00] =	vst v22;
	v22 =	vunpack.i.u.bf16.f32 v29;
	v29 =	vmul.f32 $9.999999770e-03, v27;
	(erf) = vpow2.f32 v18  }
0x182: {  	v46 =	vld [tilespmem:s15+$0x0];
	v18 =	vunpack.i.l.bf16.f32 v56;
	v47 =	vmul.f32 v19, v41;
	v19 =	vperm.xlane v59, v1  }
0x183: {  	v61 =	vunpack.i.u.bf16.f32 v56;
	[tilespmem:s14+$0xFFFFFF10] =	vst v35;
	v48 =	vmul.f32 v44, v22;
	v18 =	vmul.f32 v45, v18  }
0x184: {  	v27 =	vsel vm13, v27, v29;
	v29 =	vmul.f32 v57, v61;
	v22 =	vadd.f32 v19, v31;
	v31 =	vld [tilespmem:s26+$0xFFFFFFA0]  }
0x185: {  	v15 =	vunpack.i.l.bf16.f32 v25;
	v10 =	vperm.xlane v13, v9;
	v19 =	vperm.xlane v63, v1;
	[tilespmem:s14+$0x90] =	vst v18  }
0x186: {  	v12 =	vperm.xlane v13, v8;
	v25 =	vmul.f32 v51, v15;
	[tilespmem:s14+$0xA0] =	vst v29  }
0x187: {  	v55 =	vperm.xlane v20, v7;
	v18 =	vmul.f32 $1.442695020e+00, v27;
	v37 =	vadd.f32 v19, v46;
	v29 =	vld [tilespmem:s26+$0x50]  }
0x188: {  	[tilespmem:s14+$0x10] =	vst v28;
	v50 =	vmul.f32 $9.999999770e-03, v22;
	v19 =	vperm.xlane v23, v9;
	vm15 =	vge.f32 v22, $0.0e+00  }
0x189: {  	[tilespmem:s14+$0x0] =	vst v25;
	(erf) = vpow2.f32 v18;
	v27 =	vmul.f32 $9.999999770e-03, v37;
	v18 =	vunpack.i.l.bf16.f32 v31  }
0x18a: {  	s12 =	simm.s32 $0x1CD80;
	[tilespmem:s14+$0xFFFFFFB0] =	vst v47;
	vm14 =	vge.f32 v37, $0.0e+00;
	v28 =	vunpack.i.u.bf16.f32 v31;
	v18 =	vmul.f32 v24, v18;
	v24 =	vld [tilespmem:s26+$0x10];
	v15 =	vpop (erf)  }
0x18b: {  	s13 =	simm.s32 $0x1B7A0;
	v23 =	vperm.xlane v23, v5;
	v31 =	vsel vm14, v37, v27;
	v28 =	vmul.f32 v55, v28;
	[tilespmem:s12+$0xFFFFFFF0] =	vst v15  }
0x18c: {  	[tilespmem:s14+$0xFFFFFFC0] =	vst v48;
	v31 =	vmul.f32 $1.442695020e+00, v31;
	v56 =	vunpack.i.u.bf16.f32 v29;
	v27 =	vperm.xlane v15, v4;
	v54 =	vld [tilespmem:s13+$0xFFFFFFC0]  }
0x18d: {  	v34 =	vsel vm15, v22, v50;
	v25 =	vperm.xlane v15, v5;
	v57 =	vmul.f32 v26, v56;
	[tilespmem:s14+$0xFFFFFF20] =	vst v18  }
0x18e: {  	v29 =	vunpack.i.l.bf16.f32 v29;
	v18 =	vperm.xlane v15, v2;
	[tilespmem:s14+$0xFFFFFF30] =	vst v28;
	(erf) = vpow2.f32 v31;
	v31 =	vld [tilespmem:s26+$0xFFFFFFF0]  }
0x18f: {  	v30 =	vmul.f32 v30, v29;
	v29 =	vmul.f32 $1.442695020e+00, v34;
	v59 =	vld [tilespmem:s26+$0xFFFFFFB0];
	v26 =	vunpack.i.u.bf16.f32 v24  }
0x190: {  	v22 =	vperm.xlane v15, v6;
	v23 =	vmul.f32 v23, v26  }
0x191: {  	v58 =	vperm.xlane v15, v3;
	(erf) = vpow2.f32 v29;
	v28 =	vunpack.i.l.bf16.f32 v54  }
0x192: {  	v24 =	vunpack.i.l.bf16.f32 v24;
	v26 =	vunpack.i.u.bf16.f32 v54;
	[tilespmem:s14+$0x30] =	vst v23;
	v28 =	vmul.f32 v18, v28;
	v18 =	vpop (erf)  }
0x193: {  	v23 =	vmul.f32 v21, v24;
	v24 =	vunpack.i.u.bf16.f32 v31;
	v33 =	vmul.f32 v58, v26;
	[tilespmem:s12+$0xFFFFFF60] =	vst v18  }
0x194: {  	[tilespmem:s14+$0xB0] =	vst v30;
	v29 =	vmul.f32 v52, v24;
	v24 =	vperm.xlane v20, v9;
	v20 =	vunpack.i.l.bf16.f32 v59;
	v60 =	vld [tilespmem:s13+$0xFFFFFF80]  }
0x195: {  	v26 =	vperm.xlane v18, v4;
	v21 =	vperm.xlane v18, v6;
	[tilespmem:s14+$0x20] =	vst v23  }
0x196: {  	v61 =	vperm.xlane v18, v3;
	v30 =	vperm.xlane v18, v2;
	[tilespmem:s12+$0xFFFFFF70] =	vst v28;
	v28 =	vunpack.i.l.bf16.f32 v31;
	v35 =	vld [tilespmem:s26+$0x20]  }
0x197: {  	v23 =	vunpack.i.u.bf16.f32 v59;
	[tilespmem:s12+$0xFFFFFF80] =	vst v33;
	v31 =	vmul.f32 v49, v28;
	v28 =	vmul.f32 v53, v20;
	v20 =	vpop (erf)  }
0x198: {  	v62 =	vmul.f32 v24, v23;
	v36 =	vld [tilespmem:s13+$0xFFFFFFD0];
	[tilespmem:s12+$0x80] =	vst v20;
	v23 =	vperm.xlane v20, v4  }
0x199: {  	v24 =	vperm.xlane v20, v8;
	v32 =	vperm.xlane v20, v6;
	[tilespmem:s14+$0xFFFFFF40] =	vst v28;
	v28 =	vld [tilespmem:s13+$0x0];
	v63 =	vunpack.i.u.bf16.f32 v60  }
0x19a: {  	[tilespmem:s14+$0xC0] =	vst v57;
	v33 =	vperm.xlane v20, v7;
	v34 =	vunpack.i.l.bf16.f32 v60;
	v39 =	vmul.f32 v61, v63  }
0x19b: {  	s25 =	simm.s32 $0x1B1C0;
	s23 =	simm.s32 $0x4;
	v37 =	vperm.xlane v20, v3;
	[tilespmem:s14+$0xFFFFFF50] =	vst v62;
	v40 =	vunpack.i.u.bf16.f32 v35;
	v38 =	vmul.f32 v30, v34;
	v34 =	vld [tilespmem:s26+$0x60]  }
.LBB2_7:
0x19c: {  	v41 =	vld [tilespmem:s25+$0xFFFFFFF0];
	s23 =	sadd.s32 $0x4, s23;
	[tilespmem:s12+$0xFFFFFEF0] =	vst v39;
	s15 =	sadd.s32 $0x40, s15;
	v30 =	vunpack.i.l.bf16.f32 v35;
	v35 =	vmul.f32 v17, v40;
	v39 =	vperm.xlane v13, v7;
	v17 =	vmovc v33  }
0x19d: {  	v33 =	vld [tilespmem:s25+$0xFFFFFFE0];
	p1 =	slt.u32 s23, $0x4C;
	[tilespmem:s12+$0xFFFFFEE0] =	vst v38;
	v38 =	vunpack.i.u.bf16.f32 v36;
	v36 =	vunpack.i.l.bf16.f32 v36;
	v13 =	vpop (erf);
	v40 =	vmul.f32 v16, v30  }
0x19e: {  	v16 =	vmovc v32;
	v42 =	vld [tilespmem:s13+$0xFFFFFF90];
	v27 =	vmul.f32 v27, v36;
	v36 =	vunpack.i.u.bf16.f32 v28;
	[tilespmem:s12+$0x110] =	vst v13;
	v30 =	vperm.xlane v13, v4  }
0x19f: {  	v25 =	vmul.f32 v25, v38;
	v32 =	vperm.xlane v13, v5;
	v38 =	vld [tilespmem:s13+$0x40];
	[tilespmem:s14+$0x50] =	vst v35  }
0x1a0: {  	v35 =	vld [tilespmem:s15+$0xFFFFFFE0];
	[tilespmem:s12+$0xFFFFFF90] =	vst v27;
	v27 =	vmul.f32 v37, v36;
	v36 =	vperm.xlane v13, v6  }
0x1a1: {  	v43 =	vperm.xlane v13, v9;
	v44 =	vunpack.i.l.bf16.f32 v34;
	v37 =	vld [tilespmem:s15+$0xFFFFFFF0];
	[tilespmem:s12+$0xFFFFFFA0] =	vst v25;
	v25 =	vperm.xlane v13, v3  }
0x1a2: {  	v46 =	vperm.xlane v13, v8;
	v34 =	vunpack.i.u.bf16.f32 v34;
	v33 =	vperm.xlane v33, v1;
	v45 =	vld [tilespmem:s13+$0xFFFFFFE0];
	[tilespmem:s14+$0x40] =	vst v40  }
0x1a3: {  	v40 =	vld [tilespmem:s25+$0x10];
	v47 =	vunpack.i.u.bf16.f32 v42;
	v42 =	vunpack.i.l.bf16.f32 v42;
	[tilespmem:s14+$0xFFFFFFD0] =	vst v31;
	v31 =	vmul.f32 v14, v44;
	v14 =	vmovc v36  }
0x1a4: {  	v34 =	vmul.f32 v39, v34;
	v36 =	vperm.xlane v41, v1;
	v41 =	vunpack.i.u.bf16.f32 v38;
	[tilespmem:s14+$0xFFFFFFE0] =	vst v29;
	v29 =	vld [tilespmem:s26+$0x30]  }
0x1a5: {  	v26 =	vmul.f32 v26, v42;
	v33 =	vadd.f32 v33, v35;
	v35 =	vperm.xlane v15, v7;
	[tilespmem:s14+$0xD0] =	vst v31  }
0x1a6: {  	v31 =	vadd.f32 v36, v37;
	v36 =	vperm.xlane v18, v5;
	v37 =	vperm.xlane v13, v2;
	[tilespmem:s14+$0xE0] =	vst v34  }
0x1a7: {  	vm0 =	vge.f32 v33, $0.0e+00;
	[tilespmem:s12+$0xFFFFFF00] =	vst v26;
	v26 =	vunpack.i.u.bf16.f32 v45;
	v34 =	vunpack.i.l.bf16.f32 v45;
	v39 =	vld [tilespmem:s26+$0x70];
	s26 =	smov.u32 s13  }
0x1a8: {  	v38 =	vunpack.i.l.bf16.f32 v38;
	v42 =	vmul.f32 $9.999999770e-03, v31;
	v36 =	vmul.f32 v36, v47  }
0x1a9: {  	vm1 =	vge.f32 v31, $0.0e+00;
	v22 =	vmul.f32 v22, v34;
	v34 =	vmul.f32 v37, v38;
	v44 =	vld [tilespmem:s15+$0x10]  }
0x1aa: {  	v37 =	vmul.f32 $9.999999770e-03, v33;
	v31 =	vsel vm1, v31, v42;
	[tilespmem:s12+$0xFFFFFF10] =	vst v36;
	v36 =	vunpack.i.u.bf16.f32 v29  }
0x1ab: {  	v31 =	vmul.f32 $1.442695020e+00, v31;
	v38 =	vld [tilespmem:s25+$0x0];
	[tilespmem:s12+$0xFFFFFFB0] =	vst v22;
	v22 =	vunpack.i.l.bf16.f32 v29;
	v19 =	vmul.f32 v19, v36  }
0x1ac: {  	v29 =	vsel vm0, v33, v37;
	v33 =	vperm.xlane v40, v1;
	v36 =	vunpack.i.u.bf16.f32 v39  }
0x1ad: {  	v26 =	vmul.f32 v35, v26;
	v37 =	vld [tilespmem:s15+$0x0];
	(erf) = vpow2.f32 v31;
	[tilespmem:s14+$0x70] =	vst v19;
	v19 =	vunpack.i.l.bf16.f32 v39  }
0x1ae: {  	v25 =	vmul.f32 v25, v41;
	v39 =	vmul.f32 v11, v22;
	v31 =	vadd.f32 v33, v44;
	[tilespmem:s12+$0x90] =	vst v34  }
0x1af: {  	v33 =	vmul.f32 v10, v36;
	v10 =	vmovc v43;
	v22 =	vld [tilespmem:s13+$0xFFFFFFA0];
	[tilespmem:s12+$0xFFFFFFC0] =	vst v26;
	v26 =	vmul.f32 v12, v19;
	v12 =	vmov v46  }
0x1b0: {  	v35 =	vperm.xlane v15, v8;
	v11 =	vmov v24;
	v19 =	vperm.xlane v38, v1;
	v34 =	vld [tilespmem:s13+$0xFFFFFFF0];
	[tilespmem:s14+$0x60] =	vst v39  }
0x1b1: {  	v36 =	vperm.xlane v20, v2;
	v24 =	vmul.f32 $9.999999770e-03, v31;
	[tilespmem:s12+$0xA0] =	vst v25  }
0x1b2: {  	v25 =	vadd.f32 v19, v37;
	v37 =	vperm.xlane v15, v9;
	v19 =	vperm.xlane v20, v9;
	[tilespmem:s14+$0x100] =	vst v33  }
0x1b3: {  	v28 =	vunpack.i.l.bf16.f32 v28;
	v39 =	vmul.f32 $1.442695020e+00, v29;
	v33 =	vperm.xlane v18, v8;
	v29 =	vld [tilespmem:s13+$0x50];
	[tilespmem:s14+$0xF0] =	vst v26;
	s14 =	smov.u32 s12;
	s12 =	sadd.s32 $0x240, s12  }
0x1b4: {  	v28 =	vmul.f32 v36, v28;
	s13 =	sadd.s32 $0x100, s13;
	v26 =	vmul.f32 $9.999999770e-03, v25;
	v38 =	vunpack.i.u.bf16.f32 v22  }
0x1b5: {  	vm0 =	vge.f32 v25, $0.0e+00;
	v22 =	vunpack.i.l.bf16.f32 v22;
	(erf) = vpow2.f32 v39;
	[tilespmem:s14+$0x10] =	vst v27  }
0x1b6: {  	v21 =	vmul.f32 v21, v22;
	v26 =	vsel vm0, v25, v26;
	vm0 =	vge.f32 v31, $0.0e+00;
	v15 =	vpop (erf);
	[tilespmem:s14+$0x0] =	vst v28  }
0x1b7: {  	[tilespmem:s12+$0xFFFFFFF0] =	vst v15;
	v27 =	vperm.xlane v15, v4;
	v25 =	vperm.xlane v15, v5;
	v24 =	vsel vm0, v31, v24;
	v28 =	vld [tilespmem:s26+$0x10]  }
0x1b8: {  	v36 =	vperm.xlane v18, v7;
	v22 =	vperm.xlane v15, v6;
	v31 =	vld [tilespmem:s13+$0xFFFFFFC0];
	v39 =	vunpack.i.u.bf16.f32 v29  }
0x1b9: {  	v26 =	vmul.f32 $1.442695020e+00, v26;
	v29 =	vunpack.i.l.bf16.f32 v29;
	v40 =	vmul.f32 v32, v39  }
0x1ba: {  	v20 =	vperm.xlane v20, v5;
	v32 =	vmul.f32 v36, v38;
	v36 =	vunpack.i.l.bf16.f32 v34  }
0x1bb: {  	v30 =	vmul.f32 v30, v29;
	(erf) = vpow2.f32 v26;
	[tilespmem:s14+$0xFFFFFF20] =	vst v21  }
0x1bc: {  	v21 =	vperm.xlane v15, v2;
	v26 =	vperm.xlane v15, v3;
	[tilespmem:s14+$0xFFFFFF30] =	vst v32;
	v29 =	vunpack.i.u.bf16.f32 v28  }
0x1bd: {  	v32 =	vunpack.i.u.bf16.f32 v31;
	v31 =	vunpack.i.l.bf16.f32 v31;
	v38 =	vld [tilespmem:s26+$0xFFFFFFB0];
	v20 =	vmul.f32 v20, v29  }
0x1be: {  	v28 =	vunpack.i.l.bf16.f32 v28;
	v29 =	vmul.f32 v21, v31;
	v32 =	vmul.f32 v26, v32;
	v39 =	vpop (erf)  }
0x1bf: {  	v24 =	vmul.f32 $1.442695020e+00, v24;
	v26 =	vperm.xlane v39, v4;
	[tilespmem:s14+$0x30] =	vst v20  }
0x1c0: {  	v23 =	vmul.f32 v23, v28;
	v21 =	vperm.xlane v39, v6;
	v20 =	vunpack.i.u.bf16.f32 v34;
	[tilespmem:s12+$0xFFFFFF60] =	vst v39  }
0x1c1: {  	v28 =	vld [tilespmem:s13+$0xFFFFFF80];
	[tilespmem:s12+$0xFFFFFF70] =	vst v29;
	(erf) = vpow2.f32 v24;
	v29 =	vmul.f32 v37, v20  }
0x1c2: {  	v31 =	vmul.f32 v35, v36;
	v24 =	vperm.xlane v18, v9;
	v18 =	vmovc v39;
	v37 =	vunpack.i.l.bf16.f32 v38;
	[tilespmem:s14+$0x20] =	vst v23  }
0x1c3: {  	v34 =	vperm.xlane v18, v3;
	v23 =	vunpack.i.u.bf16.f32 v38;
	v33 =	vmul.f32 v33, v37;
	v35 =	vld [tilespmem:s26+$0x20];
	[tilespmem:s14+$0xB0] =	vst v30  }
.Ltmp2:
0x1c4: {  	v30 =	vperm.xlane v18, v2;
	v41 =	vmul.f32 v24, v23;
	[tilespmem:s12+$0xFFFFFF80] =	vst v32;
	v20 =	vpop (erf);
	(pc) =	sbr.rel @p1 .LBB2_7-.Ltmp2, $4  }
0x1c5: {  	v36 =	vld [tilespmem:s13+$0xFFFFFFD0];
	[tilespmem:s12+$0x80] =	vst v20;
	v23 =	vperm.xlane v20, v4;
	v24 =	vperm.xlane v20, v8  }
0x1c6: {  	v32 =	vperm.xlane v20, v6;
	v37 =	vunpack.i.u.bf16.f32 v28;
	v38 =	vunpack.i.l.bf16.f32 v28;
	v28 =	vld [tilespmem:s13+$0x0];
	[tilespmem:s14+$0xFFFFFF40] =	vst v33  }
0x1c7: {  	v33 =	vperm.xlane v20, v7;
	v39 =	vmul.f32 v34, v37;
	[tilespmem:s14+$0xC0] =	vst v40  }
0x1c8: {  	s25 =	sadd.s32 $0x40, s25;
	v38 =	vmul.f32 v30, v38;
	v37 =	vperm.xlane v20, v3;
	[tilespmem:s14+$0xFFFFFF50] =	vst v41;
	v40 =	vunpack.i.u.bf16.f32 v35;
	v34 =	vld [tilespmem:s26+$0x60]  }
0x1c9: {  	_ = 	snop  }
0x1ca: {  	v30 =	vpop (erf)  }
0x1cb: {  	[tilespmem:s12+$0x110] =	vst v30  }
0x1cc: {  	[tilespmem:s12+$0xFFFFFEF0] =	vst v39;
	v58 =	vld [tilespmem:s13+$0x40]  }
0x1cd: {  	v17 =	vmul.f32 v17, v40;
	v35 =	vunpack.i.l.bf16.f32 v35;
	[tilespmem:s14+$0xFFFFFFD0] =	vst v31  }
0x1ce: {  	v57 =	vunpack.i.l.bf16.f32 v36;
	[tilespmem:s12+$0xFFFFFEE0] =	vst v38;
	v16 =	vmul.f32 v16, v35  }
0x1cf: {  	v61 =	vperm.xlane v20, v2;
	v27 =	vmul.f32 v27, v57;
	[tilespmem:s14+$0x50] =	vst v17;
	v60 =	vunpack.i.u.bf16.f32 v28  }
0x1d0: {  	v62 =	vld [tilespmem:s13+$0xFFFFFF90];
	v63 =	vperm.xlane v30, v2;
	v41 =	vunpack.i.l.bf16.f32 v28;
	v17 =	vmul.f32 v37, v60;
	[tilespmem:s14+$0x40] =	vst v16  }
0x1d1: {  	v42 =	vperm.xlane v30, v3;
	[tilespmem:s12+$0xFFFFFF90] =	vst v27;
	v27 =	vmul.f32 v61, v41;
	v43 =	vunpack.i.l.bf16.f32 v58  }
0x1d2: {  	[tilespmem:s12+$0x10] =	vst v17;
	v44 =	vunpack.i.u.bf16.f32 v58;
	v16 =	vmul.f32 v63, v43  }
0x1d3: {  	v59 =	vunpack.i.u.bf16.f32 v36;
	[tilespmem:s12+$0x0] =	vst v27;
	v45 =	vmul.f32 v42, v44  }
0x1d4: {  	v25 =	vmul.f32 v25, v59;
	v46 =	vld [tilespmem:s13+$0x10];
	[tilespmem:s12+$0x90] =	vst v16  }
0x1d5: {  	v48 =	vperm.xlane v18, v5;
	v47 =	vunpack.i.l.bf16.f32 v62;
	[tilespmem:s12+$0xA0] =	vst v45  }
0x1d6: {  	[tilespmem:s12+$0xFFFFFFA0] =	vst v25;
	v49 =	vunpack.i.u.bf16.f32 v62;
	v25 =	vmul.f32 v26, v47;
	v50 =	vld [tilespmem:s13+$0x50]  }
0x1d7: {  	v13 =	vperm.xlane v13, v7;
	[tilespmem:s14+$0xFFFFFFE0] =	vst v29;
	v51 =	vunpack.i.l.bf16.f32 v34;
	v17 =	vmul.f32 v48, v49  }
0x1d8: {  	v54 =	vperm.xlane v20, v5;
	v53 =	vunpack.i.u.bf16.f32 v34;
	v55 =	vld [tilespmem:s26+$0x30];
	v14 =	vmul.f32 v14, v51;
	[tilespmem:s12+$0xFFFFFF00] =	vst v25  }
0x1d9: {  	v52 =	vld [tilespmem:s13+$0xFFFFFFE0];
	v13 =	vmul.f32 v13, v53;
	[tilespmem:s12+$0xFFFFFF10] =	vst v17;
	v56 =	vunpack.i.u.bf16.f32 v46  }
0x1da: {  	v57 =	vperm.xlane v30, v4;
	[tilespmem:s14+$0xD0] =	vst v14;
	v58 =	vld [tilespmem:s13+$0xFFFFFFA0];
	v16 =	vunpack.i.l.bf16.f32 v46;
	v17 =	vmul.f32 v54, v56  }
0x1db: {  	v59 =	vperm.xlane v30, v5;
	[tilespmem:s14+$0xE0] =	vst v13;
	v16 =	vmul.f32 v23, v16;
	v60 =	vunpack.i.l.bf16.f32 v50  }
0x1dc: {  	[tilespmem:s12+$0x30] =	vst v17;
	v61 =	vunpack.i.u.bf16.f32 v50;
	v13 =	vmul.f32 v57, v60  }
0x1dd: {  	v41 =	vunpack.i.l.bf16.f32 v55;
	[tilespmem:s12+$0x20] =	vst v16;
	v23 =	vmul.f32 v59, v61  }
0x1de: {  	v62 =	vunpack.i.l.bf16.f32 v52;
	v11 =	vmul.f32 v11, v41;
	v26 =	vld [tilespmem:s13+$0x20];
	[tilespmem:s12+$0xB0] =	vst v13  }
0x1df: {  	v34 =	vperm.xlane v18, v7;
	v63 =	vmul.f32 v22, v62;
	v31 =	vunpack.i.l.bf16.f32 v58;
	[tilespmem:s12+$0xC0] =	vst v23  }
0x1e0: {  	[tilespmem:s14+$0x60] =	vst v11;
	v14 =	vunpack.i.u.bf16.f32 v58;
	v36 =	vmul.f32 v21, v31;
	v37 =	vld [tilespmem:s13+$0x60]  }
0x1e1: {  	v35 =	vperm.xlane v15, v7;
	v25 =	vunpack.i.u.bf16.f32 v55;
	[tilespmem:s12+$0xFFFFFFB0] =	vst v63;
	v39 =	vmul.f32 v34, v14  }
0x1e2: {  	v40 =	vld [tilespmem:s26+$0x70];
	v38 =	vunpack.i.u.bf16.f32 v52;
	v29 =	vmul.f32 v19, v25;
	[tilespmem:s12+$0xFFFFFF20] =	vst v36  }
0x1e3: {  	v21 =	vmul.f32 v35, v38;
	[tilespmem:s12+$0xFFFFFF30] =	vst v39;
	v42 =	vunpack.i.u.bf16.f32 v26  }
0x1e4: {  	v43 =	vperm.xlane v30, v6;
	[tilespmem:s14+$0x70] =	vst v29;
	v44 =	vld [tilespmem:s13+$0xFFFFFFB0];
	v45 =	vunpack.i.l.bf16.f32 v26;
	v13 =	vmul.f32 v33, v42  }
0x1e5: {  	v11 =	vperm.xlane v30, v7;
	[tilespmem:s12+$0xFFFFFFC0] =	vst v21;
	v21 =	vmul.f32 v32, v45;
	v46 =	vunpack.i.l.bf16.f32 v37  }
0x1e6: {  	v47 =	vld [tilespmem:s13+$0xFFFFFFF0];
	[tilespmem:s12+$0x50] =	vst v13;
	v48 =	vunpack.i.u.bf16.f32 v37;
	v16 =	vmul.f32 v43, v46  }
0x1e7: {  	v49 =	vunpack.i.u.bf16.f32 v40;
	[tilespmem:s12+$0x40] =	vst v21;
	v11 =	vmul.f32 v11, v48  }
0x1e8: {  	v51 =	vperm.xlane v18, v8;
	v10 =	vmul.f32 v10, v49;
	v50 =	vunpack.i.l.bf16.f32 v40;
	v52 =	vld [tilespmem:s13+$0x30];
	[tilespmem:s12+$0xD0] =	vst v16  }
0x1e9: {  	v54 =	vperm.xlane v18, v9;
	v12 =	vmul.f32 v12, v50;
	v53 =	vunpack.i.l.bf16.f32 v44;
	[tilespmem:s12+$0xE0] =	vst v11  }
0x1ea: {  	[tilespmem:s14+$0x100] =	vst v10;
	v10 =	vunpack.i.u.bf16.f32 v44;
	v13 =	vmul.f32 v51, v53;
	v11 =	vperm.xlane v15, v8;
	v55 =	vld [tilespmem:s13+$0x70]  }
0x1eb: {  	v56 =	vperm.xlane v15, v9;
	[tilespmem:s14+$0xF0] =	vst v12;
	v57 =	vunpack.i.l.bf16.f32 v47;
	v10 =	vmul.f32 v54, v10  }
0x1ec: {  	v58 =	vperm.xlane v20, v9;
	v59 =	vunpack.i.u.bf16.f32 v47;
	[tilespmem:s12+$0xFFFFFF40] =	vst v13;
	v11 =	vmul.f32 v11, v57  }
0x1ed: {  	v60 =	vmul.f32 v56, v59;
	[tilespmem:s12+$0xFFFFFF50] =	vst v10;
	v10 =	vunpack.i.u.bf16.f32 v52  }
0x1ee: {  	v61 =	vperm.xlane v30, v9;
	v10 =	vmul.f32 v58, v10;
	[tilespmem:s12+$0xFFFFFFD0] =	vst v11;
	v11 =	vunpack.i.l.bf16.f32 v52  }
0x1ef: {  	p1 =	seq.s32 s7, $0x3D;
	v62 =	vperm.xlane v30, v8;
	[tilespmem:s12+$0xFFFFFFE0] =	vst v60;
	v11 =	vmul.f32 v24, v11;
	v63 =	vunpack.i.u.bf16.f32 v55  }
.Ltmp3:
0x1f0: {  	[tilespmem:s12+$0x70] =	vst v10;
	v10 =	vunpack.i.l.bf16.f32 v55;
	v12 =	vmul.f32 v61, v63;
	(pc) =	sbr.rel @p1 .LBB2_10-.Ltmp3, $4  }
0x1f1: {  	v10 =	vmul.f32 v62, v10;
	[tilespmem:s12+$0x60] =	vst v11  }
0x1f2: {  	[tilespmem:s12+$0x100] =	vst v12  }
0x1f3: {  	s25 =	simm.s32 $0x1F720;
	s26 =	simm.s32 $0x1CA20;
	[tilespmem:s12+$0xF0] =	vst v10  }
0x1f4: {  	[spmem:s2] =	stream.indirect.scatter.add.f32 [tilespmem:s26], [sflag:$0x6], $0x90, s25, s31, $0xb8;
	[tilespmem:$0x1F770] =	vst v63  }
0x1f5: {  	s12 =	sadd.s32 s17, s21  }
.Ltmp4:
0x1f6: {  	s12 =	sshrl.u32 s12, $0x3;
	(pc) =	sbr.rel .LBB2_4-.Ltmp4, $4  }
0x1f7: {  	s13 =	sadd.s32 s6, s12  }
0x1f8: {  	[tilespmem:s9], [sflag:$0x2] =	stream.linear.gather [hbm4b:s13+s3], $0x50, $0x38;
	[tilespmem:$0x1F770] =	vst v63  }
0x1f9: {  	s7 =	sadd.s32 $0x1, s7;
	s12 =	sadd.s32 s18, s12  }
0x1fa: {  	[tilespmem:s10], [sflag:$0x2] =	stream.linear.gather [hbm4b:s12+s3], $0x50, $0x38;
	[tilespmem:$0x1F770] =	vst v63  }
.LBB2_10:
0x1fb: {  	_ =	swait.ge [sflag:s16], $0x500  }
0x1fc: {  	[sflag:s16] =	ssyncset.done $0x0  }
0x1fd: {  	[sflag:s16] =	ssyncadd.s32 $0xFFFFFB00  }
0x1fe: {  	_ =	swait.ge [sflag:s16], $0x500  }
0x1ff: {  	[sflag:s16] =	ssyncset.done $0x0  }
0x200: {  	[sflag:s16] =	ssyncadd.s32 $0xFFFFFB00  }
0x201: {  	_ =	swait.ge [sflag:s16], $0x1400  }
0x202: {  	[sflag:s16] =	ssyncset.done $0x0  }
0x203: {  	s25 =	simm.s32 $0x5;
	[sflag:s16] =	ssyncadd.s32 $0xFFFFEC00  }
0x204: {  	_ =	swait.ge [sflag:s25], $0x2D00  }
0x205: {  	[sflag:s25] =	ssyncset.done $0x0  }
0x206: {  	[sflag:s25] =	ssyncadd.s32 $0xFFFFD300  }
0x207: {  	v10 =	vld [tilespmem:$0x15FE0]  }
0x208: {  	v11 =	vld [tilespmem:$0x15FF0]  }
0x209: {  	v12 =	vld [tilespmem:$0x16000]  }
0x20a: {  	v13 =	vld [tilespmem:$0x16010]  }
0x20b: {  	v14 =	vld [tilespmem:$0x16020]  }
0x20c: {  	[tilespmem:$0x1AB30] =	vst v10  }
0x20d: {  	[tilespmem:$0x1AB40] =	vst v11  }
0x20e: {  	[tilespmem:$0x1AB50] =	vst v12  }
0x20f: {  	[tilespmem:$0x1AB60] =	vst v13  }
0x210: {  	s7 =	simm.s32 $0x16550;
	[tilespmem:$0x1AB70] =	vst v14  }
0x211: {  	v10 =	vld [tilespmem:s7+$0xFFFFFFF0]  }
0x212: {  	s12 =	simm.s32 $0x16050  }
0x213: {  	v11 =	vld [tilespmem:s12+$0xFFFFFFF0];
	_ =	sdelay $0x2  }
0x214: {  	v10 =	vperm.xlane v10, v1  }
0x215: {  	v12 =	vld [tilespmem:s7+$0xFFFFFFE0]  }
0x216: {  	v10 =	vadd.f32 v10, v11  }
0x217: {  	v11 =	vld [tilespmem:s12+$0xFFFFFFE0]  }
0x218: {  	v13 =	vmul.f32 $9.999999770e-03, v10  }
0x219: {  	vm0 =	vge.f32 v10, $0.0e+00  }
0x21a: {  	v12 =	vperm.xlane v12, v1;
	v10 =	vsel vm0, v10, v13;
	v13 =	vld [tilespmem:s7+$0x0]  }
0x21b: {  	v10 =	vmul.f32 $1.442695020e+00, v10  }
0x21c: {  	v14 =	vld [tilespmem:s12+$0x0];
	v11 =	vadd.f32 v12, v11  }
0x21d: {  	(erf) = vpow2.f32 v10  }
0x21e: {  	v10 =	vmul.f32 $9.999999770e-03, v11  }
0x21f: {  	vm9 =	vge.f32 v11, $0.0e+00;
	v12 =	vperm.xlane v13, v1;
	v13 =	vld [tilespmem:s7+$0x10]  }
0x220: {  	v10 =	vsel vm9, v11, v10  }
0x221: {  	v10 =	vmul.f32 $1.442695020e+00, v10;
	v11 =	vadd.f32 v12, v14;
	v12 =	vld [tilespmem:s12+$0x10];
	_ =	sdelay $0x1  }
0x222: {  	(erf) = vpow2.f32 v10;
	v14 =	vmul.f32 $9.999999770e-03, v11  }
0x223: {  	vm10 =	vge.f32 v11, $0.0e+00;
	v10 =	vperm.xlane v13, v1  }
0x224: {  	v11 =	vsel vm10, v11, v14  }
0x225: {  	s7 =	simm.s32 $0x17F50;
	v15 =	vpop (erf);
	v11 =	vmul.f32 $1.442695020e+00, v11;
	v10 =	vadd.f32 v10, v12  }
0x226: {  	s14 =	simm.s32 $0x16AB0;
	[tilespmem:s7+$0xFFFFFFF0] =	vst v15  }
0x227: {  	v12 =	vld [tilespmem:s14+$0xFFFFFFC0];
	(erf) = vpow2.f32 v11;
	v11 =	vmul.f32 $9.999999770e-03, v10  }
0x228: {  	v13 =	vperm.xlane v15, v3;
	vm11 =	vge.f32 v10, $0.0e+00  }
0x229: {  	v18 =	vperm.xlane v15, v5;
	v19 =	vperm.xlane v15, v6;
	v10 =	vsel vm11, v10, v11  }
0x22a: {  	v39 =	vperm.xlane v15, v7;
	v10 =	vmul.f32 $1.442695020e+00, v10  }
0x22b: {  	v48 =	vperm.xlane v15, v8;
	v11 =	vperm.xlane v15, v2;
	v20 =	vpop (erf)  }
0x22c: {  	[tilespmem:s7+$0xFFFFFF60] =	vst v20;
	v14 =	vunpack.i.l.bf16.f32 v12;
	v12 =	vunpack.i.u.bf16.f32 v12;
	(erf) = vpow2.f32 v10  }
0x22d: {  	v11 =	vmul.f32 v11, v14;
	v10 =	vmul.f32 v13, v12;
	v12 =	vld [tilespmem:s14+$0xFFFFFF80]  }
0x22e: {  	v22 =	vperm.xlane v20, v4;
	v24 =	vperm.xlane v20, v6  }
0x22f: {  	v17 =	vperm.xlane v20, v2;
	v63 =	vperm.xlane v20, v5;
	[tilespmem:s7+$0xFFFFFF70] =	vst v11  }
0x230: {  	v51 =	vperm.xlane v20, v8;
	v55 =	vperm.xlane v20, v7;
	[tilespmem:s7+$0xFFFFFF80] =	vst v10  }
0x231: {  	s26 =	simm.s32 $0x16590;
	v60 =	vperm.xlane v20, v9;
	v13 =	vperm.xlane v20, v3;
	v23 =	vpop (erf);
	v10 =	vld [tilespmem:s14+$0xFFFFFFD0]  }
0x232: {  	v26 =	vld [tilespmem:s26+$0xFFFFFFF0];
	v14 =	vperm.xlane v15, v4;
	[tilespmem:s7+$0x80] =	vst v23;
	v21 =	vperm.xlane v23, v4;
	v16 =	vunpack.i.u.bf16.f32 v12  }
0x233: {  	s15 =	simm.s32 $0x16090;
	v11 =	vperm.xlane v23, v8;
	v25 =	vld [tilespmem:s14+$0x0];
	v13 =	vmul.f32 v13, v16  }
0x234: {  	v27 =	vld [tilespmem:s15+$0xFFFFFFF0];
	v28 =	vperm.xlane v23, v3;
	v50 =	vperm.xlane v23, v2;
	v12 =	vunpack.i.l.bf16.f32 v12  }
0x235: {  	v16 =	vperm.xlane v23, v6;
	v12 =	vmul.f32 v17, v12  }
0x236: {  	v29 =	vld [tilespmem:s26+$0xFFFFFFE0];
	v17 =	vperm.xlane v23, v7;
	v30 =	vunpack.i.l.bf16.f32 v10;
	v10 =	vunpack.i.u.bf16.f32 v10  }
0x237: {  	[tilespmem:s7+$0xFFFFFEF0] =	vst v13;
	v10 =	vmul.f32 v18, v10;
	v18 =	vperm.xlane v26, v1;
	v13 =	vpop (erf)  }
0x238: {  	v32 =	vld [tilespmem:s15+$0xFFFFFFE0];
	[tilespmem:s7+$0xFFFFFEE0] =	vst v12;
	v12 =	vmul.f32 v14, v30;
	v14 =	vunpack.i.u.bf16.f32 v25;
	v30 =	vperm.xlane v13, v4  }
0x239: {  	v31 =	vld [tilespmem:s14+$0xFFFFFF90];
	[tilespmem:s7+$0x110] =	vst v13;
	v26 =	vperm.xlane v13, v5;
	v28 =	vmul.f32 v28, v14;
	v18 =	vadd.f32 v18, v27  }
0x23a: {  	[tilespmem:s7+$0xFFFFFF90] =	vst v12;
	v14 =	vperm.xlane v13, v6;
	v34 =	vperm.xlane v13, v3  }
0x23b: {  	[tilespmem:s7+$0xFFFFFFA0] =	vst v10;
	v27 =	vperm.xlane v29, v1;
	v33 =	vld [tilespmem:s14+$0x40];
	v35 =	vmul.f32 $9.999999770e-03, v18  }
0x23c: {  	v10 =	vperm.xlane v13, v9;
	v12 =	vperm.xlane v13, v8;
	v29 =	vld [tilespmem:s14+$0xFFFFFFE0];
	vm12 =	vge.f32 v18, $0.0e+00  }
0x23d: {  	v36 =	vld [tilespmem:s26+$0x10];
	v40 =	vperm.xlane v13, v2;
	v27 =	vadd.f32 v27, v32;
	v18 =	vsel vm12, v18, v35  }
0x23e: {  	v38 =	vld [tilespmem:s26+$0x0];
	v37 =	vunpack.i.u.bf16.f32 v31;
	v31 =	vunpack.i.l.bf16.f32 v31;
	v18 =	vmul.f32 $1.442695020e+00, v18  }
0x23f: {  	v22 =	vmul.f32 v22, v31;
	v31 =	vld [tilespmem:s15+$0x10];
	v35 =	vmul.f32 v63, v37  }
0x240: {  	vm13 =	vge.f32 v27, $0.0e+00;
	v45 =	vmul.f32 $9.999999770e-03, v27;
	(erf) = vpow2.f32 v18  }
0x241: {  	v62 =	vunpack.i.u.bf16.f32 v33;
	v44 =	vunpack.i.l.bf16.f32 v29;
	v33 =	vunpack.i.l.bf16.f32 v33;
	[tilespmem:s7+$0xFFFFFF00] =	vst v22;
	v18 =	vld [tilespmem:s15+$0x0]  }
0x242: {  	v22 =	vunpack.i.u.bf16.f32 v29;
	[tilespmem:s7+$0xFFFFFF10] =	vst v35;
	v37 =	vmul.f32 v19, v44;
	v19 =	vperm.xlane v36, v1  }
0x243: {  	v27 =	vsel vm13, v27, v45;
	v29 =	vmul.f32 v40, v33;
	v46 =	vmul.f32 v39, v22;
	v47 =	vld [tilespmem:s14+$0xFFFFFFA0]  }
0x244: {  	v22 =	vadd.f32 v19, v31;
	v19 =	vperm.xlane v38, v1;
	v31 =	vmul.f32 v34, v62  }
0x245: {  	[tilespmem:s7+$0x90] =	vst v29;
	v29 =	vperm.xlane v15, v9;
	v15 =	vunpack.i.l.bf16.f32 v25;
	v25 =	vmul.f32 $1.442695020e+00, v27  }
0x246: {  	[tilespmem:s7+$0x10] =	vst v28;
	v27 =	vmul.f32 v50, v15;
	v49 =	vmul.f32 $9.999999770e-03, v22;
	v18 =	vadd.f32 v19, v18  }
0x247: {  	[tilespmem:s7+$0xA0] =	vst v31;
	(erf) = vpow2.f32 v25;
	vm15 =	vge.f32 v22, $0.0e+00;
	v19 =	vperm.xlane v23, v9  }
0x248: {  	v31 =	vld [tilespmem:s14+$0x50];
	v25 =	vunpack.i.l.bf16.f32 v47;
	[tilespmem:s7+$0x0] =	vst v27;
	v28 =	vunpack.i.u.bf16.f32 v47;
	v52 =	vmul.f32 $9.999999770e-03, v18  }
0x249: {  	s12 =	simm.s32 $0x18190;
	[tilespmem:s7+$0xFFFFFFB0] =	vst v37;
	v23 =	vperm.xlane v23, v5;
	v24 =	vmul.f32 v24, v25;
	v53 =	vld [tilespmem:s14+$0x10];
	vm14 =	vge.f32 v18, $0.0e+00;
	v15 =	vpop (erf)  }
0x24a: {  	s13 =	simm.s32 $0x16BB0;
	v34 =	vsel vm15, v22, v49;
	v28 =	vmul.f32 v55, v28;
	v18 =	vsel vm14, v18, v52;
	[tilespmem:s12+$0xFFFFFFF0] =	vst v15  }
0x24b: {  	[tilespmem:s7+$0xFFFFFFC0] =	vst v46;
	v58 =	vmul.f32 $1.442695020e+00, v34;
	v18 =	vmul.f32 $1.442695020e+00, v18;
	v54 =	vld [tilespmem:s13+$0xFFFFFFC0]  }
0x24c: {  	[tilespmem:s7+$0xFFFFFF20] =	vst v24;
	v27 =	vperm.xlane v15, v4;
	v25 =	vperm.xlane v15, v5  }
0x24d: {  	v35 =	vld [tilespmem:s14+$0xFFFFFFF0];
	[tilespmem:s7+$0xFFFFFF30] =	vst v28;
	(erf) = vpow2.f32 v18;
	v18 =	vperm.xlane v15, v2  }
0x24e: {  	v57 =	vld [tilespmem:s14+$0xFFFFFFB0];
	v22 =	vperm.xlane v15, v6;
	v56 =	vunpack.i.u.bf16.f32 v31;
	v24 =	vunpack.i.u.bf16.f32 v53  }
0x24f: {  	v31 =	vunpack.i.l.bf16.f32 v31;
	v37 =	vmul.f32 v26, v56;
	v23 =	vmul.f32 v23, v24  }
0x250: {  	v26 =	vperm.xlane v15, v3;
	v24 =	vmul.f32 v30, v31;
	v28 =	vunpack.i.l.bf16.f32 v54  }
0x251: {  	v31 =	vunpack.i.l.bf16.f32 v53;
	(erf) = vpow2.f32 v58;
	[tilespmem:s7+$0x30] =	vst v23;
	v28 =	vmul.f32 v18, v28;
	v18 =	vpop (erf)  }
0x252: {  	v23 =	vmul.f32 v21, v31;
	v31 =	vunpack.i.u.bf16.f32 v35;
	v30 =	vunpack.i.u.bf16.f32 v54;
	[tilespmem:s12+$0xFFFFFF60] =	vst v18  }
0x253: {  	v20 =	vunpack.i.l.bf16.f32 v57;
	[tilespmem:s7+$0xB0] =	vst v24;
	v29 =	vmul.f32 v29, v31;
	v30 =	vmul.f32 v26, v30;
	v59 =	vld [tilespmem:s13+$0xFFFFFF80]  }
0x254: {  	[tilespmem:s7+$0x20] =	vst v23;
	v26 =	vperm.xlane v18, v4;
	v21 =	vperm.xlane v18, v6  }
0x255: {  	v61 =	vperm.xlane v18, v3;
	v62 =	vperm.xlane v18, v2;
	[tilespmem:s12+$0xFFFFFF70] =	vst v28;
	v28 =	vunpack.i.l.bf16.f32 v35;
	v35 =	vld [tilespmem:s14+$0x20]  }
0x256: {  	v23 =	vunpack.i.u.bf16.f32 v57;
	[tilespmem:s12+$0xFFFFFF80] =	vst v30;
	v31 =	vmul.f32 v48, v28;
	v28 =	vmul.f32 v51, v20;
	v20 =	vpop (erf)  }
0x257: {  	v30 =	vmul.f32 v60, v23;
	v36 =	vld [tilespmem:s13+$0xFFFFFFD0];
	[tilespmem:s12+$0x80] =	vst v20;
	v23 =	vperm.xlane v20, v4  }
0x258: {  	v24 =	vperm.xlane v20, v8;
	v32 =	vperm.xlane v20, v6;
	[tilespmem:s7+$0xFFFFFF40] =	vst v28;
	v28 =	vld [tilespmem:s13+$0x0];
	v63 =	vunpack.i.u.bf16.f32 v59  }
0x259: {  	[tilespmem:s7+$0xC0] =	vst v37;
	v33 =	vperm.xlane v20, v7;
	v34 =	vunpack.i.l.bf16.f32 v59;
	v39 =	vmul.f32 v61, v63  }
0x25a: {  	s17 =	simm.s32 $0x4;
	s23 =	simm.s32 $0x165D0;
	[tilespmem:s7+$0xFFFFFF50] =	vst v30;
	v37 =	vperm.xlane v20, v3;
	v40 =	vunpack.i.u.bf16.f32 v35;
	v38 =	vmul.f32 v62, v34;
	v34 =	vld [tilespmem:s14+$0x60]  }
.LBB2_11:
0x25b: {  	v41 =	vld [tilespmem:s23+$0xFFFFFFF0];
	s17 =	sadd.s32 $0x4, s17;
	[tilespmem:s12+$0xFFFFFEF0] =	vst v39;
	s15 =	sadd.s32 $0x40, s15;
	v30 =	vunpack.i.l.bf16.f32 v35;
	v35 =	vmul.f32 v17, v40;
	v39 =	vperm.xlane v13, v7;
	v17 =	vmovc v33  }
0x25c: {  	v33 =	vld [tilespmem:s23+$0xFFFFFFE0];
	p1 =	slt.u32 s17, $0x4C;
	[tilespmem:s12+$0xFFFFFEE0] =	vst v38;
	v38 =	vunpack.i.u.bf16.f32 v36;
	v36 =	vunpack.i.l.bf16.f32 v36;
	v13 =	vpop (erf);
	v40 =	vmul.f32 v16, v30  }
0x25d: {  	v16 =	vmovc v32;
	v42 =	vld [tilespmem:s13+$0xFFFFFF90];
	v27 =	vmul.f32 v27, v36;
	v36 =	vunpack.i.u.bf16.f32 v28;
	[tilespmem:s12+$0x110] =	vst v13;
	v30 =	vperm.xlane v13, v4  }
0x25e: {  	v25 =	vmul.f32 v25, v38;
	v32 =	vperm.xlane v13, v5;
	v38 =	vld [tilespmem:s13+$0x40];
	[tilespmem:s7+$0x50] =	vst v35  }
0x25f: {  	v35 =	vld [tilespmem:s15+$0xFFFFFFE0];
	[tilespmem:s12+$0xFFFFFF90] =	vst v27;
	v27 =	vmul.f32 v37, v36;
	v36 =	vperm.xlane v13, v6  }
0x260: {  	v43 =	vperm.xlane v13, v9;
	v44 =	vunpack.i.l.bf16.f32 v34;
	v37 =	vld [tilespmem:s15+$0xFFFFFFF0];
	[tilespmem:s12+$0xFFFFFFA0] =	vst v25;
	v25 =	vperm.xlane v13, v3  }
0x261: {  	v46 =	vperm.xlane v13, v8;
	v34 =	vunpack.i.u.bf16.f32 v34;
	v33 =	vperm.xlane v33, v1;
	v45 =	vld [tilespmem:s13+$0xFFFFFFE0];
	[tilespmem:s7+$0x40] =	vst v40  }
0x262: {  	v40 =	vld [tilespmem:s23+$0x10];
	v47 =	vunpack.i.u.bf16.f32 v42;
	v42 =	vunpack.i.l.bf16.f32 v42;
	[tilespmem:s7+$0xFFFFFFD0] =	vst v31;
	v31 =	vmul.f32 v14, v44;
	v14 =	vmovc v36  }
0x263: {  	v34 =	vmul.f32 v39, v34;
	v36 =	vperm.xlane v41, v1;
	v41 =	vunpack.i.u.bf16.f32 v38;
	[tilespmem:s7+$0xFFFFFFE0] =	vst v29;
	v29 =	vld [tilespmem:s14+$0x30]  }
0x264: {  	v26 =	vmul.f32 v26, v42;
	v33 =	vadd.f32 v33, v35;
	v35 =	vperm.xlane v15, v7;
	[tilespmem:s7+$0xD0] =	vst v31  }
0x265: {  	v31 =	vadd.f32 v36, v37;
	v36 =	vperm.xlane v18, v5;
	v37 =	vperm.xlane v13, v2;
	[tilespmem:s7+$0xE0] =	vst v34  }
0x266: {  	vm0 =	vge.f32 v33, $0.0e+00;
	[tilespmem:s12+$0xFFFFFF00] =	vst v26;
	v26 =	vunpack.i.u.bf16.f32 v45;
	v34 =	vunpack.i.l.bf16.f32 v45;
	v39 =	vld [tilespmem:s14+$0x70];
	s14 =	smov.u32 s13  }
0x267: {  	v38 =	vunpack.i.l.bf16.f32 v38;
	v42 =	vmul.f32 $9.999999770e-03, v31;
	v36 =	vmul.f32 v36, v47  }
0x268: {  	vm1 =	vge.f32 v31, $0.0e+00;
	v22 =	vmul.f32 v22, v34;
	v34 =	vmul.f32 v37, v38;
	v44 =	vld [tilespmem:s15+$0x10]  }
0x269: {  	v37 =	vmul.f32 $9.999999770e-03, v33;
	v31 =	vsel vm1, v31, v42;
	[tilespmem:s12+$0xFFFFFF10] =	vst v36;
	v36 =	vunpack.i.u.bf16.f32 v29  }
0x26a: {  	v31 =	vmul.f32 $1.442695020e+00, v31;
	v38 =	vld [tilespmem:s23+$0x0];
	[tilespmem:s12+$0xFFFFFFB0] =	vst v22;
	v22 =	vunpack.i.l.bf16.f32 v29;
	v19 =	vmul.f32 v19, v36  }
0x26b: {  	v29 =	vsel vm0, v33, v37;
	v33 =	vperm.xlane v40, v1;
	v36 =	vunpack.i.u.bf16.f32 v39  }
0x26c: {  	v26 =	vmul.f32 v35, v26;
	v37 =	vld [tilespmem:s15+$0x0];
	(erf) = vpow2.f32 v31;
	[tilespmem:s7+$0x70] =	vst v19;
	v19 =	vunpack.i.l.bf16.f32 v39  }
0x26d: {  	v25 =	vmul.f32 v25, v41;
	v39 =	vmul.f32 v11, v22;
	v31 =	vadd.f32 v33, v44;
	[tilespmem:s12+$0x90] =	vst v34  }
0x26e: {  	v33 =	vmul.f32 v10, v36;
	v10 =	vmovc v43;
	v22 =	vld [tilespmem:s13+$0xFFFFFFA0];
	[tilespmem:s12+$0xFFFFFFC0] =	vst v26;
	v26 =	vmul.f32 v12, v19;
	v12 =	vmov v46  }
0x26f: {  	v35 =	vperm.xlane v15, v8;
	v11 =	vmov v24;
	v19 =	vperm.xlane v38, v1;
	v34 =	vld [tilespmem:s13+$0xFFFFFFF0];
	[tilespmem:s7+$0x60] =	vst v39  }
0x270: {  	v36 =	vperm.xlane v20, v2;
	v24 =	vmul.f32 $9.999999770e-03, v31;
	[tilespmem:s12+$0xA0] =	vst v25  }
0x271: {  	v25 =	vadd.f32 v19, v37;
	v37 =	vperm.xlane v15, v9;
	v19 =	vperm.xlane v20, v9;
	[tilespmem:s7+$0x100] =	vst v33  }
0x272: {  	v28 =	vunpack.i.l.bf16.f32 v28;
	v39 =	vmul.f32 $1.442695020e+00, v29;
	v33 =	vperm.xlane v18, v8;
	v29 =	vld [tilespmem:s13+$0x50];
	[tilespmem:s7+$0xF0] =	vst v26;
	s7 =	smov.u32 s12;
	s12 =	sadd.s32 $0x240, s12  }
0x273: {  	v28 =	vmul.f32 v36, v28;
	s13 =	sadd.s32 $0x100, s13;
	v26 =	vmul.f32 $9.999999770e-03, v25;
	v38 =	vunpack.i.u.bf16.f32 v22  }
0x274: {  	vm0 =	vge.f32 v25, $0.0e+00;
	v22 =	vunpack.i.l.bf16.f32 v22;
	(erf) = vpow2.f32 v39;
	[tilespmem:s7+$0x10] =	vst v27  }
0x275: {  	v21 =	vmul.f32 v21, v22;
	v26 =	vsel vm0, v25, v26;
	vm0 =	vge.f32 v31, $0.0e+00;
	v15 =	vpop (erf);
	[tilespmem:s7+$0x0] =	vst v28  }
0x276: {  	[tilespmem:s12+$0xFFFFFFF0] =	vst v15;
	v27 =	vperm.xlane v15, v4;
	v25 =	vperm.xlane v15, v5;
	v24 =	vsel vm0, v31, v24;
	v28 =	vld [tilespmem:s14+$0x10]  }
0x277: {  	v36 =	vperm.xlane v18, v7;
	v22 =	vperm.xlane v15, v6;
	v31 =	vld [tilespmem:s13+$0xFFFFFFC0];
	v39 =	vunpack.i.u.bf16.f32 v29  }
0x278: {  	v26 =	vmul.f32 $1.442695020e+00, v26;
	v29 =	vunpack.i.l.bf16.f32 v29;
	v40 =	vmul.f32 v32, v39  }
0x279: {  	v20 =	vperm.xlane v20, v5;
	v32 =	vmul.f32 v36, v38;
	v36 =	vunpack.i.l.bf16.f32 v34  }
0x27a: {  	v30 =	vmul.f32 v30, v29;
	(erf) = vpow2.f32 v26;
	[tilespmem:s7+$0xFFFFFF20] =	vst v21  }
0x27b: {  	v21 =	vperm.xlane v15, v2;
	v26 =	vperm.xlane v15, v3;
	[tilespmem:s7+$0xFFFFFF30] =	vst v32;
	v29 =	vunpack.i.u.bf16.f32 v28  }
0x27c: {  	v32 =	vunpack.i.u.bf16.f32 v31;
	v31 =	vunpack.i.l.bf16.f32 v31;
	v38 =	vld [tilespmem:s14+$0xFFFFFFB0];
	v20 =	vmul.f32 v20, v29  }
0x27d: {  	v28 =	vunpack.i.l.bf16.f32 v28;
	v29 =	vmul.f32 v21, v31;
	v32 =	vmul.f32 v26, v32;
	v39 =	vpop (erf)  }
0x27e: {  	v24 =	vmul.f32 $1.442695020e+00, v24;
	v26 =	vperm.xlane v39, v4;
	[tilespmem:s7+$0x30] =	vst v20  }
0x27f: {  	v23 =	vmul.f32 v23, v28;
	v21 =	vperm.xlane v39, v6;
	v20 =	vunpack.i.u.bf16.f32 v34;
	[tilespmem:s12+$0xFFFFFF60] =	vst v39  }
0x280: {  	v28 =	vld [tilespmem:s13+$0xFFFFFF80];
	[tilespmem:s12+$0xFFFFFF70] =	vst v29;
	(erf) = vpow2.f32 v24;
	v29 =	vmul.f32 v37, v20  }
0x281: {  	v31 =	vmul.f32 v35, v36;
	v24 =	vperm.xlane v18, v9;
	v18 =	vmovc v39;
	v37 =	vunpack.i.l.bf16.f32 v38;
	[tilespmem:s7+$0x20] =	vst v23  }
0x282: {  	v34 =	vperm.xlane v18, v3;
	v23 =	vunpack.i.u.bf16.f32 v38;
	v33 =	vmul.f32 v33, v37;
	v35 =	vld [tilespmem:s14+$0x20];
	[tilespmem:s7+$0xB0] =	vst v30  }
.Ltmp5:
0x283: {  	v30 =	vperm.xlane v18, v2;
	v41 =	vmul.f32 v24, v23;
	[tilespmem:s12+$0xFFFFFF80] =	vst v32;
	v20 =	vpop (erf);
	(pc) =	sbr.rel @p1 .LBB2_11-.Ltmp5, $4  }
0x284: {  	v36 =	vld [tilespmem:s13+$0xFFFFFFD0];
	[tilespmem:s12+$0x80] =	vst v20;
	v23 =	vperm.xlane v20, v4;
	v24 =	vperm.xlane v20, v8  }
0x285: {  	v32 =	vperm.xlane v20, v6;
	v37 =	vunpack.i.u.bf16.f32 v28;
	v38 =	vunpack.i.l.bf16.f32 v28;
	v28 =	vld [tilespmem:s13+$0x0];
	[tilespmem:s7+$0xFFFFFF40] =	vst v33  }
0x286: {  	v33 =	vperm.xlane v20, v7;
	v39 =	vmul.f32 v34, v37;
	[tilespmem:s7+$0xC0] =	vst v40  }
0x287: {  	s23 =	sadd.s32 $0x40, s23;
	v38 =	vmul.f32 v30, v38;
	v37 =	vperm.xlane v20, v3;
	[tilespmem:s7+$0xFFFFFF50] =	vst v41;
	v40 =	vunpack.i.u.bf16.f32 v35;
	v34 =	vld [tilespmem:s14+$0x60]  }
0x288: {  	_ = 	snop  }
0x289: {  	v30 =	vpop (erf)  }
0x28a: {  	[tilespmem:s12+$0x110] =	vst v30  }
0x28b: {  	[tilespmem:s12+$0xFFFFFEF0] =	vst v39;
	v58 =	vld [tilespmem:s13+$0x40]  }
0x28c: {  	v17 =	vmul.f32 v17, v40;
	v35 =	vunpack.i.l.bf16.f32 v35;
	[tilespmem:s7+$0xFFFFFFD0] =	vst v31  }
0x28d: {  	v57 =	vunpack.i.l.bf16.f32 v36;
	[tilespmem:s12+$0xFFFFFEE0] =	vst v38;
	v16 =	vmul.f32 v16, v35  }
0x28e: {  	v61 =	vperm.xlane v20, v2;
	v27 =	vmul.f32 v27, v57;
	[tilespmem:s7+$0x50] =	vst v17;
	v60 =	vunpack.i.u.bf16.f32 v28  }
0x28f: {  	v62 =	vld [tilespmem:s13+$0xFFFFFF90];
	v63 =	vperm.xlane v30, v2;
	v41 =	vunpack.i.l.bf16.f32 v28;
	v17 =	vmul.f32 v37, v60;
	[tilespmem:s7+$0x40] =	vst v16  }
0x290: {  	v42 =	vperm.xlane v30, v3;
	[tilespmem:s12+$0xFFFFFF90] =	vst v27;
	v27 =	vmul.f32 v61, v41;
	v43 =	vunpack.i.l.bf16.f32 v58  }
0x291: {  	[tilespmem:s12+$0x10] =	vst v17;
	v44 =	vunpack.i.u.bf16.f32 v58;
	v16 =	vmul.f32 v63, v43  }
0x292: {  	v59 =	vunpack.i.u.bf16.f32 v36;
	[tilespmem:s12+$0x0] =	vst v27;
	v45 =	vmul.f32 v42, v44  }
0x293: {  	v25 =	vmul.f32 v25, v59;
	v46 =	vld [tilespmem:s13+$0x10];
	[tilespmem:s12+$0x90] =	vst v16  }
0x294: {  	v48 =	vperm.xlane v18, v5;
	v47 =	vunpack.i.l.bf16.f32 v62;
	[tilespmem:s12+$0xA0] =	vst v45  }
0x295: {  	[tilespmem:s12+$0xFFFFFFA0] =	vst v25;
	v49 =	vunpack.i.u.bf16.f32 v62;
	v25 =	vmul.f32 v26, v47;
	v50 =	vld [tilespmem:s13+$0x50]  }
0x296: {  	v13 =	vperm.xlane v13, v7;
	[tilespmem:s7+$0xFFFFFFE0] =	vst v29;
	v51 =	vunpack.i.l.bf16.f32 v34;
	v17 =	vmul.f32 v48, v49  }
0x297: {  	v54 =	vperm.xlane v20, v5;
	v53 =	vunpack.i.u.bf16.f32 v34;
	v55 =	vld [tilespmem:s14+$0x30];
	v14 =	vmul.f32 v14, v51;
	[tilespmem:s12+$0xFFFFFF00] =	vst v25  }
0x298: {  	v52 =	vld [tilespmem:s13+$0xFFFFFFE0];
	v13 =	vmul.f32 v13, v53;
	[tilespmem:s12+$0xFFFFFF10] =	vst v17;
	v56 =	vunpack.i.u.bf16.f32 v46  }
0x299: {  	v57 =	vperm.xlane v30, v4;
	[tilespmem:s7+$0xD0] =	vst v14;
	v58 =	vld [tilespmem:s13+$0xFFFFFFA0];
	v16 =	vunpack.i.l.bf16.f32 v46;
	v17 =	vmul.f32 v54, v56  }
0x29a: {  	v59 =	vperm.xlane v30, v5;
	[tilespmem:s7+$0xE0] =	vst v13;
	v16 =	vmul.f32 v23, v16;
	v60 =	vunpack.i.l.bf16.f32 v50  }
0x29b: {  	[tilespmem:s12+$0x30] =	vst v17;
	v61 =	vunpack.i.u.bf16.f32 v50;
	v13 =	vmul.f32 v57, v60  }
0x29c: {  	v41 =	vunpack.i.l.bf16.f32 v55;
	[tilespmem:s12+$0x20] =	vst v16;
	v23 =	vmul.f32 v59, v61  }
0x29d: {  	v62 =	vunpack.i.l.bf16.f32 v52;
	v11 =	vmul.f32 v11, v41;
	v26 =	vld [tilespmem:s13+$0x20];
	[tilespmem:s12+$0xB0] =	vst v13  }
0x29e: {  	v34 =	vperm.xlane v18, v7;
	v63 =	vmul.f32 v22, v62;
	v31 =	vunpack.i.l.bf16.f32 v58;
	[tilespmem:s12+$0xC0] =	vst v23  }
0x29f: {  	[tilespmem:s7+$0x60] =	vst v11;
	v14 =	vunpack.i.u.bf16.f32 v58;
	v36 =	vmul.f32 v21, v31;
	v37 =	vld [tilespmem:s13+$0x60]  }
0x2a0: {  	v35 =	vperm.xlane v15, v7;
	v25 =	vunpack.i.u.bf16.f32 v55;
	[tilespmem:s12+$0xFFFFFFB0] =	vst v63;
	v39 =	vmul.f32 v34, v14  }
0x2a1: {  	v40 =	vld [tilespmem:s14+$0x70];
	v38 =	vunpack.i.u.bf16.f32 v52;
	v29 =	vmul.f32 v19, v25;
	[tilespmem:s12+$0xFFFFFF20] =	vst v36  }
0x2a2: {  	v21 =	vmul.f32 v35, v38;
	[tilespmem:s12+$0xFFFFFF30] =	vst v39;
	v42 =	vunpack.i.u.bf16.f32 v26  }
0x2a3: {  	v43 =	vperm.xlane v30, v6;
	[tilespmem:s7+$0x70] =	vst v29;
	v44 =	vld [tilespmem:s13+$0xFFFFFFB0];
	v45 =	vunpack.i.l.bf16.f32 v26;
	v13 =	vmul.f32 v33, v42  }
0x2a4: {  	v11 =	vperm.xlane v30, v7;
	[tilespmem:s12+$0xFFFFFFC0] =	vst v21;
	v21 =	vmul.f32 v32, v45;
	v46 =	vunpack.i.l.bf16.f32 v37  }
0x2a5: {  	v47 =	vld [tilespmem:s13+$0xFFFFFFF0];
	[tilespmem:s12+$0x50] =	vst v13;
	v48 =	vunpack.i.u.bf16.f32 v37;
	v16 =	vmul.f32 v43, v46  }
0x2a6: {  	v49 =	vunpack.i.u.bf16.f32 v40;
	[tilespmem:s12+$0x40] =	vst v21;
	v11 =	vmul.f32 v11, v48  }
0x2a7: {  	v51 =	vperm.xlane v18, v8;
	v10 =	vmul.f32 v10, v49;
	v50 =	vunpack.i.l.bf16.f32 v40;
	v52 =	vld [tilespmem:s13+$0x30];
	[tilespmem:s12+$0xD0] =	vst v16  }
0x2a8: {  	v54 =	vperm.xlane v18, v9;
	v12 =	vmul.f32 v12, v50;
	v53 =	vunpack.i.l.bf16.f32 v44;
	[tilespmem:s12+$0xE0] =	vst v11  }
0x2a9: {  	[tilespmem:s7+$0x100] =	vst v10;
	v10 =	vunpack.i.u.bf16.f32 v44;
	v13 =	vmul.f32 v51, v53;
	v11 =	vperm.xlane v15, v8;
	v55 =	vld [tilespmem:s13+$0x70]  }
0x2aa: {  	v56 =	vperm.xlane v15, v9;
	[tilespmem:s7+$0xF0] =	vst v12;
	v57 =	vunpack.i.l.bf16.f32 v47;
	v10 =	vmul.f32 v54, v10  }
0x2ab: {  	v58 =	vperm.xlane v20, v9;
	v59 =	vunpack.i.u.bf16.f32 v47;
	[tilespmem:s12+$0xFFFFFF40] =	vst v13;
	v11 =	vmul.f32 v11, v57  }
0x2ac: {  	v60 =	vmul.f32 v56, v59;
	[tilespmem:s12+$0xFFFFFF50] =	vst v10;
	v10 =	vunpack.i.u.bf16.f32 v52  }
0x2ad: {  	v61 =	vperm.xlane v30, v9;
	v10 =	vmul.f32 v58, v10;
	[tilespmem:s12+$0xFFFFFFD0] =	vst v11;
	v11 =	vunpack.i.l.bf16.f32 v52  }
0x2ae: {  	v62 =	vperm.xlane v30, v8;
	[tilespmem:s12+$0xFFFFFFE0] =	vst v60;
	v11 =	vmul.f32 v24, v11;
	v63 =	vunpack.i.u.bf16.f32 v55  }
0x2af: {  	[tilespmem:s12+$0x70] =	vst v10;
	v10 =	vunpack.i.l.bf16.f32 v55;
	v12 =	vmul.f32 v61, v63  }
0x2b0: {  	v10 =	vmul.f32 v62, v10;
	[tilespmem:s12+$0x60] =	vst v11  }
0x2b1: {  	[tilespmem:s12+$0x100] =	vst v12  }
0x2b2: {  	[tilespmem:s12+$0xF0] =	vst v10  }
0x2b3: {  	[spmem:s2] =	stream.indirect.scatter.add.f32 [tilespmem:s24], [sflag:$0x5], $0x90, s19, s31, $0xb8;
	[tilespmem:$0x1F770] =	vst v63  }
0x2b4: {  	_ =	swait.ge [sflag:s25], $0x2D00  }
0x2b5: {  	[sflag:s25] =	ssyncset.done $0x0  }
0x2b6: {  	s13 =	simm.s32 $0x6;
	[sflag:s25] =	ssyncadd.s32 $0xFFFFD300  }
0x2b7: {  	_ =	swait.ge [sflag:s13], $0x2D00  }
0x2b8: {  	[sflag:s13] =	ssyncset.done $0x0  }
0x2b9: {  	[sflag:s13] =	ssyncadd.s32 $0xFFFFD300  }
0x2ba: {  	s14 =	stileid.u32;
	[bflag:$0x0] =	sbarrier.arrive $0xFFFF  }
0x2bb: {  	s7 =	sshll.u32 s14, $0x6;
	s15 =	rddreg [dreg:$0x11]  }
0x2bc: {  	s23 =	simm.s32 $0x8;
	s7 =	sor.u32 $0x1C08, s7;
	s17 =	rddreg [dreg:$0x12]  }
0x2bd: {  	[hbm:s15], [sflag:s7] =	dma.local [spmem:s17], $0x2BF2  }
0x2be: {  	_ =	swait.ge [sflag:s23], $0x2BF2  }
0x2bf: {  	s25 =	rddreg [dreg:$0x13]  }
0x2c0: {  	s26 =	rddreg [dreg:$0x10];
	s13 =	sadd.s32 $0x1, s25  }
0x2c1: {  	p1 =	sne.s32 s13, s26  }
.Ltmp6:
0x2c2: {  	_ = 	snop;
	(pc) =	sbr.rel @p1 .LBB2_1-.Ltmp6, $3  }
0x2c3: {  	_ =	sdelay $0x1  }
0x2c4: {  	[sflag:s23] =	ssyncset.done $0x0  }
0x2c5: {  	[sflag:s23] =	ssyncadd.s32 $0xFFFFD40E  }
0x2c6: {  	_ =	sfence.sel $0x180000  }
0x2c7: {  	[bflag:$0x0] =	sbarrier.arrive $0xFFFF  }
0x2c8: {  	_ =	strace $0x90000047  }
0x2c9: {  	s0 =	stileid.u32;
	[bflag:$0x2] =	sbarrier.arrive $0xFFFF  }
0x2ca: {  	p0 =	sne.s32 s0, $0x0;
	s0 =	rddreg [dreg:$0x3]  }
0x2cb: {  	s0 =	sadd.s32 @!p0 $0x100000, s0  }
0x2cc: {  	[sflag:s0] =	ssyncadd.tile.s32 @!p0 $0x1;
	_ =	shalt  }
.Lfunc_end2:
_tile_overlayer_lowered:
.L_overlay_start_2:
0x2cd: {  	(tag) =	ssettag $0x2  }
0x2ce: {  	s0 =	rddreg [dreg:$0x0];
	s2 =	stileid.u32  }
0x2cf: {  	s1 =	rddreg [dreg:$0x1];
	p0 =	sne.s32 s2, $0x0  }
0x2d0: {  	s3 =	rddreg [dreg:$0x2];
	[bflag:$0x3] =	sbarrier.arrive $0xFFFF;
	s2 =	simm.s32 @!p0 $0x1C08  }
0x2d1: {  	[timem:s3], [sflag:s2] =	dma.local @!p0 [hbm:s0], s1  }
0x2d2: {  	s0 =	simm.s32 @!p0 $0x8  }
0x2d3: {  	_ =	swait.ge @!p0 [sflag:s0], s1  }
0x2d4: {  	s1 =	ssub.s32 @!p0 $0x0, s1;
	[sflag:s0] =	ssyncset.done @!p0 $0x0  }
0x2d5: {  	[sflag:s0] =	ssyncadd.s32 @!p0 s1  }
0x2d6: {  	[bflag:$0x3] =	sbarrier.arrive $0xFFFF  }
0x2d7: {  	_ =	shalt  }

</sc_bundles>
